<compile_context>
chip_gen: v7x
topology: tpu7x:2x2x1
jax: 0.10.2.dev20260603
libtpu: 0.0.44.dev20260713+nightly
codegen_flags: <defaults>
</compile_context>

<pallas_src>
import functools

import jax
import jax.numpy as jnp
from jax import lax
from jax.experimental import pallas as pl
from jax.experimental.pallas import tpu as pltpu
from jax.experimental.pallas import tpu_sc as plsc

N = 10000
NP = 10112
D = 128
E = 320000
NC = 2
NS = 16
NW = NC * NS
C = 80
EPW = E // NW
DCH = EPW // C
EPT = E // NS
NCH = EPT // C
RPT = NP // NS
HR = NP // 2
APT = (HR + 64) // NS

_mesh = plsc.VectorSubcoreMesh(
    core_axis_name="c", subcore_axis_name="s", num_cores=NC, num_subcores=NS
)


@functools.partial(
    pl.kernel,
    out_type=(
        jax.ShapeDtypeStruct((NP, 16), jnp.float32),
        jax.ShapeDtypeStruct((NP, 16), jnp.float32),
    ),
    mesh=_mesh,
    scratch_types=[
        pltpu.VMEM((DCH, C), jnp.int32),
        pltpu.VMEM((C, 16), jnp.float32),
        pltpu.VMEM_SHARED((NP, 16), jnp.float32),
    ],
)
def _deg_kernel(dst3_hbm, ones_hbm, out0_hbm, out1_hbm, dst_v, ones_v, acc):
    cid = lax.axis_index("c")
    sid = lax.axis_index("s")
    wid = sid * NC + cid
    row = pl.ds(sid * RPT, RPT)
    pltpu.sync_copy(ones_hbm, acc.at[row])
    pltpu.sync_copy(ones_hbm.at[pl.ds(0, C)], ones_v)
    pltpu.sync_copy(dst3_hbm.at[wid], dst_v)
    plsc.subcore_barrier()

    def body(i, carry):
        pltpu.sync_copy(ones_v, acc.at[dst_v.at[i]], add=True)
        return carry

    lax.fori_loop(0, DCH, body, 0)
    plsc.subcore_barrier()

    @pl.when(cid == 0)
    def _():
        pltpu.sync_copy(acc.at[row], out0_hbm.at[row])

    @pl.when(cid == 1)
    def _():
        pltpu.sync_copy(acc.at[row], out1_hbm.at[row])


@functools.partial(
    pl.kernel,
    out_type=jax.ShapeDtypeStruct((NP, D), jnp.float32),
    mesh=_mesh,
    scratch_types=[
        pltpu.VMEM((NCH, C), jnp.int32),
        pltpu.VMEM((NCH, C), jnp.int32),
        pltpu.VMEM((2, C, D), jnp.float32),
        pltpu.VMEM_SHARED((HR + 64, D), jnp.float32),
        pltpu.SemaphoreType.DMA,
        pltpu.SemaphoreType.DMA,
    ],
)
def _agg_kernel(hs_hbm, src3_hbm, dstl_hbm, zeros_hbm, out_hbm,
                src_v, dst_v, rows, acc, g0, g1):
    cid = lax.axis_index("c")
    sid = lax.axis_index("s")
    arow = pl.ds(sid * APT, APT)
    pltpu.sync_copy(zeros_hbm.at[pl.ds(0, APT)], acc.at[arow])
    pltpu.sync_copy(src3_hbm.at[sid], src_v)
    pltpu.sync_copy(dstl_hbm.at[cid, sid], dst_v)
    plsc.subcore_barrier()

    pltpu.async_copy(hs_hbm.at[src_v.at[0]], rows.at[0], g0)

    def pair(p, carry):
        c0 = 2 * p
        c1 = c0 + 1
        c2 = c0 + 2
        pltpu.async_copy(hs_hbm.at[src_v.at[c1]], rows.at[1], g1)
        pltpu.make_async_copy(
            hs_hbm.at[src_v.at[c0]], rows.at[0], g0).wait()
        pltpu.sync_copy(rows.at[0], acc.at[dst_v.at[c0]], add=True)
        pltpu.async_copy(hs_hbm.at[src_v.at[c2]], rows.at[0], g0)
        pltpu.make_async_copy(
            hs_hbm.at[src_v.at[c1]], rows.at[1], g1).wait()
        pltpu.sync_copy(rows.at[1], acc.at[dst_v.at[c1]], add=True)
        return carry

    lax.fori_loop(0, (NCH - 2) // 2, pair, 0)
    pltpu.async_copy(hs_hbm.at[src_v.at[NCH - 1]], rows.at[1], g1)
    pltpu.make_async_copy(
        hs_hbm.at[src_v.at[NCH - 2]], rows.at[0], g0).wait()
    pltpu.sync_copy(rows.at[0], acc.at[dst_v.at[NCH - 2]], add=True)
    pltpu.make_async_copy(
        hs_hbm.at[src_v.at[NCH - 1]], rows.at[1], g1).wait()
    pltpu.sync_copy(rows.at[1], acc.at[dst_v.at[NCH - 1]], add=True)
    plsc.subcore_barrier()

    @pl.when(sid < HR // 632)
    def _():
        wrow = pl.ds(sid * 632, 632)
        orow = pl.ds(cid * HR + sid * 632, 632)
        pltpu.sync_copy(acc.at[wrow], out_hbm.at[orow])


RB = 1264
GRID = NP // RB


def _dis(d0_ref, d1_ref):
    deg = d0_ref[:, 0:1] + d1_ref[:, 0:1] - 1.0
    return lax.rsqrt(deg)


def _pre_body(x_ref, w_ref, d0_ref, d1_ref, o_ref):
    dis = _dis(d0_ref, d1_ref)
    h = jnp.dot(x_ref[...], w_ref[...], preferred_element_type=jnp.float32)
    o_ref[...] = h * dis


def _mid_body(a_ref, hs_ref, b_ref, w_ref, d0_ref, d1_ref, o_ref):
    dis = _dis(d0_ref, d1_ref)
    act = dis * (a_ref[...] + hs_ref[...]) + b_ref[...]
    act = jnp.maximum(act, 0.0)
    h = jnp.dot(act, w_ref[...], preferred_element_type=jnp.float32)
    o_ref[...] = h * dis


def _post_body(a_ref, hs_ref, b_ref, d0_ref, d1_ref, o_ref):
    dis = _dis(d0_ref, d1_ref)
    act = dis * (a_ref[...] + hs_ref[...]) + b_ref[...]
    o_ref[...] = jnp.maximum(act, 0.0)


_ROWS = pl.BlockSpec((RB, D), lambda i: (i, 0))
_WMAT = pl.BlockSpec((D, D), lambda i: (0, 0))
_BIAS = pl.BlockSpec((1, D), lambda i: (0, 0))
_DEG = pl.BlockSpec((RB, 16), lambda i: (i, 0))
_OUT = jax.ShapeDtypeStruct((NP, D), jnp.float32)


def _pre(x, w, d0, d1):
    return pl.pallas_call(
        _pre_body, grid=(GRID,),
        in_specs=[_ROWS, _WMAT, _DEG, _DEG],
        out_specs=_ROWS, out_shape=_OUT,
    )(x, w, d0, d1)


def _mid(a, hs, b, w, d0, d1):
    return pl.pallas_call(
        _mid_body, grid=(GRID,),
        in_specs=[_ROWS, _ROWS, _BIAS, _WMAT, _DEG, _DEG],
        out_specs=_ROWS, out_shape=_OUT,
    )(a, hs, b, w, d0, d1)


def _post(a, hs, b, d0, d1):
    return pl.pallas_call(
        _post_body, grid=(GRID,),
        in_specs=[_ROWS, _ROWS, _BIAS, _DEG, _DEG],
        out_specs=_ROWS, out_shape=_OUT,
    )(a, hs, b, d0, d1)


def kernel(x, edge_index, W1, b1, W2, b2, W3, b3):
    ei = edge_index.astype(jnp.int32)
    src, dst = ei[0], ei[1]
    dstd = dst.reshape(NW, DCH, C)
    srca = src.reshape(NS, NCH, C)
    dl0 = jnp.where(dst < HR, dst, HR).reshape(NS, NCH, C)
    dl1 = jnp.where(dst >= HR, dst - HR, HR).reshape(NS, NCH, C)
    dstl = jnp.stack([dl0, dl1])
    ones16 = jnp.ones((RPT, 16), jnp.float32)
    zrows = jnp.zeros((RPT, D), jnp.float32)
    b1r = b1.reshape(1, D)
    b2r = b2.reshape(1, D)
    b3r = b3.reshape(1, D)
    xp = jnp.zeros((NP, D), jnp.float32).at[:N].set(x)

    d0, d1 = _deg_kernel(dstd, ones16)
    hs = _pre(xp, W1, d0, d1)
    a = _agg_kernel(hs, srca, dstl, zrows)
    hs = _mid(a, hs, b1r, W2, d0, d1)
    a = _agg_kernel(hs, srca, dstl, zrows)
    hs = _mid(a, hs, b2r, W3, d0, d1)
    a = _agg_kernel(hs, srca, dstl, zrows)
    return _post(a, hs, b3r, d0, d1)[:N]

# --- scband reference (transcript-rebuilt; emitter-appended) ---
"""Pipeline reference for scband-gnn-6442450944201 (READ-ONLY COPY).

The authoritative reference and input builder live on the scoring server;
editing this copy changes nothing except your own understanding.
"""

import jax, jax.numpy as jnp
import numpy as np

N_NODES = 10000
D_IN = 128
D_HID = 128
D_OUT = 128
N_EDGES = 320000


def _gcn_conv(x, edge_index, W, b):
    num_nodes = x.shape[0]
    src = edge_index[0]
    dst = edge_index[1]
    # add self loops (GCNConv default)
    loop = jnp.arange(num_nodes, dtype=edge_index.dtype)
    src = jnp.concatenate([src, loop])
    dst = jnp.concatenate([dst, loop])
    # symmetric normalization D^{-1/2} A_hat D^{-1/2}
    deg = jnp.zeros((num_nodes,), dtype=x.dtype).at[dst].add(1.0)
    deg_inv_sqrt = jnp.where(deg > 0, 1.0 / jnp.sqrt(deg), 0.0)
    norm = deg_inv_sqrt[src] * deg_inv_sqrt[dst]
    # linear transform then gather-scatter aggregation
    h = x @ W
    msg = h[src] * norm[:, None]
    out = jnp.zeros((num_nodes, W.shape[1]), dtype=x.dtype).at[dst].add(msg)
    return out + b


def setup_inputs(seed: int = 0) -> dict:
    key = jax.random.key(seed)
    k_x, k_e, k1, k2, k3 = jax.random.split(key, 5)
    x = jax.random.normal(k_x, (N_NODES, D_IN), dtype=jnp.float32)
    edge_index = jax.random.randint(k_e, (2, N_EDGES), 0, N_NODES, dtype=jnp.int64)
    # glorot-style init for GCN weights
    def glorot(k, fan_in, fan_out):
        s = np.sqrt(6.0 / (fan_in + fan_out))
        return jax.random.uniform(k, (fan_in, fan_out), dtype=jnp.float32, minval=-s, maxval=s)
    W1 = glorot(k1, D_IN, D_HID)
    b1 = jnp.zeros((D_HID,), dtype=jnp.float32)
    W2 = glorot(k2, D_HID, D_HID)
    b2 = jnp.zeros((D_HID,), dtype=jnp.float32)
    W3 = glorot(k3, D_HID, D_OUT)
    b3 = jnp.zeros((D_OUT,), dtype=jnp.float32)
    return {"x": x, "edge_index": edge_index, "W1": W1, "b1": b1, "W2": W2, "b2": b2, "W3": W3, "b3": b3}


def reference(x, edge_index, W1, b1, W2, b2, W3, b3):
    h = _gcn_conv(x, edge_index, W1, b1)
    h = jax.nn.relu(h)
    h = _gcn_conv(h, edge_index, W2, b2)
    h = jax.nn.relu(h)
    h = _gcn_conv(h, edge_index, W3, b3)
    h = jax.nn.relu(h)
    return h

if __name__ == "__main__":
    import jax
    _d = setup_inputs()
    print(jax.jit(kernel)(*tuple(_d.values())))

</pallas_src>

<mosaic_0001>
#map = affine_map<(d0, d1) -> (0, 0)>
#map1 = affine_map<(d0, d1) -> (0, 0, 0)>
#map2 = affine_map<(d0, d1) -> (0, 0, 0, 0)>
module attributes {stable_mosaic.version = 14 : i64} {
  func.func @_agg_kernel(%arg0: i32, %arg1: i32, %arg2: memref<10112x128xf32, #tpu.memory_space<hbm>>, %arg3: memref<16x250x80xi32, #tpu.memory_space<hbm>>, %arg4: memref<2x16x250x80xi32, #tpu.memory_space<hbm>>, %arg5: memref<632x128xf32, #tpu.memory_space<hbm>>, %arg6: memref<10112x128xf32, #tpu.memory_space<hbm>>, %arg7: memref<250x80xi32, #tpu.memory_space<vmem>>, %arg8: memref<250x80xi32, #tpu.memory_space<vmem>>, %arg9: memref<2x80x128xf32, #tpu.memory_space<vmem>>, %arg10: memref<5120x128xf32, #tpu.memory_space<vmem_shared>>, %arg11: memref<!tpu.dma_semaphore, #tpu.memory_space<semaphore_mem>>, %arg12: memref<!tpu.dma_semaphore, #tpu.memory_space<semaphore_mem>>) attributes {dimension_semantics = [#tpu.dimension_semantics<core_parallel>, #tpu.dimension_semantics<subcore_parallel>], iteration_bounds = array<i64: 2, 16>, scalar_prefetch = 0 : i64, scratch_operands = 6 : i64, tpu.core_type = #tpu.core_type<sc_vector_subcore>, window_params = [{transform_indices = #map}, {transform_indices = #map1}, {transform_indices = #map2}, {transform_indices = #map}, {transform_indices = #map}]} {
    %mul3A = arith.constant 320 : i32
    %mul3A_0 = arith.muli %arg1, %mul3A : i32
    "tpu.region"() ({
      %run_scoped3A_58 = tpu.sem_alloc : memref<!tpu.dma_semaphore, #tpu.memory_space<semaphore_mem>>
      %dma_start3A_59 = arith.constant 0 : i32
      %dma_start3A_60 = tpu.memref_slice %arg10[%mul3A_0, %dma_start3A_59] : memref<5120x128xf32, #tpu.memory_space<vmem_shared>> -> memref<320x128xf32, #tpu.memory_space<vmem_shared>>
      %dma_start3A_61 = arith.constant 0 : i32
      %dma_start3A_62 = arith.constant 0 : i32
      %dma_start3A_63 = tpu.memref_slice %arg5[%dma_start3A_61, %dma_start3A_62] : memref<632x128xf32, #tpu.memory_space<hbm>> -> memref<320x128xf32, #tpu.memory_space<hbm>>
      tpu.enqueue_dma source(%dma_start3A_63 : memref<320x128xf32, #tpu.memory_space<hbm>>) target(%dma_start3A_60 : memref<320x128xf32, #tpu.memory_space<vmem_shared>>) target_semaphore(%run_scoped3A_58 : memref<!tpu.dma_semaphore, #tpu.memory_space<semaphore_mem>>)
      %dma_wait3A_64 = arith.constant 0 : i32
      %dma_wait3A_65 = tpu.memref_slice %arg10[%mul3A_0, %dma_wait3A_64] : memref<5120x128xf32, #tpu.memory_space<vmem_shared>> -> memref<320x128xf32, #tpu.memory_space<vmem_shared>>
      %dma_wait3A_66 = arith.constant 0 : i32
      %dma_wait3A_67 = arith.constant 0 : i32
      %dma_wait3A_68 = tpu.memref_slice %arg5[%dma_wait3A_66, %dma_wait3A_67] : memref<632x128xf32, #tpu.memory_space<hbm>> -> memref<320x128xf32, #tpu.memory_space<hbm>>
      tpu.wait_dma2 semaphore(%run_scoped3A_58 : memref<!tpu.dma_semaphore, #tpu.memory_space<semaphore_mem>>) src(%dma_wait3A_68 : memref<320x128xf32, #tpu.memory_space<hbm>>) dst(%dma_wait3A_65 : memref<320x128xf32, #tpu.memory_space<vmem_shared>>)
      tpu.yield
    }) : () -> ()
    "tpu.region"() ({
      %run_scoped3A_58 = tpu.sem_alloc : memref<!tpu.dma_semaphore, #tpu.memory_space<semaphore_mem>>
      %dma_start3A_59 = arith.constant 0 : i32
      %dma_start3A_60 = arith.constant 0 : i32
      %dma_start3A_61 = tpu.memref_slice %arg3[%arg1, %dma_start3A_59, %dma_start3A_60] : memref<16x250x80xi32, #tpu.memory_space<hbm>> -> memref<1x250x80xi32, #tpu.memory_space<hbm>>
      %dma_start3A_62 = tpu.memref_squeeze %dma_start3A_61 : memref<1x250x80xi32, #tpu.memory_space<hbm>> -> memref<250x80xi32, #tpu.memory_space<hbm>>
      %dma_start3A_63 = arith.constant 0 : i32
      %dma_start3A_64 = arith.constant 0 : i32
      %dma_start3A_65 = tpu.memref_slice %arg3[%arg1, %dma_start3A_63, %dma_start3A_64] : memref<16x250x80xi32, #tpu.memory_space<hbm>> -> memref<1x250x80xi32, #tpu.memory_space<hbm>>
      %dma_start3A_66 = tpu.memref_squeeze %dma_start3A_65 : memref<1x250x80xi32, #tpu.memory_space<hbm>> -> memref<250x80xi32, #tpu.memory_space<hbm>>
      tpu.enqueue_dma source(%dma_start3A_66 : memref<250x80xi32, #tpu.memory_space<hbm>>) target(%arg7 : memref<250x80xi32, #tpu.memory_space<vmem>>) target_semaphore(%run_scoped3A_58 : memref<!tpu.dma_semaphore, #tpu.memory_space<semaphore_mem>>)
      %dma_wait3A_67 = arith.constant 0 : i32
      %dma_wait3A_68 = arith.constant 0 : i32
      %dma_wait3A_69 = tpu.memref_slice %arg3[%arg1, %dma_wait3A_67, %dma_wait3A_68] : memref<16x250x80xi32, #tpu.memory_space<hbm>> -> memref<1x250x80xi32, #tpu.memory_space<hbm>>
      %dma_wait3A_70 = tpu.memref_squeeze %dma_wait3A_69 : memref<1x250x80xi32, #tpu.memory_space<hbm>> -> memref<250x80xi32, #tpu.memory_space<hbm>>
      %dma_wait3A_71 = arith.constant 0 : i32
      %dma_wait3A_72 = arith.constant 0 : i32
      %dma_wait3A_73 = tpu.memref_slice %arg3[%arg1, %dma_wait3A_71, %dma_wait3A_72] : memref<16x250x80xi32, #tpu.memory_space<hbm>> -> memref<1x250x80xi32, #tpu.memory_space<hbm>>
      %dma_wait3A_74 = tpu.memref_squeeze %dma_wait3A_73 : memref<1x250x80xi32, #tpu.memory_space<hbm>> -> memref<250x80xi32, #tpu.memory_space<hbm>>
      tpu.wait_dma2 semaphore(%run_scoped3A_58 : memref<!tpu.dma_semaphore, #tpu.memory_space<semaphore_mem>>) src(%dma_wait3A_74 : memref<250x80xi32, #tpu.memory_space<hbm>>) dst(%arg7 : memref<250x80xi32, #tpu.memory_space<vmem>>)
      tpu.yield
    }) : () -> ()
    "tpu.region"() ({
      %run_scoped3A_58 = tpu.sem_alloc : memref<!tpu.dma_semaphore, #tpu.memory_space<semaphore_mem>>
      %dma_start3A_59 = arith.constant 0 : i32
      %dma_start3A_60 = arith.constant 0 : i32
      %dma_start3A_61 = tpu.memref_slice %arg4[%arg0, %arg1, %dma_start3A_59, %dma_start3A_60] : memref<2x16x250x80xi32, #tpu.memory_space<hbm>> -> memref<1x1x250x80xi32, #tpu.memory_space<hbm>>
      %dma_start3A_62 = tpu.memref_squeeze %dma_start3A_61 : memref<1x1x250x80xi32, #tpu.memory_space<hbm>> -> memref<250x80xi32, #tpu.memory_space<hbm>>
      %dma_start3A_63 = arith.constant 0 : i32
      %dma_start3A_64 = arith.constant 0 : i32
      %dma_start3A_65 = tpu.memref_slice %arg4[%arg0, %arg1, %dma_start3A_63, %dma_start3A_64] : memref<2x16x250x80xi32, #tpu.memory_space<hbm>> -> memref<1x1x250x80xi32, #tpu.memory_space<hbm>>
      %dma_start3A_66 = tpu.memref_squeeze %dma_start3A_65 : memref<1x1x250x80xi32, #tpu.memory_space<hbm>> -> memref<250x80xi32, #tpu.memory_space<hbm>>
      tpu.enqueue_dma source(%dma_start3A_66 : memref<250x80xi32, #tpu.memory_space<hbm>>) target(%arg8 : memref<250x80xi32, #tpu.memory_space<vmem>>) target_semaphore(%run_scoped3A_58 : memref<!tpu.dma_semaphore, #tpu.memory_space<semaphore_mem>>)
      %dma_wait3A_67 = arith.constant 0 : i32
      %dma_wait3A_68 = arith.constant 0 : i32
      %dma_wait3A_69 = tpu.memref_slice %arg4[%arg0, %arg1, %dma_wait3A_67, %dma_wait3A_68] : memref<2x16x250x80xi32, #tpu.memory_space<hbm>> -> memref<1x1x250x80xi32, #tpu.memory_space<hbm>>
      %dma_wait3A_70 = tpu.memref_squeeze %dma_wait3A_69 : memref<1x1x250x80xi32, #tpu.memory_space<hbm>> -> memref<250x80xi32, #tpu.memory_space<hbm>>
      %dma_wait3A_71 = arith.constant 0 : i32
      %dma_wait3A_72 = arith.constant 0 : i32
      %dma_wait3A_73 = tpu.memref_slice %arg4[%arg0, %arg1, %dma_wait3A_71, %dma_wait3A_72] : memref<2x16x250x80xi32, #tpu.memory_space<hbm>> -> memref<1x1x250x80xi32, #tpu.memory_space<hbm>>
      %dma_wait3A_74 = tpu.memref_squeeze %dma_wait3A_73 : memref<1x1x250x80xi32, #tpu.memory_space<hbm>> -> memref<250x80xi32, #tpu.memory_space<hbm>>
      tpu.wait_dma2 semaphore(%run_scoped3A_58 : memref<!tpu.dma_semaphore, #tpu.memory_space<semaphore_mem>>) src(%dma_wait3A_74 : memref<250x80xi32, #tpu.memory_space<hbm>>) dst(%arg8 : memref<250x80xi32, #tpu.memory_space<vmem>>)
      tpu.yield
    }) : () -> ()
    %barrier3A = arith.constant 0 : index
    tpu.barrier barrier_id(%barrier3A)
    %dma_start3A = arith.constant 0 : i32
    %dma_start3A_1 = arith.constant 0 : i32
    %dma_start3A_2 = arith.constant 0 : i32
    %dma_start3A_3 = arith.constant 0 : i32
    %dma_start3A_4 = tpu.memref_slice %arg9[%dma_start3A_1, %dma_start3A_2, %dma_start3A_3] : memref<2x80x128xf32, #tpu.memory_space<vmem>> -> memref<1x80x128xf32, #tpu.memory_space<vmem>>
    %dma_start3A_5 = tpu.memref_squeeze %dma_start3A_4 : memref<1x80x128xf32, #tpu.memory_space<vmem>> -> memref<80x128xf32, #tpu.memory_space<vmem>>
    %dma_start3A_6 = arith.constant 0 : i32
    %dma_start3A_7 = tpu.memref_slice %arg7[%dma_start3A, %dma_start3A_6] : memref<250x80xi32, #tpu.memory_space<vmem>> -> memref<1x80xi32, #tpu.memory_space<vmem>>
    %dma_start3A_8 = tpu.memref_squeeze %dma_start3A_7 : memref<1x80xi32, #tpu.memory_space<vmem>> -> memref<80xi32, #tpu.memory_space<vmem>>
    %dma_start3A_9 = arith.constant 0 : i32
    %dma_start3A_10 = arith.constant 0 : i32
    %dma_start3A_11 = tpu.memref_slice %arg2[%dma_start3A_9, %dma_start3A_10] : memref<10112x128xf32, #tpu.memory_space<hbm>> -> memref<10112x128xf32, #tpu.memory_space<hbm>>
    tpu.enqueue_indirect_dma source(%dma_start3A_11 : memref<10112x128xf32, #tpu.memory_space<hbm>>) target(%dma_start3A_5 : memref<80x128xf32, #tpu.memory_space<vmem>>) offsets(%dma_start3A_8 : memref<80xi32, #tpu.memory_space<vmem>>) semaphore(%arg11 : memref<!tpu.dma_semaphore, #tpu.memory_space<semaphore_mem>>)
    %scan3A = arith.constant 0 : i32
    %scan3A_12 = arith.constant 0 : i32
    %scan3A_13 = arith.constant 124 : i32
    %scan3A_14 = arith.addi %scan3A_12, %scan3A_13 : i32
    %scan3A_15 = arith.constant 1 : i32
    scf.for %scan3A_58 = %scan3A_12 to %scan3A_14 step %scan3A_15  : i32 {
      %mul3A_59 = arith.constant 2 : i32
      %mul3A_60 = arith.muli %mul3A_59, %scan3A_58 : i32
      %add3A = arith.constant 1 : i32
      %add3A_61 = arith.addi %mul3A_60, %add3A : i32
      %add3A_62 = arith.constant 2 : i32
      %add3A_63 = arith.addi %mul3A_60, %add3A_62 : i32
      %dma_start3A_64 = arith.constant 1 : i32
      %dma_start3A_65 = arith.constant 0 : i32
      %dma_start3A_66 = arith.constant 0 : i32
      %dma_start3A_67 = tpu.memref_slice %arg9[%dma_start3A_64, %dma_start3A_65, %dma_start3A_66] : memref<2x80x128xf32, #tpu.memory_space<vmem>> -> memref<1x80x128xf32, #tpu.memory_space<vmem>>
      %dma_start3A_68 = tpu.memref_squeeze %dma_start3A_67 : memref<1x80x128xf32, #tpu.memory_space<vmem>> -> memref<80x128xf32, #tpu.memory_space<vmem>>
      %dma_start3A_69 = arith.constant 0 : i32
      %dma_start3A_70 = tpu.memref_slice %arg7[%add3A_61, %dma_start3A_69] : memref<250x80xi32, #tpu.memory_space<vmem>> -> memref<1x80xi32, #tpu.memory_space<vmem>>
      %dma_start3A_71 = tpu.memref_squeeze %dma_start3A_70 : memref<1x80xi32, #tpu.memory_space<vmem>> -> memref<80xi32, #tpu.memory_space<vmem>>
      %dma_start3A_72 = arith.constant 0 : i32
      %dma_start3A_73 = arith.constant 0 : i32
      %dma_start3A_74 = tpu.memref_slice %arg2[%dma_start3A_72, %dma_start3A_73] : memref<10112x128xf32, #tpu.memory_space<hbm>> -> memref<10112x128xf32, #tpu.memory_space<hbm>>
      tpu.enqueue_indirect_dma source(%dma_start3A_74 : memref<10112x128xf32, #tpu.memory_space<hbm>>) target(%dma_start3A_68 : memref<80x128xf32, #tpu.memory_space<vmem>>) offsets(%dma_start3A_71 : memref<80xi32, #tpu.memory_space<vmem>>) semaphore(%arg12 : memref<!tpu.dma_semaphore, #tpu.memory_space<semaphore_mem>>)
      %dma_wait3A_75 = arith.constant 0 : i32
      %dma_wait3A_76 = arith.constant 0 : i32
      %dma_wait3A_77 = arith.constant 0 : i32
      %dma_wait3A_78 = tpu.memref_slice %arg9[%dma_wait3A_75, %dma_wait3A_76, %dma_wait3A_77] : memref<2x80x128xf32, #tpu.memory_space<vmem>> -> memref<1x80x128xf32, #tpu.memory_space<vmem>>
      %dma_wait3A_79 = tpu.memref_squeeze %dma_wait3A_78 : memref<1x80x128xf32, #tpu.memory_space<vmem>> -> memref<80x128xf32, #tpu.memory_space<vmem>>
      %dma_wait3A_80 = arith.constant 0 : i32
      %dma_wait3A_81 = tpu.memref_slice %arg7[%mul3A_60, %dma_wait3A_80] : memref<250x80xi32, #tpu.memory_space<vmem>> -> memref<1x80xi32, #tpu.memory_space<vmem>>
      %dma_wait3A_82 = tpu.memref_squeeze %dma_wait3A_81 : memref<1x80xi32, #tpu.memory_space<vmem>> -> memref<80xi32, #tpu.memory_space<vmem>>
      %dma_wait3A_83 = arith.constant 0 : i32
      %dma_wait3A_84 = arith.constant 0 : i32
      %dma_wait3A_85 = tpu.memref_slice %arg2[%dma_wait3A_83, %dma_wait3A_84] : memref<10112x128xf32, #tpu.memory_space<hbm>> -> memref<10112x128xf32, #tpu.memory_space<hbm>>
      tpu.wait_indirect_dma semaphore(%arg11 : memref<!tpu.dma_semaphore, #tpu.memory_space<semaphore_mem>>) src(%dma_wait3A_85 : memref<10112x128xf32, #tpu.memory_space<hbm>>) dst(%dma_wait3A_79 : memref<80x128xf32, #tpu.memory_space<vmem>>)
      %run_scoped3A_86 = arith.constant 0 : i32
      "tpu.region"() ({
        %run_scoped3A_110 = tpu.sem_alloc : memref<!tpu.dma_semaphore, #tpu.memory_space<semaphore_mem>>
        %dma_start3A_111 = arith.constant 0 : i32
        %dma_start3A_112 = arith.constant 0 : i32
        %dma_start3A_113 = tpu.memref_slice %arg9[%run_scoped3A_86, %dma_start3A_111, %dma_start3A_112] : memref<2x80x128xf32, #tpu.memory_space<vmem>> -> memref<1x80x128xf32, #tpu.memory_space<vmem>>
        %dma_start3A_114 = tpu.memref_squeeze %dma_start3A_113 : memref<1x80x128xf32, #tpu.memory_space<vmem>> -> memref<80x128xf32, #tpu.memory_space<vmem>>
        %dma_start3A_115 = arith.constant 0 : i32
        %dma_start3A_116 = tpu.memref_slice %arg8[%mul3A_60, %dma_start3A_115] : memref<250x80xi32, #tpu.memory_space<vmem>> -> memref<1x80xi32, #tpu.memory_space<vmem>>
        %dma_start3A_117 = tpu.memref_squeeze %dma_start3A_116 : memref<1x80xi32, #tpu.memory_space<vmem>> -> memref<80xi32, #tpu.memory_space<vmem>>
        %dma_start3A_118 = arith.constant 0 : i32
        %dma_start3A_119 = arith.constant 0 : i32
        %dma_start3A_120 = tpu.memref_slice %arg10[%dma_start3A_118, %dma_start3A_119] : memref<5120x128xf32, #tpu.memory_space<vmem_shared>> -> memref<5120x128xf32, #tpu.memory_space<vmem_shared>>
        tpu.enqueue_indirect_dma source(%dma_start3A_114 : memref<80x128xf32, #tpu.memory_space<vmem>>) target(%dma_start3A_120 : memref<5120x128xf32, #tpu.memory_space<vmem_shared>>) offsets(%dma_start3A_117 : memref<80xi32, #tpu.memory_space<vmem>>) semaphore(%run_scoped3A_110 : memref<!tpu.dma_semaphore, #tpu.memory_space<semaphore_mem>>) {add = true}
        %dma_wait3A_121 = arith.constant 0 : i32
        %dma_wait3A_122 = arith.constant 0 : i32
        %dma_wait3A_123 = tpu.memref_slice %arg9[%run_scoped3A_86, %dma_wait3A_121, %dma_wait3A_122] : memref<2x80x128xf32, #tpu.memory_space<vmem>> -> memref<1x80x128xf32, #tpu.memory_space<vmem>>
        %dma_wait3A_124 = tpu.memref_squeeze %dma_wait3A_123 : memref<1x80x128xf32, #tpu.memory_space<vmem>> -> memref<80x128xf32, #tpu.memory_space<vmem>>
        %dma_wait3A_125 = arith.constant 0 : i32
        %dma_wait3A_126 = tpu.memref_slice %arg8[%mul3A_60, %dma_wait3A_125] : memref<250x80xi32, #tpu.memory_space<vmem>> -> memref<1x80xi32, #tpu.memory_space<vmem>>
        %dma_wait3A_127 = tpu.memref_squeeze %dma_wait3A_126 : memref<1x80xi32, #tpu.memory_space<vmem>> -> memref<80xi32, #tpu.memory_space<vmem>>
        %dma_wait3A_128 = arith.constant 0 : i32
        %dma_wait3A_129 = arith.constant 0 : i32
        %dma_wait3A_130 = tpu.memref_slice %arg10[%dma_wait3A_128, %dma_wait3A_129] : memref<5120x128xf32, #tpu.memory_space<vmem_shared>> -> memref<5120x128xf32, #tpu.memory_space<vmem_shared>>
        tpu.wait_indirect_dma semaphore(%run_scoped3A_110 : memref<!tpu.dma_semaphore, #tpu.memory_space<semaphore_mem>>) src(%dma_wait3A_124 : memref<80x128xf32, #tpu.memory_space<vmem>>) dst(%dma_wait3A_130 : memref<5120x128xf32, #tpu.memory_space<vmem_shared>>)
        tpu.yield
      }) : () -> ()
      %dma_start3A_87 = arith.constant 0 : i32
      %dma_start3A_88 = arith.constant 0 : i32
      %dma_start3A_89 = arith.constant 0 : i32
      %dma_start3A_90 = tpu.memref_slice %arg9[%dma_start3A_87, %dma_start3A_88, %dma_start3A_89] : memref<2x80x128xf32, #tpu.memory_space<vmem>> -> memref<1x80x128xf32, #tpu.memory_space<vmem>>
      %dma_start3A_91 = tpu.memref_squeeze %dma_start3A_90 : memref<1x80x128xf32, #tpu.memory_space<vmem>> -> memref<80x128xf32, #tpu.memory_space<vmem>>
      %dma_start3A_92 = arith.constant 0 : i32
      %dma_start3A_93 = tpu.memref_slice %arg7[%add3A_63, %dma_start3A_92] : memref<250x80xi32, #tpu.memory_space<vmem>> -> memref<1x80xi32, #tpu.memory_space<vmem>>
      %dma_start3A_94 = tpu.memref_squeeze %dma_start3A_93 : memref<1x80xi32, #tpu.memory_space<vmem>> -> memref<80xi32, #tpu.memory_space<vmem>>
      %dma_start3A_95 = arith.constant 0 : i32
      %dma_start3A_96 = arith.constant 0 : i32
      %dma_start3A_97 = tpu.memref_slice %arg2[%dma_start3A_95, %dma_start3A_96] : memref<10112x128xf32, #tpu.memory_space<hbm>> -> memref<10112x128xf32, #tpu.memory_space<hbm>>
      tpu.enqueue_indirect_dma source(%dma_start3A_97 : memref<10112x128xf32, #tpu.memory_space<hbm>>) target(%dma_start3A_91 : memref<80x128xf32, #tpu.memory_space<vmem>>) offsets(%dma_start3A_94 : memref<80xi32, #tpu.memory_space<vmem>>) semaphore(%arg11 : memref<!tpu.dma_semaphore, #tpu.memory_space<semaphore_mem>>)
      %dma_wait3A_98 = arith.constant 1 : i32
      %dma_wait3A_99 = arith.constant 0 : i32
      %dma_wait3A_100 = arith.constant 0 : i32
      %dma_wait3A_101 = tpu.memref_slice %arg9[%dma_wait3A_98, %dma_wait3A_99, %dma_wait3A_100] : memref<2x80x128xf32, #tpu.memory_space<vmem>> -> memref<1x80x128xf32, #tpu.memory_space<vmem>>
      %dma_wait3A_102 = tpu.memref_squeeze %dma_wait3A_101 : memref<1x80x128xf32, #tpu.memory_space<vmem>> -> memref<80x128xf32, #tpu.memory_space<vmem>>
      %dma_wait3A_103 = arith.constant 0 : i32
      %dma_wait3A_104 = tpu.memref_slice %arg7[%add3A_61, %dma_wait3A_103] : memref<250x80xi32, #tpu.memory_space<vmem>> -> memref<1x80xi32, #tpu.memory_space<vmem>>
      %dma_wait3A_105 = tpu.memref_squeeze %dma_wait3A_104 : memref<1x80xi32, #tpu.memory_space<vmem>> -> memref<80xi32, #tpu.memory_space<vmem>>
      %dma_wait3A_106 = arith.constant 0 : i32
      %dma_wait3A_107 = arith.constant 0 : i32
      %dma_wait3A_108 = tpu.memref_slice %arg2[%dma_wait3A_106, %dma_wait3A_107] : memref<10112x128xf32, #tpu.memory_space<hbm>> -> memref<10112x128xf32, #tpu.memory_space<hbm>>
      tpu.wait_indirect_dma semaphore(%arg12 : memref<!tpu.dma_semaphore, #tpu.memory_space<semaphore_mem>>) src(%dma_wait3A_108 : memref<10112x128xf32, #tpu.memory_space<hbm>>) dst(%dma_wait3A_102 : memref<80x128xf32, #tpu.memory_space<vmem>>)
      %run_scoped3A_109 = arith.constant 1 : i32
      "tpu.region"() ({
        %run_scoped3A_110 = tpu.sem_alloc : memref<!tpu.dma_semaphore, #tpu.memory_space<semaphore_mem>>
        %dma_start3A_111 = arith.constant 0 : i32
        %dma_start3A_112 = arith.constant 0 : i32
        %dma_start3A_113 = tpu.memref_slice %arg9[%run_scoped3A_109, %dma_start3A_111, %dma_start3A_112] : memref<2x80x128xf32, #tpu.memory_space<vmem>> -> memref<1x80x128xf32, #tpu.memory_space<vmem>>
        %dma_start3A_114 = tpu.memref_squeeze %dma_start3A_113 : memref<1x80x128xf32, #tpu.memory_space<vmem>> -> memref<80x128xf32, #tpu.memory_space<vmem>>
        %dma_start3A_115 = arith.constant 0 : i32
        %dma_start3A_116 = tpu.memref_slice %arg8[%add3A_61, %dma_start3A_115] : memref<250x80xi32, #tpu.memory_space<vmem>> -> memref<1x80xi32, #tpu.memory_space<vmem>>
        %dma_start3A_117 = tpu.memref_squeeze %dma_start3A_116 : memref<1x80xi32, #tpu.memory_space<vmem>> -> memref<80xi32, #tpu.memory_space<vmem>>
        %dma_start3A_118 = arith.constant 0 : i32
        %dma_start3A_119 = arith.constant 0 : i32
        %dma_start3A_120 = tpu.memref_slice %arg10[%dma_start3A_118, %dma_start3A_119] : memref<5120x128xf32, #tpu.memory_space<vmem_shared>> -> memref<5120x128xf32, #tpu.memory_space<vmem_shared>>
        tpu.enqueue_indirect_dma source(%dma_start3A_114 : memref<80x128xf32, #tpu.memory_space<vmem>>) target(%dma_start3A_120 : memref<5120x128xf32, #tpu.memory_space<vmem_shared>>) offsets(%dma_start3A_117 : memref<80xi32, #tpu.memory_space<vmem>>) semaphore(%run_scoped3A_110 : memref<!tpu.dma_semaphore, #tpu.memory_space<semaphore_mem>>) {add = true}
        %dma_wait3A_121 = arith.constant 0 : i32
        %dma_wait3A_122 = arith.constant 0 : i32
        %dma_wait3A_123 = tpu.memref_slice %arg9[%run_scoped3A_109, %dma_wait3A_121, %dma_wait3A_122] : memref<2x80x128xf32, #tpu.memory_space<vmem>> -> memref<1x80x128xf32, #tpu.memory_space<vmem>>
        %dma_wait3A_124 = tpu.memref_squeeze %dma_wait3A_123 : memref<1x80x128xf32, #tpu.memory_space<vmem>> -> memref<80x128xf32, #tpu.memory_space<vmem>>
        %dma_wait3A_125 = arith.constant 0 : i32
        %dma_wait3A_126 = tpu.memref_slice %arg8[%add3A_61, %dma_wait3A_125] : memref<250x80xi32, #tpu.memory_space<vmem>> -> memref<1x80xi32, #tpu.memory_space<vmem>>
        %dma_wait3A_127 = tpu.memref_squeeze %dma_wait3A_126 : memref<1x80xi32, #tpu.memory_space<vmem>> -> memref<80xi32, #tpu.memory_space<vmem>>
        %dma_wait3A_128 = arith.constant 0 : i32
        %dma_wait3A_129 = arith.constant 0 : i32
        %dma_wait3A_130 = tpu.memref_slice %arg10[%dma_wait3A_128, %dma_wait3A_129] : memref<5120x128xf32, #tpu.memory_space<vmem_shared>> -> memref<5120x128xf32, #tpu.memory_space<vmem_shared>>
        tpu.wait_indirect_dma semaphore(%run_scoped3A_110 : memref<!tpu.dma_semaphore, #tpu.memory_space<semaphore_mem>>) src(%dma_wait3A_124 : memref<80x128xf32, #tpu.memory_space<vmem>>) dst(%dma_wait3A_130 : memref<5120x128xf32, #tpu.memory_space<vmem_shared>>)
        tpu.yield
      }) : () -> ()
    }
    %scan3A_16 = arith.constant 124 : i32
    %dma_start3A_17 = arith.constant 249 : i32
    %dma_start3A_18 = arith.constant 1 : i32
    %dma_start3A_19 = arith.constant 0 : i32
    %dma_start3A_20 = arith.constant 0 : i32
    %dma_start3A_21 = tpu.memref_slice %arg9[%dma_start3A_18, %dma_start3A_19, %dma_start3A_20] : memref<2x80x128xf32, #tpu.memory_space<vmem>> -> memref<1x80x128xf32, #tpu.memory_space<vmem>>
    %dma_start3A_22 = tpu.memref_squeeze %dma_start3A_21 : memref<1x80x128xf32, #tpu.memory_space<vmem>> -> memref<80x128xf32, #tpu.memory_space<vmem>>
    %dma_start3A_23 = arith.constant 0 : i32
    %dma_start3A_24 = tpu.memref_slice %arg7[%dma_start3A_17, %dma_start3A_23] : memref<250x80xi32, #tpu.memory_space<vmem>> -> memref<1x80xi32, #tpu.memory_space<vmem>>
    %dma_start3A_25 = tpu.memref_squeeze %dma_start3A_24 : memref<1x80xi32, #tpu.memory_space<vmem>> -> memref<80xi32, #tpu.memory_space<vmem>>
    %dma_start3A_26 = arith.constant 0 : i32
    %dma_start3A_27 = arith.constant 0 : i32
    %dma_start3A_28 = tpu.memref_slice %arg2[%dma_start3A_26, %dma_start3A_27] : memref<10112x128xf32, #tpu.memory_space<hbm>> -> memref<10112x128xf32, #tpu.memory_space<hbm>>
    tpu.enqueue_indirect_dma source(%dma_start3A_28 : memref<10112x128xf32, #tpu.memory_space<hbm>>) target(%dma_start3A_22 : memref<80x128xf32, #tpu.memory_space<vmem>>) offsets(%dma_start3A_25 : memref<80xi32, #tpu.memory_space<vmem>>) semaphore(%arg12 : memref<!tpu.dma_semaphore, #tpu.memory_space<semaphore_mem>>)
    %dma_wait3A = arith.constant 248 : i32
    %dma_wait3A_29 = arith.constant 0 : i32
    %dma_wait3A_30 = arith.constant 0 : i32
    %dma_wait3A_31 = arith.constant 0 : i32
    %dma_wait3A_32 = tpu.memref_slice %arg9[%dma_wait3A_29, %dma_wait3A_30, %dma_wait3A_31] : memref<2x80x128xf32, #tpu.memory_space<vmem>> -> memref<1x80x128xf32, #tpu.memory_space<vmem>>
    %dma_wait3A_33 = tpu.memref_squeeze %dma_wait3A_32 : memref<1x80x128xf32, #tpu.memory_space<vmem>> -> memref<80x128xf32, #tpu.memory_space<vmem>>
    %dma_wait3A_34 = arith.constant 0 : i32
    %dma_wait3A_35 = tpu.memref_slice %arg7[%dma_wait3A, %dma_wait3A_34] : memref<250x80xi32, #tpu.memory_space<vmem>> -> memref<1x80xi32, #tpu.memory_space<vmem>>
    %dma_wait3A_36 = tpu.memref_squeeze %dma_wait3A_35 : memref<1x80xi32, #tpu.memory_space<vmem>> -> memref<80xi32, #tpu.memory_space<vmem>>
    %dma_wait3A_37 = arith.constant 0 : i32
    %dma_wait3A_38 = arith.constant 0 : i32
    %dma_wait3A_39 = tpu.memref_slice %arg2[%dma_wait3A_37, %dma_wait3A_38] : memref<10112x128xf32, #tpu.memory_space<hbm>> -> memref<10112x128xf32, #tpu.memory_space<hbm>>
    tpu.wait_indirect_dma semaphore(%arg11 : memref<!tpu.dma_semaphore, #tpu.memory_space<semaphore_mem>>) src(%dma_wait3A_39 : memref<10112x128xf32, #tpu.memory_space<hbm>>) dst(%dma_wait3A_33 : memref<80x128xf32, #tpu.memory_space<vmem>>)
    %run_scoped3A = arith.constant 0 : i32
    %run_scoped3A_40 = arith.constant 248 : i32
    "tpu.region"() ({
      %run_scoped3A_58 = tpu.sem_alloc : memref<!tpu.dma_semaphore, #tpu.memory_space<semaphore_mem>>
      %dma_start3A_59 = arith.constant 0 : i32
      %dma_start3A_60 = arith.constant 0 : i32
      %dma_start3A_61 = tpu.memref_slice %arg9[%run_scoped3A, %dma_start3A_59, %dma_start3A_60] : memref<2x80x128xf32, #tpu.memory_space<vmem>> -> memref<1x80x128xf32, #tpu.memory_space<vmem>>
      %dma_start3A_62 = tpu.memref_squeeze %dma_start3A_61 : memref<1x80x128xf32, #tpu.memory_space<vmem>> -> memref<80x128xf32, #tpu.memory_space<vmem>>
      %dma_start3A_63 = arith.constant 0 : i32
      %dma_start3A_64 = tpu.memref_slice %arg8[%run_scoped3A_40, %dma_start3A_63] : memref<250x80xi32, #tpu.memory_space<vmem>> -> memref<1x80xi32, #tpu.memory_space<vmem>>
      %dma_start3A_65 = tpu.memref_squeeze %dma_start3A_64 : memref<1x80xi32, #tpu.memory_space<vmem>> -> memref<80xi32, #tpu.memory_space<vmem>>
      %dma_start3A_66 = arith.constant 0 : i32
      %dma_start3A_67 = arith.constant 0 : i32
      %dma_start3A_68 = tpu.memref_slice %arg10[%dma_start3A_66, %dma_start3A_67] : memref<5120x128xf32, #tpu.memory_space<vmem_shared>> -> memref<5120x128xf32, #tpu.memory_space<vmem_shared>>
      tpu.enqueue_indirect_dma source(%dma_start3A_62 : memref<80x128xf32, #tpu.memory_space<vmem>>) target(%dma_start3A_68 : memref<5120x128xf32, #tpu.memory_space<vmem_shared>>) offsets(%dma_start3A_65 : memref<80xi32, #tpu.memory_space<vmem>>) semaphore(%run_scoped3A_58 : memref<!tpu.dma_semaphore, #tpu.memory_space<semaphore_mem>>) {add = true}
      %dma_wait3A_69 = arith.constant 0 : i32
      %dma_wait3A_70 = arith.constant 0 : i32
      %dma_wait3A_71 = tpu.memref_slice %arg9[%run_scoped3A, %dma_wait3A_69, %dma_wait3A_70] : memref<2x80x128xf32, #tpu.memory_space<vmem>> -> memref<1x80x128xf32, #tpu.memory_space<vmem>>
      %dma_wait3A_72 = tpu.memref_squeeze %dma_wait3A_71 : memref<1x80x128xf32, #tpu.memory_space<vmem>> -> memref<80x128xf32, #tpu.memory_space<vmem>>
      %dma_wait3A_73 = arith.constant 0 : i32
      %dma_wait3A_74 = tpu.memref_slice %arg8[%run_scoped3A_40, %dma_wait3A_73] : memref<250x80xi32, #tpu.memory_space<vmem>> -> memref<1x80xi32, #tpu.memory_space<vmem>>
      %dma_wait3A_75 = tpu.memref_squeeze %dma_wait3A_74 : memref<1x80xi32, #tpu.memory_space<vmem>> -> memref<80xi32, #tpu.memory_space<vmem>>
      %dma_wait3A_76 = arith.constant 0 : i32
      %dma_wait3A_77 = arith.constant 0 : i32
      %dma_wait3A_78 = tpu.memref_slice %arg10[%dma_wait3A_76, %dma_wait3A_77] : memref<5120x128xf32, #tpu.memory_space<vmem_shared>> -> memref<5120x128xf32, #tpu.memory_space<vmem_shared>>
      tpu.wait_indirect_dma semaphore(%run_scoped3A_58 : memref<!tpu.dma_semaphore, #tpu.memory_space<semaphore_mem>>) src(%dma_wait3A_72 : memref<80x128xf32, #tpu.memory_space<vmem>>) dst(%dma_wait3A_78 : memref<5120x128xf32, #tpu.memory_space<vmem_shared>>)
      tpu.yield
    }) : () -> ()
    %dma_wait3A_41 = arith.constant 249 : i32
    %dma_wait3A_42 = arith.constant 1 : i32
    %dma_wait3A_43 = arith.constant 0 : i32
    %dma_wait3A_44 = arith.constant 0 : i32
    %dma_wait3A_45 = tpu.memref_slice %arg9[%dma_wait3A_42, %dma_wait3A_43, %dma_wait3A_44] : memref<2x80x128xf32, #tpu.memory_space<vmem>> -> memref<1x80x128xf32, #tpu.memory_space<vmem>>
    %dma_wait3A_46 = tpu.memref_squeeze %dma_wait3A_45 : memref<1x80x128xf32, #tpu.memory_space<vmem>> -> memref<80x128xf32, #tpu.memory_space<vmem>>
    %dma_wait3A_47 = arith.constant 0 : i32
    %dma_wait3A_48 = tpu.memref_slice %arg7[%dma_wait3A_41, %dma_wait3A_47] : memref<250x80xi32, #tpu.memory_space<vmem>> -> memref<1x80xi32, #tpu.memory_space<vmem>>
    %dma_wait3A_49 = tpu.memref_squeeze %dma_wait3A_48 : memref<1x80xi32, #tpu.memory_space<vmem>> -> memref<80xi32, #tpu.memory_space<vmem>>
    %dma_wait3A_50 = arith.constant 0 : i32
    %dma_wait3A_51 = arith.constant 0 : i32
    %dma_wait3A_52 = tpu.memref_slice %arg2[%dma_wait3A_50, %dma_wait3A_51] : memref<10112x128xf32, #tpu.memory_space<hbm>> -> memref<10112x128xf32, #tpu.memory_space<hbm>>
    tpu.wait_indirect_dma semaphore(%arg12 : memref<!tpu.dma_semaphore, #tpu.memory_space<semaphore_mem>>) src(%dma_wait3A_52 : memref<10112x128xf32, #tpu.memory_space<hbm>>) dst(%dma_wait3A_46 : memref<80x128xf32, #tpu.memory_space<vmem>>)
    %run_scoped3A_53 = arith.constant 1 : i32
    %run_scoped3A_54 = arith.constant 249 : i32
    "tpu.region"() ({
      %run_scoped3A_58 = tpu.sem_alloc : memref<!tpu.dma_semaphore, #tpu.memory_space<semaphore_mem>>
      %dma_start3A_59 = arith.constant 0 : i32
      %dma_start3A_60 = arith.constant 0 : i32
      %dma_start3A_61 = tpu.memref_slice %arg9[%run_scoped3A_53, %dma_start3A_59, %dma_start3A_60] : memref<2x80x128xf32, #tpu.memory_space<vmem>> -> memref<1x80x128xf32, #tpu.memory_space<vmem>>
      %dma_start3A_62 = tpu.memref_squeeze %dma_start3A_61 : memref<1x80x128xf32, #tpu.memory_space<vmem>> -> memref<80x128xf32, #tpu.memory_space<vmem>>
      %dma_start3A_63 = arith.constant 0 : i32
      %dma_start3A_64 = tpu.memref_slice %arg8[%run_scoped3A_54, %dma_start3A_63] : memref<250x80xi32, #tpu.memory_space<vmem>> -> memref<1x80xi32, #tpu.memory_space<vmem>>
      %dma_start3A_65 = tpu.memref_squeeze %dma_start3A_64 : memref<1x80xi32, #tpu.memory_space<vmem>> -> memref<80xi32, #tpu.memory_space<vmem>>
      %dma_start3A_66 = arith.constant 0 : i32
      %dma_start3A_67 = arith.constant 0 : i32
      %dma_start3A_68 = tpu.memref_slice %arg10[%dma_start3A_66, %dma_start3A_67] : memref<5120x128xf32, #tpu.memory_space<vmem_shared>> -> memref<5120x128xf32, #tpu.memory_space<vmem_shared>>
      tpu.enqueue_indirect_dma source(%dma_start3A_62 : memref<80x128xf32, #tpu.memory_space<vmem>>) target(%dma_start3A_68 : memref<5120x128xf32, #tpu.memory_space<vmem_shared>>) offsets(%dma_start3A_65 : memref<80xi32, #tpu.memory_space<vmem>>) semaphore(%run_scoped3A_58 : memref<!tpu.dma_semaphore, #tpu.memory_space<semaphore_mem>>) {add = true}
      %dma_wait3A_69 = arith.constant 0 : i32
      %dma_wait3A_70 = arith.constant 0 : i32
      %dma_wait3A_71 = tpu.memref_slice %arg9[%run_scoped3A_53, %dma_wait3A_69, %dma_wait3A_70] : memref<2x80x128xf32, #tpu.memory_space<vmem>> -> memref<1x80x128xf32, #tpu.memory_space<vmem>>
      %dma_wait3A_72 = tpu.memref_squeeze %dma_wait3A_71 : memref<1x80x128xf32, #tpu.memory_space<vmem>> -> memref<80x128xf32, #tpu.memory_space<vmem>>
      %dma_wait3A_73 = arith.constant 0 : i32
      %dma_wait3A_74 = tpu.memref_slice %arg8[%run_scoped3A_54, %dma_wait3A_73] : memref<250x80xi32, #tpu.memory_space<vmem>> -> memref<1x80xi32, #tpu.memory_space<vmem>>
      %dma_wait3A_75 = tpu.memref_squeeze %dma_wait3A_74 : memref<1x80xi32, #tpu.memory_space<vmem>> -> memref<80xi32, #tpu.memory_space<vmem>>
      %dma_wait3A_76 = arith.constant 0 : i32
      %dma_wait3A_77 = arith.constant 0 : i32
      %dma_wait3A_78 = tpu.memref_slice %arg10[%dma_wait3A_76, %dma_wait3A_77] : memref<5120x128xf32, #tpu.memory_space<vmem_shared>> -> memref<5120x128xf32, #tpu.memory_space<vmem_shared>>
      tpu.wait_indirect_dma semaphore(%run_scoped3A_58 : memref<!tpu.dma_semaphore, #tpu.memory_space<semaphore_mem>>) src(%dma_wait3A_72 : memref<80x128xf32, #tpu.memory_space<vmem>>) dst(%dma_wait3A_78 : memref<5120x128xf32, #tpu.memory_space<vmem_shared>>)
      tpu.yield
    }) : () -> ()
    %barrier3A_55 = arith.constant 0 : index
    tpu.barrier barrier_id(%barrier3A_55)
    %lt3A = arith.constant 8 : i32
    %lt3A_56 = arith.cmpi slt, %arg1, %lt3A : i32
    %convert_element_type3A = arith.extui %lt3A_56 : i1 to i32
    %cond3A = arith.constant 0 : i32
    %cond3A_57 = arith.cmpi ne, %convert_element_type3A, %cond3A : i32
    scf.if %cond3A_57 {
      %mul3A_58 = arith.constant 632 : i32
      %mul3A_59 = arith.muli %arg1, %mul3A_58 : i32
      %mul3A_60 = arith.constant 5056 : i32
      %mul3A_61 = arith.muli %arg0, %mul3A_60 : i32
      %mul3A_62 = arith.constant 632 : i32
      %mul3A_63 = arith.muli %arg1, %mul3A_62 : i32
      %add3A = arith.addi %mul3A_61, %mul3A_63 : i32
      "tpu.region"() ({
        %run_scoped3A_64 = tpu.sem_alloc : memref<!tpu.dma_semaphore, #tpu.memory_space<semaphore_mem>>
        %dma_start3A_65 = arith.constant 0 : i32
        %dma_start3A_66 = tpu.memref_slice %arg6[%add3A, %dma_start3A_65] : memref<10112x128xf32, #tpu.memory_space<hbm>> -> memref<632x128xf32, #tpu.memory_space<hbm>>
        %dma_start3A_67 = arith.constant 0 : i32
        %dma_start3A_68 = tpu.memref_slice %arg10[%mul3A_59, %dma_start3A_67] : memref<5120x128xf32, #tpu.memory_space<vmem_shared>> -> memref<632x128xf32, #tpu.memory_space<vmem_shared>>
        tpu.enqueue_dma source(%dma_start3A_68 : memref<632x128xf32, #tpu.memory_space<vmem_shared>>) target(%dma_start3A_66 : memref<632x128xf32, #tpu.memory_space<hbm>>) target_semaphore(%run_scoped3A_64 : memref<!tpu.dma_semaphore, #tpu.memory_space<semaphore_mem>>)
        %dma_wait3A_69 = arith.constant 0 : i32
        %dma_wait3A_70 = tpu.memref_slice %arg6[%add3A, %dma_wait3A_69] : memref<10112x128xf32, #tpu.memory_space<hbm>> -> memref<632x128xf32, #tpu.memory_space<hbm>>
        %dma_wait3A_71 = arith.constant 0 : i32
        %dma_wait3A_72 = tpu.memref_slice %arg10[%mul3A_59, %dma_wait3A_71] : memref<5120x128xf32, #tpu.memory_space<vmem_shared>> -> memref<632x128xf32, #tpu.memory_space<vmem_shared>>
        tpu.wait_dma2 semaphore(%run_scoped3A_64 : memref<!tpu.dma_semaphore, #tpu.memory_space<semaphore_mem>>) src(%dma_wait3A_72 : memref<632x128xf32, #tpu.memory_space<vmem_shared>>) dst(%dma_wait3A_70 : memref<632x128xf32, #tpu.memory_space<hbm>>)
        tpu.yield
      }) : () -> ()
    } else {
    }
    return
  }
}

#map = affine_map<(d0, d1) -> (0, 0, 0)>
#map1 = affine_map<(d0, d1) -> (0, 0)>
module attributes {stable_mosaic.version = 14 : i64} {
  func.func @_deg_kernel(%arg0: i32, %arg1: i32, %arg2: memref<32x125x80xi32, #tpu.memory_space<hbm>>, %arg3: memref<632x16xf32, #tpu.memory_space<hbm>>, %arg4: memref<10112x16xf32, #tpu.memory_space<hbm>>, %arg5: memref<10112x16xf32, #tpu.memory_space<hbm>>, %arg6: memref<125x80xi32, #tpu.memory_space<vmem>>, %arg7: memref<80x16xf32, #tpu.memory_space<vmem>>, %arg8: memref<10112x16xf32, #tpu.memory_space<vmem_shared>>) attributes {dimension_semantics = [#tpu.dimension_semantics<core_parallel>, #tpu.dimension_semantics<subcore_parallel>], iteration_bounds = array<i64: 2, 16>, scalar_prefetch = 0 : i64, scratch_operands = 3 : i64, tpu.core_type = #tpu.core_type<sc_vector_subcore>, window_params = [{transform_indices = #map}, {transform_indices = #map1}, {transform_indices = #map1}, {transform_indices = #map1}]} {
    %mul3A = arith.constant 2 : i32
    %mul3A_0 = arith.muli %arg1, %mul3A : i32
    %add3A = arith.addi %mul3A_0, %arg0 : i32
    %mul3A_1 = arith.constant 632 : i32
    %mul3A_2 = arith.muli %arg1, %mul3A_1 : i32
    "tpu.region"() ({
      %run_scoped3A = tpu.sem_alloc : memref<!tpu.dma_semaphore, #tpu.memory_space<semaphore_mem>>
      %dma_start3A = arith.constant 0 : i32
      %dma_start3A_16 = tpu.memref_slice %arg8[%mul3A_2, %dma_start3A] : memref<10112x16xf32, #tpu.memory_space<vmem_shared>> -> memref<632x16xf32, #tpu.memory_space<vmem_shared>>
      tpu.enqueue_dma source(%arg3 : memref<632x16xf32, #tpu.memory_space<hbm>>) target(%dma_start3A_16 : memref<632x16xf32, #tpu.memory_space<vmem_shared>>) target_semaphore(%run_scoped3A : memref<!tpu.dma_semaphore, #tpu.memory_space<semaphore_mem>>)
      %dma_wait3A = arith.constant 0 : i32
      %dma_wait3A_17 = tpu.memref_slice %arg8[%mul3A_2, %dma_wait3A] : memref<10112x16xf32, #tpu.memory_space<vmem_shared>> -> memref<632x16xf32, #tpu.memory_space<vmem_shared>>
      tpu.wait_dma2 semaphore(%run_scoped3A : memref<!tpu.dma_semaphore, #tpu.memory_space<semaphore_mem>>) src(%arg3 : memref<632x16xf32, #tpu.memory_space<hbm>>) dst(%dma_wait3A_17 : memref<632x16xf32, #tpu.memory_space<vmem_shared>>)
      tpu.yield
    }) : () -> ()
    "tpu.region"() ({
      %run_scoped3A = tpu.sem_alloc : memref<!tpu.dma_semaphore, #tpu.memory_space<semaphore_mem>>
      %dma_start3A = arith.constant 0 : i32
      %dma_start3A_16 = arith.constant 0 : i32
      %dma_start3A_17 = tpu.memref_slice %arg3[%dma_start3A, %dma_start3A_16] : memref<632x16xf32, #tpu.memory_space<hbm>> -> memref<80x16xf32, #tpu.memory_space<hbm>>
      %dma_start3A_18 = arith.constant 0 : i32
      %dma_start3A_19 = arith.constant 0 : i32
      %dma_start3A_20 = tpu.memref_slice %arg3[%dma_start3A_18, %dma_start3A_19] : memref<632x16xf32, #tpu.memory_space<hbm>> -> memref<80x16xf32, #tpu.memory_space<hbm>>
      tpu.enqueue_dma source(%dma_start3A_20 : memref<80x16xf32, #tpu.memory_space<hbm>>) target(%arg7 : memref<80x16xf32, #tpu.memory_space<vmem>>) target_semaphore(%run_scoped3A : memref<!tpu.dma_semaphore, #tpu.memory_space<semaphore_mem>>)
      %dma_wait3A = arith.constant 0 : i32
      %dma_wait3A_21 = arith.constant 0 : i32
      %dma_wait3A_22 = tpu.memref_slice %arg3[%dma_wait3A, %dma_wait3A_21] : memref<632x16xf32, #tpu.memory_space<hbm>> -> memref<80x16xf32, #tpu.memory_space<hbm>>
      %dma_wait3A_23 = arith.constant 0 : i32
      %dma_wait3A_24 = arith.constant 0 : i32
      %dma_wait3A_25 = tpu.memref_slice %arg3[%dma_wait3A_23, %dma_wait3A_24] : memref<632x16xf32, #tpu.memory_space<hbm>> -> memref<80x16xf32, #tpu.memory_space<hbm>>
      tpu.wait_dma2 semaphore(%run_scoped3A : memref<!tpu.dma_semaphore, #tpu.memory_space<semaphore_mem>>) src(%dma_wait3A_25 : memref<80x16xf32, #tpu.memory_space<hbm>>) dst(%arg7 : memref<80x16xf32, #tpu.memory_space<vmem>>)
      tpu.yield
    }) : () -> ()
    "tpu.region"() ({
      %run_scoped3A = tpu.sem_alloc : memref<!tpu.dma_semaphore, #tpu.memory_space<semaphore_mem>>
      %dma_start3A = arith.constant 0 : i32
      %dma_start3A_16 = arith.constant 0 : i32
      %dma_start3A_17 = tpu.memref_slice %arg2[%add3A, %dma_start3A, %dma_start3A_16] : memref<32x125x80xi32, #tpu.memory_space<hbm>> -> memref<1x125x80xi32, #tpu.memory_space<hbm>>
      %dma_start3A_18 = tpu.memref_squeeze %dma_start3A_17 : memref<1x125x80xi32, #tpu.memory_space<hbm>> -> memref<125x80xi32, #tpu.memory_space<hbm>>
      %dma_start3A_19 = arith.constant 0 : i32
      %dma_start3A_20 = arith.constant 0 : i32
      %dma_start3A_21 = tpu.memref_slice %arg2[%add3A, %dma_start3A_19, %dma_start3A_20] : memref<32x125x80xi32, #tpu.memory_space<hbm>> -> memref<1x125x80xi32, #tpu.memory_space<hbm>>
      %dma_start3A_22 = tpu.memref_squeeze %dma_start3A_21 : memref<1x125x80xi32, #tpu.memory_space<hbm>> -> memref<125x80xi32, #tpu.memory_space<hbm>>
      tpu.enqueue_dma source(%dma_start3A_22 : memref<125x80xi32, #tpu.memory_space<hbm>>) target(%arg6 : memref<125x80xi32, #tpu.memory_space<vmem>>) target_semaphore(%run_scoped3A : memref<!tpu.dma_semaphore, #tpu.memory_space<semaphore_mem>>)
      %dma_wait3A = arith.constant 0 : i32
      %dma_wait3A_23 = arith.constant 0 : i32
      %dma_wait3A_24 = tpu.memref_slice %arg2[%add3A, %dma_wait3A, %dma_wait3A_23] : memref<32x125x80xi32, #tpu.memory_space<hbm>> -> memref<1x125x80xi32, #tpu.memory_space<hbm>>
      %dma_wait3A_25 = tpu.memref_squeeze %dma_wait3A_24 : memref<1x125x80xi32, #tpu.memory_space<hbm>> -> memref<125x80xi32, #tpu.memory_space<hbm>>
      %dma_wait3A_26 = arith.constant 0 : i32
      %dma_wait3A_27 = arith.constant 0 : i32
      %dma_wait3A_28 = tpu.memref_slice %arg2[%add3A, %dma_wait3A_26, %dma_wait3A_27] : memref<32x125x80xi32, #tpu.memory_space<hbm>> -> memref<1x125x80xi32, #tpu.memory_space<hbm>>
      %dma_wait3A_29 = tpu.memref_squeeze %dma_wait3A_28 : memref<1x125x80xi32, #tpu.memory_space<hbm>> -> memref<125x80xi32, #tpu.memory_space<hbm>>
      tpu.wait_dma2 semaphore(%run_scoped3A : memref<!tpu.dma_semaphore, #tpu.memory_space<semaphore_mem>>) src(%dma_wait3A_29 : memref<125x80xi32, #tpu.memory_space<hbm>>) dst(%arg6 : memref<125x80xi32, #tpu.memory_space<vmem>>)
      tpu.yield
    }) : () -> ()
    %barrier3A = arith.constant 0 : index
    tpu.barrier barrier_id(%barrier3A)
    %scan3A = arith.constant 0 : i32
    %scan3A_3 = arith.constant 0 : i32
    %scan3A_4 = arith.constant 125 : i32
    %scan3A_5 = arith.addi %scan3A_3, %scan3A_4 : i32
    %scan3A_6 = arith.constant 1 : i32
    scf.for %scan3A_16 = %scan3A_3 to %scan3A_5 step %scan3A_6  : i32 {
      "tpu.region"() ({
        %run_scoped3A = tpu.sem_alloc : memref<!tpu.dma_semaphore, #tpu.memory_space<semaphore_mem>>
        %dma_start3A = arith.constant 0 : i32
        %dma_start3A_17 = tpu.memref_slice %arg6[%scan3A_16, %dma_start3A] : memref<125x80xi32, #tpu.memory_space<vmem>> -> memref<1x80xi32, #tpu.memory_space<vmem>>
        %dma_start3A_18 = tpu.memref_squeeze %dma_start3A_17 : memref<1x80xi32, #tpu.memory_space<vmem>> -> memref<80xi32, #tpu.memory_space<vmem>>
        %dma_start3A_19 = arith.constant 0 : i32
        %dma_start3A_20 = arith.constant 0 : i32
        %dma_start3A_21 = tpu.memref_slice %arg8[%dma_start3A_19, %dma_start3A_20] : memref<10112x16xf32, #tpu.memory_space<vmem_shared>> -> memref<10112x16xf32, #tpu.memory_space<vmem_shared>>
        tpu.enqueue_indirect_dma source(%arg7 : memref<80x16xf32, #tpu.memory_space<vmem>>) target(%dma_start3A_21 : memref<10112x16xf32, #tpu.memory_space<vmem_shared>>) offsets(%dma_start3A_18 : memref<80xi32, #tpu.memory_space<vmem>>) semaphore(%run_scoped3A : memref<!tpu.dma_semaphore, #tpu.memory_space<semaphore_mem>>) {add = true}
        %dma_wait3A = arith.constant 0 : i32
        %dma_wait3A_22 = tpu.memref_slice %arg6[%scan3A_16, %dma_wait3A] : memref<125x80xi32, #tpu.memory_space<vmem>> -> memref<1x80xi32, #tpu.memory_space<vmem>>
        %dma_wait3A_23 = tpu.memref_squeeze %dma_wait3A_22 : memref<1x80xi32, #tpu.memory_space<vmem>> -> memref<80xi32, #tpu.memory_space<vmem>>
        %dma_wait3A_24 = arith.constant 0 : i32
        %dma_wait3A_25 = arith.constant 0 : i32
        %dma_wait3A_26 = tpu.memref_slice %arg8[%dma_wait3A_24, %dma_wait3A_25] : memref<10112x16xf32, #tpu.memory_space<vmem_shared>> -> memref<10112x16xf32, #tpu.memory_space<vmem_shared>>
        tpu.wait_indirect_dma semaphore(%run_scoped3A : memref<!tpu.dma_semaphore, #tpu.memory_space<semaphore_mem>>) src(%arg7 : memref<80x16xf32, #tpu.memory_space<vmem>>) dst(%dma_wait3A_26 : memref<10112x16xf32, #tpu.memory_space<vmem_shared>>)
        tpu.yield
      }) : () -> ()
    }
    %scan3A_7 = arith.constant 125 : i32
    %barrier3A_8 = arith.constant 0 : index
    tpu.barrier barrier_id(%barrier3A_8)
    %eq3A = arith.constant 0 : i32
    %eq3A_9 = arith.cmpi eq, %arg0, %eq3A : i32
    %convert_element_type3A = arith.extui %eq3A_9 : i1 to i32
    %cond3A = arith.constant 0 : i32
    %cond3A_10 = arith.cmpi ne, %convert_element_type3A, %cond3A : i32
    scf.if %cond3A_10 {
      "tpu.region"() ({
        %run_scoped3A = tpu.sem_alloc : memref<!tpu.dma_semaphore, #tpu.memory_space<semaphore_mem>>
        %dma_start3A = arith.constant 0 : i32
        %dma_start3A_16 = tpu.memref_slice %arg4[%mul3A_2, %dma_start3A] : memref<10112x16xf32, #tpu.memory_space<hbm>> -> memref<632x16xf32, #tpu.memory_space<hbm>>
        %dma_start3A_17 = arith.constant 0 : i32
        %dma_start3A_18 = tpu.memref_slice %arg8[%mul3A_2, %dma_start3A_17] : memref<10112x16xf32, #tpu.memory_space<vmem_shared>> -> memref<632x16xf32, #tpu.memory_space<vmem_shared>>
        tpu.enqueue_dma source(%dma_start3A_18 : memref<632x16xf32, #tpu.memory_space<vmem_shared>>) target(%dma_start3A_16 : memref<632x16xf32, #tpu.memory_space<hbm>>) target_semaphore(%run_scoped3A : memref<!tpu.dma_semaphore, #tpu.memory_space<semaphore_mem>>)
        %dma_wait3A = arith.constant 0 : i32
        %dma_wait3A_19 = tpu.memref_slice %arg4[%mul3A_2, %dma_wait3A] : memref<10112x16xf32, #tpu.memory_space<hbm>> -> memref<632x16xf32, #tpu.memory_space<hbm>>
        %dma_wait3A_20 = arith.constant 0 : i32
        %dma_wait3A_21 = tpu.memref_slice %arg8[%mul3A_2, %dma_wait3A_20] : memref<10112x16xf32, #tpu.memory_space<vmem_shared>> -> memref<632x16xf32, #tpu.memory_space<vmem_shared>>
        tpu.wait_dma2 semaphore(%run_scoped3A : memref<!tpu.dma_semaphore, #tpu.memory_space<semaphore_mem>>) src(%dma_wait3A_21 : memref<632x16xf32, #tpu.memory_space<vmem_shared>>) dst(%dma_wait3A_19 : memref<632x16xf32, #tpu.memory_space<hbm>>)
        tpu.yield
      }) : () -> ()
    } else {
    }
    %eq3A_11 = arith.constant 1 : i32
    %eq3A_12 = arith.cmpi eq, %arg0, %eq3A_11 : i32
    %convert_element_type3A_13 = arith.extui %eq3A_12 : i1 to i32
    %cond3A_14 = arith.constant 0 : i32
    %cond3A_15 = arith.cmpi ne, %convert_element_type3A_13, %cond3A_14 : i32
    scf.if %cond3A_15 {
      "tpu.region"() ({
        %run_scoped3A = tpu.sem_alloc : memref<!tpu.dma_semaphore, #tpu.memory_space<semaphore_mem>>
        %dma_start3A = arith.constant 0 : i32
        %dma_start3A_16 = tpu.memref_slice %arg5[%mul3A_2, %dma_start3A] : memref<10112x16xf32, #tpu.memory_space<hbm>> -> memref<632x16xf32, #tpu.memory_space<hbm>>
        %dma_start3A_17 = arith.constant 0 : i32
        %dma_start3A_18 = tpu.memref_slice %arg8[%mul3A_2, %dma_start3A_17] : memref<10112x16xf32, #tpu.memory_space<vmem_shared>> -> memref<632x16xf32, #tpu.memory_space<vmem_shared>>
        tpu.enqueue_dma source(%dma_start3A_18 : memref<632x16xf32, #tpu.memory_space<vmem_shared>>) target(%dma_start3A_16 : memref<632x16xf32, #tpu.memory_space<hbm>>) target_semaphore(%run_scoped3A : memref<!tpu.dma_semaphore, #tpu.memory_space<semaphore_mem>>)
        %dma_wait3A = arith.constant 0 : i32
        %dma_wait3A_19 = tpu.memref_slice %arg5[%mul3A_2, %dma_wait3A] : memref<10112x16xf32, #tpu.memory_space<hbm>> -> memref<632x16xf32, #tpu.memory_space<hbm>>
        %dma_wait3A_20 = arith.constant 0 : i32
        %dma_wait3A_21 = tpu.memref_slice %arg8[%mul3A_2, %dma_wait3A_20] : memref<10112x16xf32, #tpu.memory_space<vmem_shared>> -> memref<632x16xf32, #tpu.memory_space<vmem_shared>>
        tpu.wait_dma2 semaphore(%run_scoped3A : memref<!tpu.dma_semaphore, #tpu.memory_space<semaphore_mem>>) src(%dma_wait3A_21 : memref<632x16xf32, #tpu.memory_space<vmem_shared>>) dst(%dma_wait3A_19 : memref<632x16xf32, #tpu.memory_space<hbm>>)
        tpu.yield
      }) : () -> ()
    } else {
    }
    return
  }
}

#map = affine_map<(d0, d1) -> (0, 0)>
#map1 = affine_map<(d0, d1) -> (0, 0, 0)>
#map2 = affine_map<(d0, d1) -> (0, 0, 0, 0)>
module attributes {stable_mosaic.version = 14 : i64} {
  func.func @_agg_kernel(%arg0: i32, %arg1: i32, %arg2: memref<10112x128xf32, #tpu.memory_space<hbm>>, %arg3: memref<16x250x80xi32, #tpu.memory_space<hbm>>, %arg4: memref<2x16x250x80xi32, #tpu.memory_space<hbm>>, %arg5: memref<632x128xf32, #tpu.memory_space<hbm>>, %arg6: memref<10112x128xf32, #tpu.memory_space<hbm>>, %arg7: memref<250x80xi32, #tpu.memory_space<vmem>>, %arg8: memref<250x80xi32, #tpu.memory_space<vmem>>, %arg9: memref<2x80x128xf32, #tpu.memory_space<vmem>>, %arg10: memref<5120x128xf32, #tpu.memory_space<vmem_shared>>, %arg11: memref<!tpu.dma_semaphore, #tpu.memory_space<semaphore_mem>>, %arg12: memref<!tpu.dma_semaphore, #tpu.memory_space<semaphore_mem>>) attributes {dimension_semantics = [#tpu.dimension_semantics<core_parallel>, #tpu.dimension_semantics<subcore_parallel>], iteration_bounds = array<i64: 2, 16>, scalar_prefetch = 0 : i64, scratch_operands = 6 : i64, tpu.core_type = #tpu.core_type<sc_vector_subcore>, window_params = [{transform_indices = #map}, {transform_indices = #map1}, {transform_indices = #map2}, {transform_indices = #map}, {transform_indices = #map}]} {
    %mul3A = arith.constant 320 : i32
    %mul3A_0 = arith.muli %arg1, %mul3A : i32
    "tpu.region"() ({
      %run_scoped3A_58 = tpu.sem_alloc : memref<!tpu.dma_semaphore, #tpu.memory_space<semaphore_mem>>
      %dma_start3A_59 = arith.constant 0 : i32
      %dma_start3A_60 = tpu.memref_slice %arg10[%mul3A_0, %dma_start3A_59] : memref<5120x128xf32, #tpu.memory_space<vmem_shared>> -> memref<320x128xf32, #tpu.memory_space<vmem_shared>>
      %dma_start3A_61 = arith.constant 0 : i32
      %dma_start3A_62 = arith.constant 0 : i32
      %dma_start3A_63 = tpu.memref_slice %arg5[%dma_start3A_61, %dma_start3A_62] : memref<632x128xf32, #tpu.memory_space<hbm>> -> memref<320x128xf32, #tpu.memory_space<hbm>>
      tpu.enqueue_dma source(%dma_start3A_63 : memref<320x128xf32, #tpu.memory_space<hbm>>) target(%dma_start3A_60 : memref<320x128xf32, #tpu.memory_space<vmem_shared>>) target_semaphore(%run_scoped3A_58 : memref<!tpu.dma_semaphore, #tpu.memory_space<semaphore_mem>>)
      %dma_wait3A_64 = arith.constant 0 : i32
      %dma_wait3A_65 = tpu.memref_slice %arg10[%mul3A_0, %dma_wait3A_64] : memref<5120x128xf32, #tpu.memory_space<vmem_shared>> -> memref<320x128xf32, #tpu.memory_space<vmem_shared>>
      %dma_wait3A_66 = arith.constant 0 : i32
      %dma_wait3A_67 = arith.constant 0 : i32
      %dma_wait3A_68 = tpu.memref_slice %arg5[%dma_wait3A_66, %dma_wait3A_67] : memref<632x128xf32, #tpu.memory_space<hbm>> -> memref<320x128xf32, #tpu.memory_space<hbm>>
      tpu.wait_dma2 semaphore(%run_scoped3A_58 : memref<!tpu.dma_semaphore, #tpu.memory_space<semaphore_mem>>) src(%dma_wait3A_68 : memref<320x128xf32, #tpu.memory_space<hbm>>) dst(%dma_wait3A_65 : memref<320x128xf32, #tpu.memory_space<vmem_shared>>)
      tpu.yield
    }) : () -> ()
    "tpu.region"() ({
      %run_scoped3A_58 = tpu.sem_alloc : memref<!tpu.dma_semaphore, #tpu.memory_space<semaphore_mem>>
      %dma_start3A_59 = arith.constant 0 : i32
      %dma_start3A_60 = arith.constant 0 : i32
      %dma_start3A_61 = tpu.memref_slice %arg3[%arg1, %dma_start3A_59, %dma_start3A_60] : memref<16x250x80xi32, #tpu.memory_space<hbm>> -> memref<1x250x80xi32, #tpu.memory_space<hbm>>
      %dma_start3A_62 = tpu.memref_squeeze %dma_start3A_61 : memref<1x250x80xi32, #tpu.memory_space<hbm>> -> memref<250x80xi32, #tpu.memory_space<hbm>>
      %dma_start3A_63 = arith.constant 0 : i32
      %dma_start3A_64 = arith.constant 0 : i32
      %dma_start3A_65 = tpu.memref_slice %arg3[%arg1, %dma_start3A_63, %dma_start3A_64] : memref<16x250x80xi32, #tpu.memory_space<hbm>> -> memref<1x250x80xi32, #tpu.memory_space<hbm>>
      %dma_start3A_66 = tpu.memref_squeeze %dma_start3A_65 : memref<1x250x80xi32, #tpu.memory_space<hbm>> -> memref<250x80xi32, #tpu.memory_space<hbm>>
      tpu.enqueue_dma source(%dma_start3A_66 : memref<250x80xi32, #tpu.memory_space<hbm>>) target(%arg7 : memref<250x80xi32, #tpu.memory_space<vmem>>) target_semaphore(%run_scoped3A_58 : memref<!tpu.dma_semaphore, #tpu.memory_space<semaphore_mem>>)
      %dma_wait3A_67 = arith.constant 0 : i32
      %dma_wait3A_68 = arith.constant 0 : i32
      %dma_wait3A_69 = tpu.memref_slice %arg3[%arg1, %dma_wait3A_67, %dma_wait3A_68] : memref<16x250x80xi32, #tpu.memory_space<hbm>> -> memref<1x250x80xi32, #tpu.memory_space<hbm>>
      %dma_wait3A_70 = tpu.memref_squeeze %dma_wait3A_69 : memref<1x250x80xi32, #tpu.memory_space<hbm>> -> memref<250x80xi32, #tpu.memory_space<hbm>>
      %dma_wait3A_71 = arith.constant 0 : i32
      %dma_wait3A_72 = arith.constant 0 : i32
      %dma_wait3A_73 = tpu.memref_slice %arg3[%arg1, %dma_wait3A_71, %dma_wait3A_72] : memref<16x250x80xi32, #tpu.memory_space<hbm>> -> memref<1x250x80xi32, #tpu.memory_space<hbm>>
      %dma_wait3A_74 = tpu.memref_squeeze %dma_wait3A_73 : memref<1x250x80xi32, #tpu.memory_space<hbm>> -> memref<250x80xi32, #tpu.memory_space<hbm>>
      tpu.wait_dma2 semaphore(%run_scoped3A_58 : memref<!tpu.dma_semaphore, #tpu.memory_space<semaphore_mem>>) src(%dma_wait3A_74 : memref<250x80xi32, #tpu.memory_space<hbm>>) dst(%arg7 : memref<250x80xi32, #tpu.memory_space<vmem>>)
      tpu.yield
    }) : () -> ()
    "tpu.region"() ({
      %run_scoped3A_58 = tpu.sem_alloc : memref<!tpu.dma_semaphore, #tpu.memory_space<semaphore_mem>>
      %dma_start3A_59 = arith.constant 0 : i32
      %dma_start3A_60 = arith.constant 0 : i32
      %dma_start3A_61 = tpu.memref_slice %arg4[%arg0, %arg1, %dma_start3A_59, %dma_start3A_60] : memref<2x16x250x80xi32, #tpu.memory_space<hbm>> -> memref<1x1x250x80xi32, #tpu.memory_space<hbm>>
      %dma_start3A_62 = tpu.memref_squeeze %dma_start3A_61 : memref<1x1x250x80xi32, #tpu.memory_space<hbm>> -> memref<250x80xi32, #tpu.memory_space<hbm>>
      %dma_start3A_63 = arith.constant 0 : i32
      %dma_start3A_64 = arith.constant 0 : i32
      %dma_start3A_65 = tpu.memref_slice %arg4[%arg0, %arg1, %dma_start3A_63, %dma_start3A_64] : memref<2x16x250x80xi32, #tpu.memory_space<hbm>> -> memref<1x1x250x80xi32, #tpu.memory_space<hbm>>
      %dma_start3A_66 = tpu.memref_squeeze %dma_start3A_65 : memref<1x1x250x80xi32, #tpu.memory_space<hbm>> -> memref<250x80xi32, #tpu.memory_space<hbm>>
      tpu.enqueue_dma source(%dma_start3A_66 : memref<250x80xi32, #tpu.memory_space<hbm>>) target(%arg8 : memref<250x80xi32, #tpu.memory_space<vmem>>) target_semaphore(%run_scoped3A_58 : memref<!tpu.dma_semaphore, #tpu.memory_space<semaphore_mem>>)
      %dma_wait3A_67 = arith.constant 0 : i32
      %dma_wait3A_68 = arith.constant 0 : i32
      %dma_wait3A_69 = tpu.memref_slice %arg4[%arg0, %arg1, %dma_wait3A_67, %dma_wait3A_68] : memref<2x16x250x80xi32, #tpu.memory_space<hbm>> -> memref<1x1x250x80xi32, #tpu.memory_space<hbm>>
      %dma_wait3A_70 = tpu.memref_squeeze %dma_wait3A_69 : memref<1x1x250x80xi32, #tpu.memory_space<hbm>> -> memref<250x80xi32, #tpu.memory_space<hbm>>
      %dma_wait3A_71 = arith.constant 0 : i32
      %dma_wait3A_72 = arith.constant 0 : i32
      %dma_wait3A_73 = tpu.memref_slice %arg4[%arg0, %arg1, %dma_wait3A_71, %dma_wait3A_72] : memref<2x16x250x80xi32, #tpu.memory_space<hbm>> -> memref<1x1x250x80xi32, #tpu.memory_space<hbm>>
      %dma_wait3A_74 = tpu.memref_squeeze %dma_wait3A_73 : memref<1x1x250x80xi32, #tpu.memory_space<hbm>> -> memref<250x80xi32, #tpu.memory_space<hbm>>
      tpu.wait_dma2 semaphore(%run_scoped3A_58 : memref<!tpu.dma_semaphore, #tpu.memory_space<semaphore_mem>>) src(%dma_wait3A_74 : memref<250x80xi32, #tpu.memory_space<hbm>>) dst(%arg8 : memref<250x80xi32, #tpu.memory_space<vmem>>)
      tpu.yield
    }) : () -> ()
    %barrier3A = arith.constant 0 : index
    tpu.barrier barrier_id(%barrier3A)
    %dma_start3A = arith.constant 0 : i32
    %dma_start3A_1 = arith.constant 0 : i32
    %dma_start3A_2 = arith.constant 0 : i32
    %dma_start3A_3 = arith.constant 0 : i32
    %dma_start3A_4 = tpu.memref_slice %arg9[%dma_start3A_1, %dma_start3A_2, %dma_start3A_3] : memref<2x80x128xf32, #tpu.memory_space<vmem>> -> memref<1x80x128xf32, #tpu.memory_space<vmem>>
    %dma_start3A_5 = tpu.memref_squeeze %dma_start3A_4 : memref<1x80x128xf32, #tpu.memory_space<vmem>> -> memref<80x128xf32, #tpu.memory_space<vmem>>
    %dma_start3A_6 = arith.constant 0 : i32
    %dma_start3A_7 = tpu.memref_slice %arg7[%dma_start3A, %dma_start3A_6] : memref<250x80xi32, #tpu.memory_space<vmem>> -> memref<1x80xi32, #tpu.memory_space<vmem>>
    %dma_start3A_8 = tpu.memref_squeeze %dma_start3A_7 : memref<1x80xi32, #tpu.memory_space<vmem>> -> memref<80xi32, #tpu.memory_space<vmem>>
    %dma_start3A_9 = arith.constant 0 : i32
    %dma_start3A_10 = arith.constant 0 : i32
    %dma_start3A_11 = tpu.memref_slice %arg2[%dma_start3A_9, %dma_start3A_10] : memref<10112x128xf32, #tpu.memory_space<hbm>> -> memref<10112x128xf32, #tpu.memory_space<hbm>>
    tpu.enqueue_indirect_dma source(%dma_start3A_11 : memref<10112x128xf32, #tpu.memory_space<hbm>>) target(%dma_start3A_5 : memref<80x128xf32, #tpu.memory_space<vmem>>) offsets(%dma_start3A_8 : memref<80xi32, #tpu.memory_space<vmem>>) semaphore(%arg11 : memref<!tpu.dma_semaphore, #tpu.memory_space<semaphore_mem>>)
    %scan3A = arith.constant 0 : i32
    %scan3A_12 = arith.constant 0 : i32
    %scan3A_13 = arith.constant 124 : i32
    %scan3A_14 = arith.addi %scan3A_12, %scan3A_13 : i32
    %scan3A_15 = arith.constant 1 : i32
    scf.for %scan3A_58 = %scan3A_12 to %scan3A_14 step %scan3A_15  : i32 {
      %mul3A_59 = arith.constant 2 : i32
      %mul3A_60 = arith.muli %mul3A_59, %scan3A_58 : i32
      %add3A = arith.constant 1 : i32
      %add3A_61 = arith.addi %mul3A_60, %add3A : i32
      %add3A_62 = arith.constant 2 : i32
      %add3A_63 = arith.addi %mul3A_60, %add3A_62 : i32
      %dma_start3A_64 = arith.constant 1 : i32
      %dma_start3A_65 = arith.constant 0 : i32
      %dma_start3A_66 = arith.constant 0 : i32
      %dma_start3A_67 = tpu.memref_slice %arg9[%dma_start3A_64, %dma_start3A_65, %dma_start3A_66] : memref<2x80x128xf32, #tpu.memory_space<vmem>> -> memref<1x80x128xf32, #tpu.memory_space<vmem>>
      %dma_start3A_68 = tpu.memref_squeeze %dma_start3A_67 : memref<1x80x128xf32, #tpu.memory_space<vmem>> -> memref<80x128xf32, #tpu.memory_space<vmem>>
      %dma_start3A_69 = arith.constant 0 : i32
      %dma_start3A_70 = tpu.memref_slice %arg7[%add3A_61, %dma_start3A_69] : memref<250x80xi32, #tpu.memory_space<vmem>> -> memref<1x80xi32, #tpu.memory_space<vmem>>
      %dma_start3A_71 = tpu.memref_squeeze %dma_start3A_70 : memref<1x80xi32, #tpu.memory_space<vmem>> -> memref<80xi32, #tpu.memory_space<vmem>>
      %dma_start3A_72 = arith.constant 0 : i32
      %dma_start3A_73 = arith.constant 0 : i32
      %dma_start3A_74 = tpu.memref_slice %arg2[%dma_start3A_72, %dma_start3A_73] : memref<10112x128xf32, #tpu.memory_space<hbm>> -> memref<10112x128xf32, #tpu.memory_space<hbm>>
      tpu.enqueue_indirect_dma source(%dma_start3A_74 : memref<10112x128xf32, #tpu.memory_space<hbm>>) target(%dma_start3A_68 : memref<80x128xf32, #tpu.memory_space<vmem>>) offsets(%dma_start3A_71 : memref<80xi32, #tpu.memory_space<vmem>>) semaphore(%arg12 : memref<!tpu.dma_semaphore, #tpu.memory_space<semaphore_mem>>)
      %dma_wait3A_75 = arith.constant 0 : i32
      %dma_wait3A_76 = arith.constant 0 : i32
      %dma_wait3A_77 = arith.constant 0 : i32
      %dma_wait3A_78 = tpu.memref_slice %arg9[%dma_wait3A_75, %dma_wait3A_76, %dma_wait3A_77] : memref<2x80x128xf32, #tpu.memory_space<vmem>> -> memref<1x80x128xf32, #tpu.memory_space<vmem>>
      %dma_wait3A_79 = tpu.memref_squeeze %dma_wait3A_78 : memref<1x80x128xf32, #tpu.memory_space<vmem>> -> memref<80x128xf32, #tpu.memory_space<vmem>>
      %dma_wait3A_80 = arith.constant 0 : i32
      %dma_wait3A_81 = tpu.memref_slice %arg7[%mul3A_60, %dma_wait3A_80] : memref<250x80xi32, #tpu.memory_space<vmem>> -> memref<1x80xi32, #tpu.memory_space<vmem>>
      %dma_wait3A_82 = tpu.memref_squeeze %dma_wait3A_81 : memref<1x80xi32, #tpu.memory_space<vmem>> -> memref<80xi32, #tpu.memory_space<vmem>>
      %dma_wait3A_83 = arith.constant 0 : i32
      %dma_wait3A_84 = arith.constant 0 : i32
      %dma_wait3A_85 = tpu.memref_slice %arg2[%dma_wait3A_83, %dma_wait3A_84] : memref<10112x128xf32, #tpu.memory_space<hbm>> -> memref<10112x128xf32, #tpu.memory_space<hbm>>
      tpu.wait_indirect_dma semaphore(%arg11 : memref<!tpu.dma_semaphore, #tpu.memory_space<semaphore_mem>>) src(%dma_wait3A_85 : memref<10112x128xf32, #tpu.memory_space<hbm>>) dst(%dma_wait3A_79 : memref<80x128xf32, #tpu.memory_space<vmem>>)
      %run_scoped3A_86 = arith.constant 0 : i32
      "tpu.region"() ({
        %run_scoped3A_110 = tpu.sem_alloc : memref<!tpu.dma_semaphore, #tpu.memory_space<semaphore_mem>>
        %dma_start3A_111 = arith.constant 0 : i32
        %dma_start3A_112 = arith.constant 0 : i32
        %dma_start3A_113 = tpu.memref_slice %arg9[%run_scoped3A_86, %dma_start3A_111, %dma_start3A_112] : memref<2x80x128xf32, #tpu.memory_space<vmem>> -> memref<1x80x128xf32, #tpu.memory_space<vmem>>
        %dma_start3A_114 = tpu.memref_squeeze %dma_start3A_113 : memref<1x80x128xf32, #tpu.memory_space<vmem>> -> memref<80x128xf32, #tpu.memory_space<vmem>>
        %dma_start3A_115 = arith.constant 0 : i32
        %dma_start3A_116 = tpu.memref_slice %arg8[%mul3A_60, %dma_start3A_115] : memref<250x80xi32, #tpu.memory_space<vmem>> -> memref<1x80xi32, #tpu.memory_space<vmem>>
        %dma_start3A_117 = tpu.memref_squeeze %dma_start3A_116 : memref<1x80xi32, #tpu.memory_space<vmem>> -> memref<80xi32, #tpu.memory_space<vmem>>
        %dma_start3A_118 = arith.constant 0 : i32
        %dma_start3A_119 = arith.constant 0 : i32
        %dma_start3A_120 = tpu.memref_slice %arg10[%dma_start3A_118, %dma_start3A_119] : memref<5120x128xf32, #tpu.memory_space<vmem_shared>> -> memref<5120x128xf32, #tpu.memory_space<vmem_shared>>
        tpu.enqueue_indirect_dma source(%dma_start3A_114 : memref<80x128xf32, #tpu.memory_space<vmem>>) target(%dma_start3A_120 : memref<5120x128xf32, #tpu.memory_space<vmem_shared>>) offsets(%dma_start3A_117 : memref<80xi32, #tpu.memory_space<vmem>>) semaphore(%run_scoped3A_110 : memref<!tpu.dma_semaphore, #tpu.memory_space<semaphore_mem>>) {add = true}
        %dma_wait3A_121 = arith.constant 0 : i32
        %dma_wait3A_122 = arith.constant 0 : i32
        %dma_wait3A_123 = tpu.memref_slice %arg9[%run_scoped3A_86, %dma_wait3A_121, %dma_wait3A_122] : memref<2x80x128xf32, #tpu.memory_space<vmem>> -> memref<1x80x128xf32, #tpu.memory_space<vmem>>
        %dma_wait3A_124 = tpu.memref_squeeze %dma_wait3A_123 : memref<1x80x128xf32, #tpu.memory_space<vmem>> -> memref<80x128xf32, #tpu.memory_space<vmem>>
        %dma_wait3A_125 = arith.constant 0 : i32
        %dma_wait3A_126 = tpu.memref_slice %arg8[%mul3A_60, %dma_wait3A_125] : memref<250x80xi32, #tpu.memory_space<vmem>> -> memref<1x80xi32, #tpu.memory_space<vmem>>
        %dma_wait3A_127 = tpu.memref_squeeze %dma_wait3A_126 : memref<1x80xi32, #tpu.memory_space<vmem>> -> memref<80xi32, #tpu.memory_space<vmem>>
        %dma_wait3A_128 = arith.constant 0 : i32
        %dma_wait3A_129 = arith.constant 0 : i32
        %dma_wait3A_130 = tpu.memref_slice %arg10[%dma_wait3A_128, %dma_wait3A_129] : memref<5120x128xf32, #tpu.memory_space<vmem_shared>> -> memref<5120x128xf32, #tpu.memory_space<vmem_shared>>
        tpu.wait_indirect_dma semaphore(%run_scoped3A_110 : memref<!tpu.dma_semaphore, #tpu.memory_space<semaphore_mem>>) src(%dma_wait3A_124 : memref<80x128xf32, #tpu.memory_space<vmem>>) dst(%dma_wait3A_130 : memref<5120x128xf32, #tpu.memory_space<vmem_shared>>)
        tpu.yield
      }) : () -> ()
      %dma_start3A_87 = arith.constant 0 : i32
      %dma_start3A_88 = arith.constant 0 : i32
      %dma_start3A_89 = arith.constant 0 : i32
      %dma_start3A_90 = tpu.memref_slice %arg9[%dma_start3A_87, %dma_start3A_88, %dma_start3A_89] : memref<2x80x128xf32, #tpu.memory_space<vmem>> -> memref<1x80x128xf32, #tpu.memory_space<vmem>>
      %dma_start3A_91 = tpu.memref_squeeze %dma_start3A_90 : memref<1x80x128xf32, #tpu.memory_space<vmem>> -> memref<80x128xf32, #tpu.memory_space<vmem>>
      %dma_start3A_92 = arith.constant 0 : i32
      %dma_start3A_93 = tpu.memref_slice %arg7[%add3A_63, %dma_start3A_92] : memref<250x80xi32, #tpu.memory_space<vmem>> -> memref<1x80xi32, #tpu.memory_space<vmem>>
      %dma_start3A_94 = tpu.memref_squeeze %dma_start3A_93 : memref<1x80xi32, #tpu.memory_space<vmem>> -> memref<80xi32, #tpu.memory_space<vmem>>
      %dma_start3A_95 = arith.constant 0 : i32
      %dma_start3A_96 = arith.constant 0 : i32
      %dma_start3A_97 = tpu.memref_slice %arg2[%dma_start3A_95, %dma_start3A_96] : memref<10112x128xf32, #tpu.memory_space<hbm>> -> memref<10112x128xf32, #tpu.memory_space<hbm>>
      tpu.enqueue_indirect_dma source(%dma_start3A_97 : memref<10112x128xf32, #tpu.memory_space<hbm>>) target(%dma_start3A_91 : memref<80x128xf32, #tpu.memory_space<vmem>>) offsets(%dma_start3A_94 : memref<80xi32, #tpu.memory_space<vmem>>) semaphore(%arg11 : memref<!tpu.dma_semaphore, #tpu.memory_space<semaphore_mem>>)
      %dma_wait3A_98 = arith.constant 1 : i32
      %dma_wait3A_99 = arith.constant 0 : i32
      %dma_wait3A_100 = arith.constant 0 : i32
      %dma_wait3A_101 = tpu.memref_slice %arg9[%dma_wait3A_98, %dma_wait3A_99, %dma_wait3A_100] : memref<2x80x128xf32, #tpu.memory_space<vmem>> -> memref<1x80x128xf32, #tpu.memory_space<vmem>>
      %dma_wait3A_102 = tpu.memref_squeeze %dma_wait3A_101 : memref<1x80x128xf32, #tpu.memory_space<vmem>> -> memref<80x128xf32, #tpu.memory_space<vmem>>
      %dma_wait3A_103 = arith.constant 0 : i32
      %dma_wait3A_104 = tpu.memref_slice %arg7[%add3A_61, %dma_wait3A_103] : memref<250x80xi32, #tpu.memory_space<vmem>> -> memref<1x80xi32, #tpu.memory_space<vmem>>
      %dma_wait3A_105 = tpu.memref_squeeze %dma_wait3A_104 : memref<1x80xi32, #tpu.memory_space<vmem>> -> memref<80xi32, #tpu.memory_space<vmem>>
      %dma_wait3A_106 = arith.constant 0 : i32
      %dma_wait3A_107 = arith.constant 0 : i32
      %dma_wait3A_108 = tpu.memref_slice %arg2[%dma_wait3A_106, %dma_wait3A_107] : memref<10112x128xf32, #tpu.memory_space<hbm>> -> memref<10112x128xf32, #tpu.memory_space<hbm>>
      tpu.wait_indirect_dma semaphore(%arg12 : memref<!tpu.dma_semaphore, #tpu.memory_space<semaphore_mem>>) src(%dma_wait3A_108 : memref<10112x128xf32, #tpu.memory_space<hbm>>) dst(%dma_wait3A_102 : memref<80x128xf32, #tpu.memory_space<vmem>>)
      %run_scoped3A_109 = arith.constant 1 : i32
      "tpu.region"() ({
        %run_scoped3A_110 = tpu.sem_alloc : memref<!tpu.dma_semaphore, #tpu.memory_space<semaphore_mem>>
        %dma_start3A_111 = arith.constant 0 : i32
        %dma_start3A_112 = arith.constant 0 : i32
        %dma_start3A_113 = tpu.memref_slice %arg9[%run_scoped3A_109, %dma_start3A_111, %dma_start3A_112] : memref<2x80x128xf32, #tpu.memory_space<vmem>> -> memref<1x80x128xf32, #tpu.memory_space<vmem>>
        %dma_start3A_114 = tpu.memref_squeeze %dma_start3A_113 : memref<1x80x128xf32, #tpu.memory_space<vmem>> -> memref<80x128xf32, #tpu.memory_space<vmem>>
        %dma_start3A_115 = arith.constant 0 : i32
        %dma_start3A_116 = tpu.memref_slice %arg8[%add3A_61, %dma_start3A_115] : memref<250x80xi32, #tpu.memory_space<vmem>> -> memref<1x80xi32, #tpu.memory_space<vmem>>
        %dma_start3A_117 = tpu.memref_squeeze %dma_start3A_116 : memref<1x80xi32, #tpu.memory_space<vmem>> -> memref<80xi32, #tpu.memory_space<vmem>>
        %dma_start3A_118 = arith.constant 0 : i32
        %dma_start3A_119 = arith.constant 0 : i32
        %dma_start3A_120 = tpu.memref_slice %arg10[%dma_start3A_118, %dma_start3A_119] : memref<5120x128xf32, #tpu.memory_space<vmem_shared>> -> memref<5120x128xf32, #tpu.memory_space<vmem_shared>>
        tpu.enqueue_indirect_dma source(%dma_start3A_114 : memref<80x128xf32, #tpu.memory_space<vmem>>) target(%dma_start3A_120 : memref<5120x128xf32, #tpu.memory_space<vmem_shared>>) offsets(%dma_start3A_117 : memref<80xi32, #tpu.memory_space<vmem>>) semaphore(%run_scoped3A_110 : memref<!tpu.dma_semaphore, #tpu.memory_space<semaphore_mem>>) {add = true}
        %dma_wait3A_121 = arith.constant 0 : i32
        %dma_wait3A_122 = arith.constant 0 : i32
        %dma_wait3A_123 = tpu.memref_slice %arg9[%run_scoped3A_109, %dma_wait3A_121, %dma_wait3A_122] : memref<2x80x128xf32, #tpu.memory_space<vmem>> -> memref<1x80x128xf32, #tpu.memory_space<vmem>>
        %dma_wait3A_124 = tpu.memref_squeeze %dma_wait3A_123 : memref<1x80x128xf32, #tpu.memory_space<vmem>> -> memref<80x128xf32, #tpu.memory_space<vmem>>
        %dma_wait3A_125 = arith.constant 0 : i32
        %dma_wait3A_126 = tpu.memref_slice %arg8[%add3A_61, %dma_wait3A_125] : memref<250x80xi32, #tpu.memory_space<vmem>> -> memref<1x80xi32, #tpu.memory_space<vmem>>
        %dma_wait3A_127 = tpu.memref_squeeze %dma_wait3A_126 : memref<1x80xi32, #tpu.memory_space<vmem>> -> memref<80xi32, #tpu.memory_space<vmem>>
        %dma_wait3A_128 = arith.constant 0 : i32
        %dma_wait3A_129 = arith.constant 0 : i32
        %dma_wait3A_130 = tpu.memref_slice %arg10[%dma_wait3A_128, %dma_wait3A_129] : memref<5120x128xf32, #tpu.memory_space<vmem_shared>> -> memref<5120x128xf32, #tpu.memory_space<vmem_shared>>
        tpu.wait_indirect_dma semaphore(%run_scoped3A_110 : memref<!tpu.dma_semaphore, #tpu.memory_space<semaphore_mem>>) src(%dma_wait3A_124 : memref<80x128xf32, #tpu.memory_space<vmem>>) dst(%dma_wait3A_130 : memref<5120x128xf32, #tpu.memory_space<vmem_shared>>)
        tpu.yield
      }) : () -> ()
    }
    %scan3A_16 = arith.constant 124 : i32
    %dma_start3A_17 = arith.constant 249 : i32
    %dma_start3A_18 = arith.constant 1 : i32
    %dma_start3A_19 = arith.constant 0 : i32
    %dma_start3A_20 = arith.constant 0 : i32
    %dma_start3A_21 = tpu.memref_slice %arg9[%dma_start3A_18, %dma_start3A_19, %dma_start3A_20] : memref<2x80x128xf32, #tpu.memory_space<vmem>> -> memref<1x80x128xf32, #tpu.memory_space<vmem>>
    %dma_start3A_22 = tpu.memref_squeeze %dma_start3A_21 : memref<1x80x128xf32, #tpu.memory_space<vmem>> -> memref<80x128xf32, #tpu.memory_space<vmem>>
    %dma_start3A_23 = arith.constant 0 : i32
    %dma_start3A_24 = tpu.memref_slice %arg7[%dma_start3A_17, %dma_start3A_23] : memref<250x80xi32, #tpu.memory_space<vmem>> -> memref<1x80xi32, #tpu.memory_space<vmem>>
    %dma_start3A_25 = tpu.memref_squeeze %dma_start3A_24 : memref<1x80xi32, #tpu.memory_space<vmem>> -> memref<80xi32, #tpu.memory_space<vmem>>
    %dma_start3A_26 = arith.constant 0 : i32
    %dma_start3A_27 = arith.constant 0 : i32
    %dma_start3A_28 = tpu.memref_slice %arg2[%dma_start3A_26, %dma_start3A_27] : memref<10112x128xf32, #tpu.memory_space<hbm>> -> memref<10112x128xf32, #tpu.memory_space<hbm>>
    tpu.enqueue_indirect_dma source(%dma_start3A_28 : memref<10112x128xf32, #tpu.memory_space<hbm>>) target(%dma_start3A_22 : memref<80x128xf32, #tpu.memory_space<vmem>>) offsets(%dma_start3A_25 : memref<80xi32, #tpu.memory_space<vmem>>) semaphore(%arg12 : memref<!tpu.dma_semaphore, #tpu.memory_space<semaphore_mem>>)
    %dma_wait3A = arith.constant 248 : i32
    %dma_wait3A_29 = arith.constant 0 : i32
    %dma_wait3A_30 = arith.constant 0 : i32
    %dma_wait3A_31 = arith.constant 0 : i32
    %dma_wait3A_32 = tpu.memref_slice %arg9[%dma_wait3A_29, %dma_wait3A_30, %dma_wait3A_31] : memref<2x80x128xf32, #tpu.memory_space<vmem>> -> memref<1x80x128xf32, #tpu.memory_space<vmem>>
    %dma_wait3A_33 = tpu.memref_squeeze %dma_wait3A_32 : memref<1x80x128xf32, #tpu.memory_space<vmem>> -> memref<80x128xf32, #tpu.memory_space<vmem>>
    %dma_wait3A_34 = arith.constant 0 : i32
    %dma_wait3A_35 = tpu.memref_slice %arg7[%dma_wait3A, %dma_wait3A_34] : memref<250x80xi32, #tpu.memory_space<vmem>> -> memref<1x80xi32, #tpu.memory_space<vmem>>
    %dma_wait3A_36 = tpu.memref_squeeze %dma_wait3A_35 : memref<1x80xi32, #tpu.memory_space<vmem>> -> memref<80xi32, #tpu.memory_space<vmem>>
    %dma_wait3A_37 = arith.constant 0 : i32
    %dma_wait3A_38 = arith.constant 0 : i32
    %dma_wait3A_39 = tpu.memref_slice %arg2[%dma_wait3A_37, %dma_wait3A_38] : memref<10112x128xf32, #tpu.memory_space<hbm>> -> memref<10112x128xf32, #tpu.memory_space<hbm>>
    tpu.wait_indirect_dma semaphore(%arg11 : memref<!tpu.dma_semaphore, #tpu.memory_space<semaphore_mem>>) src(%dma_wait3A_39 : memref<10112x128xf32, #tpu.memory_space<hbm>>) dst(%dma_wait3A_33 : memref<80x128xf32, #tpu.memory_space<vmem>>)
    %run_scoped3A = arith.constant 0 : i32
    %run_scoped3A_40 = arith.constant 248 : i32
    "tpu.region"() ({
      %run_scoped3A_58 = tpu.sem_alloc : memref<!tpu.dma_semaphore, #tpu.memory_space<semaphore_mem>>
      %dma_start3A_59 = arith.constant 0 : i32
      %dma_start3A_60 = arith.constant 0 : i32
      %dma_start3A_61 = tpu.memref_slice %arg9[%run_scoped3A, %dma_start3A_59, %dma_start3A_60] : memref<2x80x128xf32, #tpu.memory_space<vmem>> -> memref<1x80x128xf32, #tpu.memory_space<vmem>>
      %dma_start3A_62 = tpu.memref_squeeze %dma_start3A_61 : memref<1x80x128xf32, #tpu.memory_space<vmem>> -> memref<80x128xf32, #tpu.memory_space<vmem>>
      %dma_start3A_63 = arith.constant 0 : i32
      %dma_start3A_64 = tpu.memref_slice %arg8[%run_scoped3A_40, %dma_start3A_63] : memref<250x80xi32, #tpu.memory_space<vmem>> -> memref<1x80xi32, #tpu.memory_space<vmem>>
      %dma_start3A_65 = tpu.memref_squeeze %dma_start3A_64 : memref<1x80xi32, #tpu.memory_space<vmem>> -> memref<80xi32, #tpu.memory_space<vmem>>
      %dma_start3A_66 = arith.constant 0 : i32
      %dma_start3A_67 = arith.constant 0 : i32
      %dma_start3A_68 = tpu.memref_slice %arg10[%dma_start3A_66, %dma_start3A_67] : memref<5120x128xf32, #tpu.memory_space<vmem_shared>> -> memref<5120x128xf32, #tpu.memory_space<vmem_shared>>
      tpu.enqueue_indirect_dma source(%dma_start3A_62 : memref<80x128xf32, #tpu.memory_space<vmem>>) target(%dma_start3A_68 : memref<5120x128xf32, #tpu.memory_space<vmem_shared>>) offsets(%dma_start3A_65 : memref<80xi32, #tpu.memory_space<vmem>>) semaphore(%run_scoped3A_58 : memref<!tpu.dma_semaphore, #tpu.memory_space<semaphore_mem>>) {add = true}
      %dma_wait3A_69 = arith.constant 0 : i32
      %dma_wait3A_70 = arith.constant 0 : i32
      %dma_wait3A_71 = tpu.memref_slice %arg9[%run_scoped3A, %dma_wait3A_69, %dma_wait3A_70] : memref<2x80x128xf32, #tpu.memory_space<vmem>> -> memref<1x80x128xf32, #tpu.memory_space<vmem>>
      %dma_wait3A_72 = tpu.memref_squeeze %dma_wait3A_71 : memref<1x80x128xf32, #tpu.memory_space<vmem>> -> memref<80x128xf32, #tpu.memory_space<vmem>>
      %dma_wait3A_73 = arith.constant 0 : i32
      %dma_wait3A_74 = tpu.memref_slice %arg8[%run_scoped3A_40, %dma_wait3A_73] : memref<250x80xi32, #tpu.memory_space<vmem>> -> memref<1x80xi32, #tpu.memory_space<vmem>>
      %dma_wait3A_75 = tpu.memref_squeeze %dma_wait3A_74 : memref<1x80xi32, #tpu.memory_space<vmem>> -> memref<80xi32, #tpu.memory_space<vmem>>
      %dma_wait3A_76 = arith.constant 0 : i32
      %dma_wait3A_77 = arith.constant 0 : i32
      %dma_wait3A_78 = tpu.memref_slice %arg10[%dma_wait3A_76, %dma_wait3A_77] : memref<5120x128xf32, #tpu.memory_space<vmem_shared>> -> memref<5120x128xf32, #tpu.memory_space<vmem_shared>>
      tpu.wait_indirect_dma semaphore(%run_scoped3A_58 : memref<!tpu.dma_semaphore, #tpu.memory_space<semaphore_mem>>) src(%dma_wait3A_72 : memref<80x128xf32, #tpu.memory_space<vmem>>) dst(%dma_wait3A_78 : memref<5120x128xf32, #tpu.memory_space<vmem_shared>>)
      tpu.yield
    }) : () -> ()
    %dma_wait3A_41 = arith.constant 249 : i32
    %dma_wait3A_42 = arith.constant 1 : i32
    %dma_wait3A_43 = arith.constant 0 : i32
    %dma_wait3A_44 = arith.constant 0 : i32
    %dma_wait3A_45 = tpu.memref_slice %arg9[%dma_wait3A_42, %dma_wait3A_43, %dma_wait3A_44] : memref<2x80x128xf32, #tpu.memory_space<vmem>> -> memref<1x80x128xf32, #tpu.memory_space<vmem>>
    %dma_wait3A_46 = tpu.memref_squeeze %dma_wait3A_45 : memref<1x80x128xf32, #tpu.memory_space<vmem>> -> memref<80x128xf32, #tpu.memory_space<vmem>>
    %dma_wait3A_47 = arith.constant 0 : i32
    %dma_wait3A_48 = tpu.memref_slice %arg7[%dma_wait3A_41, %dma_wait3A_47] : memref<250x80xi32, #tpu.memory_space<vmem>> -> memref<1x80xi32, #tpu.memory_space<vmem>>
    %dma_wait3A_49 = tpu.memref_squeeze %dma_wait3A_48 : memref<1x80xi32, #tpu.memory_space<vmem>> -> memref<80xi32, #tpu.memory_space<vmem>>
    %dma_wait3A_50 = arith.constant 0 : i32
    %dma_wait3A_51 = arith.constant 0 : i32
    %dma_wait3A_52 = tpu.memref_slice %arg2[%dma_wait3A_50, %dma_wait3A_51] : memref<10112x128xf32, #tpu.memory_space<hbm>> -> memref<10112x128xf32, #tpu.memory_space<hbm>>
    tpu.wait_indirect_dma semaphore(%arg12 : memref<!tpu.dma_semaphore, #tpu.memory_space<semaphore_mem>>) src(%dma_wait3A_52 : memref<10112x128xf32, #tpu.memory_space<hbm>>) dst(%dma_wait3A_46 : memref<80x128xf32, #tpu.memory_space<vmem>>)
    %run_scoped3A_53 = arith.constant 1 : i32
    %run_scoped3A_54 = arith.constant 249 : i32
    "tpu.region"() ({
      %run_scoped3A_58 = tpu.sem_alloc : memref<!tpu.dma_semaphore, #tpu.memory_space<semaphore_mem>>
      %dma_start3A_59 = arith.constant 0 : i32
      %dma_start3A_60 = arith.constant 0 : i32
      %dma_start3A_61 = tpu.memref_slice %arg9[%run_scoped3A_53, %dma_start3A_59, %dma_start3A_60] : memref<2x80x128xf32, #tpu.memory_space<vmem>> -> memref<1x80x128xf32, #tpu.memory_space<vmem>>
      %dma_start3A_62 = tpu.memref_squeeze %dma_start3A_61 : memref<1x80x128xf32, #tpu.memory_space<vmem>> -> memref<80x128xf32, #tpu.memory_space<vmem>>
      %dma_start3A_63 = arith.constant 0 : i32
      %dma_start3A_64 = tpu.memref_slice %arg8[%run_scoped3A_54, %dma_start3A_63] : memref<250x80xi32, #tpu.memory_space<vmem>> -> memref<1x80xi32, #tpu.memory_space<vmem>>
      %dma_start3A_65 = tpu.memref_squeeze %dma_start3A_64 : memref<1x80xi32, #tpu.memory_space<vmem>> -> memref<80xi32, #tpu.memory_space<vmem>>
      %dma_start3A_66 = arith.constant 0 : i32
      %dma_start3A_67 = arith.constant 0 : i32
      %dma_start3A_68 = tpu.memref_slice %arg10[%dma_start3A_66, %dma_start3A_67] : memref<5120x128xf32, #tpu.memory_space<vmem_shared>> -> memref<5120x128xf32, #tpu.memory_space<vmem_shared>>
      tpu.enqueue_indirect_dma source(%dma_start3A_62 : memref<80x128xf32, #tpu.memory_space<vmem>>) target(%dma_start3A_68 : memref<5120x128xf32, #tpu.memory_space<vmem_shared>>) offsets(%dma_start3A_65 : memref<80xi32, #tpu.memory_space<vmem>>) semaphore(%run_scoped3A_58 : memref<!tpu.dma_semaphore, #tpu.memory_space<semaphore_mem>>) {add = true}
      %dma_wait3A_69 = arith.constant 0 : i32
      %dma_wait3A_70 = arith.constant 0 : i32
      %dma_wait3A_71 = tpu.memref_slice %arg9[%run_scoped3A_53, %dma_wait3A_69, %dma_wait3A_70] : memref<2x80x128xf32, #tpu.memory_space<vmem>> -> memref<1x80x128xf32, #tpu.memory_space<vmem>>
      %dma_wait3A_72 = tpu.memref_squeeze %dma_wait3A_71 : memref<1x80x128xf32, #tpu.memory_space<vmem>> -> memref<80x128xf32, #tpu.memory_space<vmem>>
      %dma_wait3A_73 = arith.constant 0 : i32
      %dma_wait3A_74 = tpu.memref_slice %arg8[%run_scoped3A_54, %dma_wait3A_73] : memref<250x80xi32, #tpu.memory_space<vmem>> -> memref<1x80xi32, #tpu.memory_space<vmem>>
      %dma_wait3A_75 = tpu.memref_squeeze %dma_wait3A_74 : memref<1x80xi32, #tpu.memory_space<vmem>> -> memref<80xi32, #tpu.memory_space<vmem>>
      %dma_wait3A_76 = arith.constant 0 : i32
      %dma_wait3A_77 = arith.constant 0 : i32
      %dma_wait3A_78 = tpu.memref_slice %arg10[%dma_wait3A_76, %dma_wait3A_77] : memref<5120x128xf32, #tpu.memory_space<vmem_shared>> -> memref<5120x128xf32, #tpu.memory_space<vmem_shared>>
      tpu.wait_indirect_dma semaphore(%run_scoped3A_58 : memref<!tpu.dma_semaphore, #tpu.memory_space<semaphore_mem>>) src(%dma_wait3A_72 : memref<80x128xf32, #tpu.memory_space<vmem>>) dst(%dma_wait3A_78 : memref<5120x128xf32, #tpu.memory_space<vmem_shared>>)
      tpu.yield
    }) : () -> ()
    %barrier3A_55 = arith.constant 0 : index
    tpu.barrier barrier_id(%barrier3A_55)
    %lt3A = arith.constant 8 : i32
    %lt3A_56 = arith.cmpi slt, %arg1, %lt3A : i32
    %convert_element_type3A = arith.extui %lt3A_56 : i1 to i32
    %cond3A = arith.constant 0 : i32
    %cond3A_57 = arith.cmpi ne, %convert_element_type3A, %cond3A : i32
    scf.if %cond3A_57 {
      %mul3A_58 = arith.constant 632 : i32
      %mul3A_59 = arith.muli %arg1, %mul3A_58 : i32
      %mul3A_60 = arith.constant 5056 : i32
      %mul3A_61 = arith.muli %arg0, %mul3A_60 : i32
      %mul3A_62 = arith.constant 632 : i32
      %mul3A_63 = arith.muli %arg1, %mul3A_62 : i32
      %add3A = arith.addi %mul3A_61, %mul3A_63 : i32
      "tpu.region"() ({
        %run_scoped3A_64 = tpu.sem_alloc : memref<!tpu.dma_semaphore, #tpu.memory_space<semaphore_mem>>
        %dma_start3A_65 = arith.constant 0 : i32
        %dma_start3A_66 = tpu.memref_slice %arg6[%add3A, %dma_start3A_65] : memref<10112x128xf32, #tpu.memory_space<hbm>> -> memref<632x128xf32, #tpu.memory_space<hbm>>
        %dma_start3A_67 = arith.constant 0 : i32
        %dma_start3A_68 = tpu.memref_slice %arg10[%mul3A_59, %dma_start3A_67] : memref<5120x128xf32, #tpu.memory_space<vmem_shared>> -> memref<632x128xf32, #tpu.memory_space<vmem_shared>>
        tpu.enqueue_dma source(%dma_start3A_68 : memref<632x128xf32, #tpu.memory_space<vmem_shared>>) target(%dma_start3A_66 : memref<632x128xf32, #tpu.memory_space<hbm>>) target_semaphore(%run_scoped3A_64 : memref<!tpu.dma_semaphore, #tpu.memory_space<semaphore_mem>>)
        %dma_wait3A_69 = arith.constant 0 : i32
        %dma_wait3A_70 = tpu.memref_slice %arg6[%add3A, %dma_wait3A_69] : memref<10112x128xf32, #tpu.memory_space<hbm>> -> memref<632x128xf32, #tpu.memory_space<hbm>>
        %dma_wait3A_71 = arith.constant 0 : i32
        %dma_wait3A_72 = tpu.memref_slice %arg10[%mul3A_59, %dma_wait3A_71] : memref<5120x128xf32, #tpu.memory_space<vmem_shared>> -> memref<632x128xf32, #tpu.memory_space<vmem_shared>>
        tpu.wait_dma2 semaphore(%run_scoped3A_64 : memref<!tpu.dma_semaphore, #tpu.memory_space<semaphore_mem>>) src(%dma_wait3A_72 : memref<632x128xf32, #tpu.memory_space<vmem_shared>>) dst(%dma_wait3A_70 : memref<632x128xf32, #tpu.memory_space<hbm>>)
        tpu.yield
      }) : () -> ()
    } else {
    }
    return
  }
}

#map = affine_map<(d0, d1) -> (0, 0)>
#map1 = affine_map<(d0, d1) -> (0, 0, 0)>
#map2 = affine_map<(d0, d1) -> (0, 0, 0, 0)>
module attributes {stable_mosaic.version = 14 : i64} {
  func.func @_agg_kernel(%arg0: i32, %arg1: i32, %arg2: memref<10112x128xf32, #tpu.memory_space<hbm>>, %arg3: memref<16x250x80xi32, #tpu.memory_space<hbm>>, %arg4: memref<2x16x250x80xi32, #tpu.memory_space<hbm>>, %arg5: memref<632x128xf32, #tpu.memory_space<hbm>>, %arg6: memref<10112x128xf32, #tpu.memory_space<hbm>>, %arg7: memref<250x80xi32, #tpu.memory_space<vmem>>, %arg8: memref<250x80xi32, #tpu.memory_space<vmem>>, %arg9: memref<2x80x128xf32, #tpu.memory_space<vmem>>, %arg10: memref<5120x128xf32, #tpu.memory_space<vmem_shared>>, %arg11: memref<!tpu.dma_semaphore, #tpu.memory_space<semaphore_mem>>, %arg12: memref<!tpu.dma_semaphore, #tpu.memory_space<semaphore_mem>>) attributes {dimension_semantics = [#tpu.dimension_semantics<core_parallel>, #tpu.dimension_semantics<subcore_parallel>], iteration_bounds = array<i64: 2, 16>, scalar_prefetch = 0 : i64, scratch_operands = 6 : i64, tpu.core_type = #tpu.core_type<sc_vector_subcore>, window_params = [{transform_indices = #map}, {transform_indices = #map1}, {transform_indices = #map2}, {transform_indices = #map}, {transform_indices = #map}]} {
    %mul3A = arith.constant 320 : i32
    %mul3A_0 = arith.muli %arg1, %mul3A : i32
    "tpu.region"() ({
      %run_scoped3A_58 = tpu.sem_alloc : memref<!tpu.dma_semaphore, #tpu.memory_space<semaphore_mem>>
      %dma_start3A_59 = arith.constant 0 : i32
      %dma_start3A_60 = tpu.memref_slice %arg10[%mul3A_0, %dma_start3A_59] : memref<5120x128xf32, #tpu.memory_space<vmem_shared>> -> memref<320x128xf32, #tpu.memory_space<vmem_shared>>
      %dma_start3A_61 = arith.constant 0 : i32
      %dma_start3A_62 = arith.constant 0 : i32
      %dma_start3A_63 = tpu.memref_slice %arg5[%dma_start3A_61, %dma_start3A_62] : memref<632x128xf32, #tpu.memory_space<hbm>> -> memref<320x128xf32, #tpu.memory_space<hbm>>
      tpu.enqueue_dma source(%dma_start3A_63 : memref<320x128xf32, #tpu.memory_space<hbm>>) target(%dma_start3A_60 : memref<320x128xf32, #tpu.memory_space<vmem_shared>>) target_semaphore(%run_scoped3A_58 : memref<!tpu.dma_semaphore, #tpu.memory_space<semaphore_mem>>)
      %dma_wait3A_64 = arith.constant 0 : i32
      %dma_wait3A_65 = tpu.memref_slice %arg10[%mul3A_0, %dma_wait3A_64] : memref<5120x128xf32, #tpu.memory_space<vmem_shared>> -> memref<320x128xf32, #tpu.memory_space<vmem_shared>>
      %dma_wait3A_66 = arith.constant 0 : i32
      %dma_wait3A_67 = arith.constant 0 : i32
      %dma_wait3A_68 = tpu.memref_slice %arg5[%dma_wait3A_66, %dma_wait3A_67] : memref<632x128xf32, #tpu.memory_space<hbm>> -> memref<320x128xf32, #tpu.memory_space<hbm>>
      tpu.wait_dma2 semaphore(%run_scoped3A_58 : memref<!tpu.dma_semaphore, #tpu.memory_space<semaphore_mem>>) src(%dma_wait3A_68 : memref<320x128xf32, #tpu.memory_space<hbm>>) dst(%dma_wait3A_65 : memref<320x128xf32, #tpu.memory_space<vmem_shared>>)
      tpu.yield
    }) : () -> ()
    "tpu.region"() ({
      %run_scoped3A_58 = tpu.sem_alloc : memref<!tpu.dma_semaphore, #tpu.memory_space<semaphore_mem>>
      %dma_start3A_59 = arith.constant 0 : i32
      %dma_start3A_60 = arith.constant 0 : i32
      %dma_start3A_61 = tpu.memref_slice %arg3[%arg1, %dma_start3A_59, %dma_start3A_60] : memref<16x250x80xi32, #tpu.memory_space<hbm>> -> memref<1x250x80xi32, #tpu.memory_space<hbm>>
      %dma_start3A_62 = tpu.memref_squeeze %dma_start3A_61 : memref<1x250x80xi32, #tpu.memory_space<hbm>> -> memref<250x80xi32, #tpu.memory_space<hbm>>
      %dma_start3A_63 = arith.constant 0 : i32
      %dma_start3A_64 = arith.constant 0 : i32
      %dma_start3A_65 = tpu.memref_slice %arg3[%arg1, %dma_start3A_63, %dma_start3A_64] : memref<16x250x80xi32, #tpu.memory_space<hbm>> -> memref<1x250x80xi32, #tpu.memory_space<hbm>>
      %dma_start3A_66 = tpu.memref_squeeze %dma_start3A_65 : memref<1x250x80xi32, #tpu.memory_space<hbm>> -> memref<250x80xi32, #tpu.memory_space<hbm>>
      tpu.enqueue_dma source(%dma_start3A_66 : memref<250x80xi32, #tpu.memory_space<hbm>>) target(%arg7 : memref<250x80xi32, #tpu.memory_space<vmem>>) target_semaphore(%run_scoped3A_58 : memref<!tpu.dma_semaphore, #tpu.memory_space<semaphore_mem>>)
      %dma_wait3A_67 = arith.constant 0 : i32
      %dma_wait3A_68 = arith.constant 0 : i32
      %dma_wait3A_69 = tpu.memref_slice %arg3[%arg1, %dma_wait3A_67, %dma_wait3A_68] : memref<16x250x80xi32, #tpu.memory_space<hbm>> -> memref<1x250x80xi32, #tpu.memory_space<hbm>>
      %dma_wait3A_70 = tpu.memref_squeeze %dma_wait3A_69 : memref<1x250x80xi32, #tpu.memory_space<hbm>> -> memref<250x80xi32, #tpu.memory_space<hbm>>
      %dma_wait3A_71 = arith.constant 0 : i32
      %dma_wait3A_72 = arith.constant 0 : i32
      %dma_wait3A_73 = tpu.memref_slice %arg3[%arg1, %dma_wait3A_71, %dma_wait3A_72] : memref<16x250x80xi32, #tpu.memory_space<hbm>> -> memref<1x250x80xi32, #tpu.memory_space<hbm>>
      %dma_wait3A_74 = tpu.memref_squeeze %dma_wait3A_73 : memref<1x250x80xi32, #tpu.memory_space<hbm>> -> memref<250x80xi32, #tpu.memory_space<hbm>>
      tpu.wait_dma2 semaphore(%run_scoped3A_58 : memref<!tpu.dma_semaphore, #tpu.memory_space<semaphore_mem>>) src(%dma_wait3A_74 : memref<250x80xi32, #tpu.memory_space<hbm>>) dst(%arg7 : memref<250x80xi32, #tpu.memory_space<vmem>>)
      tpu.yield
    }) : () -> ()
    "tpu.region"() ({
      %run_scoped3A_58 = tpu.sem_alloc : memref<!tpu.dma_semaphore, #tpu.memory_space<semaphore_mem>>
      %dma_start3A_59 = arith.constant 0 : i32
      %dma_start3A_60 = arith.constant 0 : i32
      %dma_start3A_61 = tpu.memref_slice %arg4[%arg0, %arg1, %dma_start3A_59, %dma_start3A_60] : memref<2x16x250x80xi32, #tpu.memory_space<hbm>> -> memref<1x1x250x80xi32, #tpu.memory_space<hbm>>
      %dma_start3A_62 = tpu.memref_squeeze %dma_start3A_61 : memref<1x1x250x80xi32, #tpu.memory_space<hbm>> -> memref<250x80xi32, #tpu.memory_space<hbm>>
      %dma_start3A_63 = arith.constant 0 : i32
      %dma_start3A_64 = arith.constant 0 : i32
      %dma_start3A_65 = tpu.memref_slice %arg4[%arg0, %arg1, %dma_start3A_63, %dma_start3A_64] : memref<2x16x250x80xi32, #tpu.memory_space<hbm>> -> memref<1x1x250x80xi32, #tpu.memory_space<hbm>>
      %dma_start3A_66 = tpu.memref_squeeze %dma_start3A_65 : memref<1x1x250x80xi32, #tpu.memory_space<hbm>> -> memref<250x80xi32, #tpu.memory_space<hbm>>
      tpu.enqueue_dma source(%dma_start3A_66 : memref<250x80xi32, #tpu.memory_space<hbm>>) target(%arg8 : memref<250x80xi32, #tpu.memory_space<vmem>>) target_semaphore(%run_scoped3A_58 : memref<!tpu.dma_semaphore, #tpu.memory_space<semaphore_mem>>)
      %dma_wait3A_67 = arith.constant 0 : i32
      %dma_wait3A_68 = arith.constant 0 : i32
      %dma_wait3A_69 = tpu.memref_slice %arg4[%arg0, %arg1, %dma_wait3A_67, %dma_wait3A_68] : memref<2x16x250x80xi32, #tpu.memory_space<hbm>> -> memref<1x1x250x80xi32, #tpu.memory_space<hbm>>
      %dma_wait3A_70 = tpu.memref_squeeze %dma_wait3A_69 : memref<1x1x250x80xi32, #tpu.memory_space<hbm>> -> memref<250x80xi32, #tpu.memory_space<hbm>>
      %dma_wait3A_71 = arith.constant 0 : i32
      %dma_wait3A_72 = arith.constant 0 : i32
      %dma_wait3A_73 = tpu.memref_slice %arg4[%arg0, %arg1, %dma_wait3A_71, %dma_wait3A_72] : memref<2x16x250x80xi32, #tpu.memory_space<hbm>> -> memref<1x1x250x80xi32, #tpu.memory_space<hbm>>
      %dma_wait3A_74 = tpu.memref_squeeze %dma_wait3A_73 : memref<1x1x250x80xi32, #tpu.memory_space<hbm>> -> memref<250x80xi32, #tpu.memory_space<hbm>>
      tpu.wait_dma2 semaphore(%run_scoped3A_58 : memref<!tpu.dma_semaphore, #tpu.memory_space<semaphore_mem>>) src(%dma_wait3A_74 : memref<250x80xi32, #tpu.memory_space<hbm>>) dst(%arg8 : memref<250x80xi32, #tpu.memory_space<vmem>>)
      tpu.yield
    }) : () -> ()
    %barrier3A = arith.constant 0 : index
    tpu.barrier barrier_id(%barrier3A)
    %dma_start3A = arith.constant 0 : i32
    %dma_start3A_1 = arith.constant 0 : i32
    %dma_start3A_2 = arith.constant 0 : i32
    %dma_start3A_3 = arith.constant 0 : i32
    %dma_start3A_4 = tpu.memref_slice %arg9[%dma_start3A_1, %dma_start3A_2, %dma_start3A_3] : memref<2x80x128xf32, #tpu.memory_space<vmem>> -> memref<1x80x128xf32, #tpu.memory_space<vmem>>
    %dma_start3A_5 = tpu.memref_squeeze %dma_start3A_4 : memref<1x80x128xf32, #tpu.memory_space<vmem>> -> memref<80x128xf32, #tpu.memory_space<vmem>>
    %dma_start3A_6 = arith.constant 0 : i32
    %dma_start3A_7 = tpu.memref_slice %arg7[%dma_start3A, %dma_start3A_6] : memref<250x80xi32, #tpu.memory_space<vmem>> -> memref<1x80xi32, #tpu.memory_space<vmem>>
    %dma_start3A_8 = tpu.memref_squeeze %dma_start3A_7 : memref<1x80xi32, #tpu.memory_space<vmem>> -> memref<80xi32, #tpu.memory_space<vmem>>
    %dma_start3A_9 = arith.constant 0 : i32
    %dma_start3A_10 = arith.constant 0 : i32
    %dma_start3A_11 = tpu.memref_slice %arg2[%dma_start3A_9, %dma_start3A_10] : memref<10112x128xf32, #tpu.memory_space<hbm>> -> memref<10112x128xf32, #tpu.memory_space<hbm>>
    tpu.enqueue_indirect_dma source(%dma_start3A_11 : memref<10112x128xf32, #tpu.memory_space<hbm>>) target(%dma_start3A_5 : memref<80x128xf32, #tpu.memory_space<vmem>>) offsets(%dma_start3A_8 : memref<80xi32, #tpu.memory_space<vmem>>) semaphore(%arg11 : memref<!tpu.dma_semaphore, #tpu.memory_space<semaphore_mem>>)
    %scan3A = arith.constant 0 : i32
    %scan3A_12 = arith.constant 0 : i32
    %scan3A_13 = arith.constant 124 : i32
    %scan3A_14 = arith.addi %scan3A_12, %scan3A_13 : i32
    %scan3A_15 = arith.constant 1 : i32
    scf.for %scan3A_58 = %scan3A_12 to %scan3A_14 step %scan3A_15  : i32 {
      %mul3A_59 = arith.constant 2 : i32
      %mul3A_60 = arith.muli %mul3A_59, %scan3A_58 : i32
      %add3A = arith.constant 1 : i32
      %add3A_61 = arith.addi %mul3A_60, %add3A : i32
      %add3A_62 = arith.constant 2 : i32
      %add3A_63 = arith.addi %mul3A_60, %add3A_62 : i32
      %dma_start3A_64 = arith.constant 1 : i32
      %dma_start3A_65 = arith.constant 0 : i32
      %dma_start3A_66 = arith.constant 0 : i32
      %dma_start3A_67 = tpu.memref_slice %arg9[%dma_start3A_64, %dma_start3A_65, %dma_start3A_66] : memref<2x80x128xf32, #tpu.memory_space<vmem>> -> memref<1x80x128xf32, #tpu.memory_space<vmem>>
      %dma_start3A_68 = tpu.memref_squeeze %dma_start3A_67 : memref<1x80x128xf32, #tpu.memory_space<vmem>> -> memref<80x128xf32, #tpu.memory_space<vmem>>
      %dma_start3A_69 = arith.constant 0 : i32
      %dma_start3A_70 = tpu.memref_slice %arg7[%add3A_61, %dma_start3A_69] : memref<250x80xi32, #tpu.memory_space<vmem>> -> memref<1x80xi32, #tpu.memory_space<vmem>>
      %dma_start3A_71 = tpu.memref_squeeze %dma_start3A_70 : memref<1x80xi32, #tpu.memory_space<vmem>> -> memref<80xi32, #tpu.memory_space<vmem>>
      %dma_start3A_72 = arith.constant 0 : i32
      %dma_start3A_73 = arith.constant 0 : i32
      %dma_start3A_74 = tpu.memref_slice %arg2[%dma_start3A_72, %dma_start3A_73] : memref<10112x128xf32, #tpu.memory_space<hbm>> -> memref<10112x128xf32, #tpu.memory_space<hbm>>
      tpu.enqueue_indirect_dma source(%dma_start3A_74 : memref<10112x128xf32, #tpu.memory_space<hbm>>) target(%dma_start3A_68 : memref<80x128xf32, #tpu.memory_space<vmem>>) offsets(%dma_start3A_71 : memref<80xi32, #tpu.memory_space<vmem>>) semaphore(%arg12 : memref<!tpu.dma_semaphore, #tpu.memory_space<semaphore_mem>>)
      %dma_wait3A_75 = arith.constant 0 : i32
      %dma_wait3A_76 = arith.constant 0 : i32
      %dma_wait3A_77 = arith.constant 0 : i32
      %dma_wait3A_78 = tpu.memref_slice %arg9[%dma_wait3A_75, %dma_wait3A_76, %dma_wait3A_77] : memref<2x80x128xf32, #tpu.memory_space<vmem>> -> memref<1x80x128xf32, #tpu.memory_space<vmem>>
      %dma_wait3A_79 = tpu.memref_squeeze %dma_wait3A_78 : memref<1x80x128xf32, #tpu.memory_space<vmem>> -> memref<80x128xf32, #tpu.memory_space<vmem>>
      %dma_wait3A_80 = arith.constant 0 : i32
      %dma_wait3A_81 = tpu.memref_slice %arg7[%mul3A_60, %dma_wait3A_80] : memref<250x80xi32, #tpu.memory_space<vmem>> -> memref<1x80xi32, #tpu.memory_space<vmem>>
      %dma_wait3A_82 = tpu.memref_squeeze %dma_wait3A_81 : memref<1x80xi32, #tpu.memory_space<vmem>> -> memref<80xi32, #tpu.memory_space<vmem>>
      %dma_wait3A_83 = arith.constant 0 : i32
      %dma_wait3A_84 = arith.constant 0 : i32
      %dma_wait3A_85 = tpu.memref_slice %arg2[%dma_wait3A_83, %dma_wait3A_84] : memref<10112x128xf32, #tpu.memory_space<hbm>> -> memref<10112x128xf32, #tpu.memory_space<hbm>>
      tpu.wait_indirect_dma semaphore(%arg11 : memref<!tpu.dma_semaphore, #tpu.memory_space<semaphore_mem>>) src(%dma_wait3A_85 : memref<10112x128xf32, #tpu.memory_space<hbm>>) dst(%dma_wait3A_79 : memref<80x128xf32, #tpu.memory_space<vmem>>)
      %run_scoped3A_86 = arith.constant 0 : i32
      "tpu.region"() ({
        %run_scoped3A_110 = tpu.sem_alloc : memref<!tpu.dma_semaphore, #tpu.memory_space<semaphore_mem>>
        %dma_start3A_111 = arith.constant 0 : i32
        %dma_start3A_112 = arith.constant 0 : i32
        %dma_start3A_113 = tpu.memref_slice %arg9[%run_scoped3A_86, %dma_start3A_111, %dma_start3A_112] : memref<2x80x128xf32, #tpu.memory_space<vmem>> -> memref<1x80x128xf32, #tpu.memory_space<vmem>>
        %dma_start3A_114 = tpu.memref_squeeze %dma_start3A_113 : memref<1x80x128xf32, #tpu.memory_space<vmem>> -> memref<80x128xf32, #tpu.memory_space<vmem>>
        %dma_start3A_115 = arith.constant 0 : i32
        %dma_start3A_116 = tpu.memref_slice %arg8[%mul3A_60, %dma_start3A_115] : memref<250x80xi32, #tpu.memory_space<vmem>> -> memref<1x80xi32, #tpu.memory_space<vmem>>
        %dma_start3A_117 = tpu.memref_squeeze %dma_start3A_116 : memref<1x80xi32, #tpu.memory_space<vmem>> -> memref<80xi32, #tpu.memory_space<vmem>>
        %dma_start3A_118 = arith.constant 0 : i32
        %dma_start3A_119 = arith.constant 0 : i32
        %dma_start3A_120 = tpu.memref_slice %arg10[%dma_start3A_118, %dma_start3A_119] : memref<5120x128xf32, #tpu.memory_space<vmem_shared>> -> memref<5120x128xf32, #tpu.memory_space<vmem_shared>>
        tpu.enqueue_indirect_dma source(%dma_start3A_114 : memref<80x128xf32, #tpu.memory_space<vmem>>) target(%dma_start3A_120 : memref<5120x128xf32, #tpu.memory_space<vmem_shared>>) offsets(%dma_start3A_117 : memref<80xi32, #tpu.memory_space<vmem>>) semaphore(%run_scoped3A_110 : memref<!tpu.dma_semaphore, #tpu.memory_space<semaphore_mem>>) {add = true}
        %dma_wait3A_121 = arith.constant 0 : i32
        %dma_wait3A_122 = arith.constant 0 : i32
        %dma_wait3A_123 = tpu.memref_slice %arg9[%run_scoped3A_86, %dma_wait3A_121, %dma_wait3A_122] : memref<2x80x128xf32, #tpu.memory_space<vmem>> -> memref<1x80x128xf32, #tpu.memory_space<vmem>>
        %dma_wait3A_124 = tpu.memref_squeeze %dma_wait3A_123 : memref<1x80x128xf32, #tpu.memory_space<vmem>> -> memref<80x128xf32, #tpu.memory_space<vmem>>
        %dma_wait3A_125 = arith.constant 0 : i32
        %dma_wait3A_126 = tpu.memref_slice %arg8[%mul3A_60, %dma_wait3A_125] : memref<250x80xi32, #tpu.memory_space<vmem>> -> memref<1x80xi32, #tpu.memory_space<vmem>>
        %dma_wait3A_127 = tpu.memref_squeeze %dma_wait3A_126 : memref<1x80xi32, #tpu.memory_space<vmem>> -> memref<80xi32, #tpu.memory_space<vmem>>
        %dma_wait3A_128 = arith.constant 0 : i32
        %dma_wait3A_129 = arith.constant 0 : i32
        %dma_wait3A_130 = tpu.memref_slice %arg10[%dma_wait3A_128, %dma_wait3A_129] : memref<5120x128xf32, #tpu.memory_space<vmem_shared>> -> memref<5120x128xf32, #tpu.memory_space<vmem_shared>>
        tpu.wait_indirect_dma semaphore(%run_scoped3A_110 : memref<!tpu.dma_semaphore, #tpu.memory_space<semaphore_mem>>) src(%dma_wait3A_124 : memref<80x128xf32, #tpu.memory_space<vmem>>) dst(%dma_wait3A_130 : memref<5120x128xf32, #tpu.memory_space<vmem_shared>>)
        tpu.yield
      }) : () -> ()
      %dma_start3A_87 = arith.constant 0 : i32
      %dma_start3A_88 = arith.constant 0 : i32
      %dma_start3A_89 = arith.constant 0 : i32
      %dma_start3A_90 = tpu.memref_slice %arg9[%dma_start3A_87, %dma_start3A_88, %dma_start3A_89] : memref<2x80x128xf32, #tpu.memory_space<vmem>> -> memref<1x80x128xf32, #tpu.memory_space<vmem>>
      %dma_start3A_91 = tpu.memref_squeeze %dma_start3A_90 : memref<1x80x128xf32, #tpu.memory_space<vmem>> -> memref<80x128xf32, #tpu.memory_space<vmem>>
      %dma_start3A_92 = arith.constant 0 : i32
      %dma_start3A_93 = tpu.memref_slice %arg7[%add3A_63, %dma_start3A_92] : memref<250x80xi32, #tpu.memory_space<vmem>> -> memref<1x80xi32, #tpu.memory_space<vmem>>
      %dma_start3A_94 = tpu.memref_squeeze %dma_start3A_93 : memref<1x80xi32, #tpu.memory_space<vmem>> -> memref<80xi32, #tpu.memory_space<vmem>>
      %dma_start3A_95 = arith.constant 0 : i32
      %dma_start3A_96 = arith.constant 0 : i32
      %dma_start3A_97 = tpu.memref_slice %arg2[%dma_start3A_95, %dma_start3A_96] : memref<10112x128xf32, #tpu.memory_space<hbm>> -> memref<10112x128xf32, #tpu.memory_space<hbm>>
      tpu.enqueue_indirect_dma source(%dma_start3A_97 : memref<10112x128xf32, #tpu.memory_space<hbm>>) target(%dma_start3A_91 : memref<80x128xf32, #tpu.memory_space<vmem>>) offsets(%dma_start3A_94 : memref<80xi32, #tpu.memory_space<vmem>>) semaphore(%arg11 : memref<!tpu.dma_semaphore, #tpu.memory_space<semaphore_mem>>)
      %dma_wait3A_98 = arith.constant 1 : i32
      %dma_wait3A_99 = arith.constant 0 : i32
      %dma_wait3A_100 = arith.constant 0 : i32
      %dma_wait3A_101 = tpu.memref_slice %arg9[%dma_wait3A_98, %dma_wait3A_99, %dma_wait3A_100] : memref<2x80x128xf32, #tpu.memory_space<vmem>> -> memref<1x80x128xf32, #tpu.memory_space<vmem>>
      %dma_wait3A_102 = tpu.memref_squeeze %dma_wait3A_101 : memref<1x80x128xf32, #tpu.memory_space<vmem>> -> memref<80x128xf32, #tpu.memory_space<vmem>>
      %dma_wait3A_103 = arith.constant 0 : i32
      %dma_wait3A_104 = tpu.memref_slice %arg7[%add3A_61, %dma_wait3A_103] : memref<250x80xi32, #tpu.memory_space<vmem>> -> memref<1x80xi32, #tpu.memory_space<vmem>>
      %dma_wait3A_105 = tpu.memref_squeeze %dma_wait3A_104 : memref<1x80xi32, #tpu.memory_space<vmem>> -> memref<80xi32, #tpu.memory_space<vmem>>
      %dma_wait3A_106 = arith.constant 0 : i32
      %dma_wait3A_107 = arith.constant 0 : i32
      %dma_wait3A_108 = tpu.memref_slice %arg2[%dma_wait3A_106, %dma_wait3A_107] : memref<10112x128xf32, #tpu.memory_space<hbm>> -> memref<10112x128xf32, #tpu.memory_space<hbm>>
      tpu.wait_indirect_dma semaphore(%arg12 : memref<!tpu.dma_semaphore, #tpu.memory_space<semaphore_mem>>) src(%dma_wait3A_108 : memref<10112x128xf32, #tpu.memory_space<hbm>>) dst(%dma_wait3A_102 : memref<80x128xf32, #tpu.memory_space<vmem>>)
      %run_scoped3A_109 = arith.constant 1 : i32
      "tpu.region"() ({
        %run_scoped3A_110 = tpu.sem_alloc : memref<!tpu.dma_semaphore, #tpu.memory_space<semaphore_mem>>
        %dma_start3A_111 = arith.constant 0 : i32
        %dma_start3A_112 = arith.constant 0 : i32
        %dma_start3A_113 = tpu.memref_slice %arg9[%run_scoped3A_109, %dma_start3A_111, %dma_start3A_112] : memref<2x80x128xf32, #tpu.memory_space<vmem>> -> memref<1x80x128xf32, #tpu.memory_space<vmem>>
        %dma_start3A_114 = tpu.memref_squeeze %dma_start3A_113 : memref<1x80x128xf32, #tpu.memory_space<vmem>> -> memref<80x128xf32, #tpu.memory_space<vmem>>
        %dma_start3A_115 = arith.constant 0 : i32
        %dma_start3A_116 = tpu.memref_slice %arg8[%add3A_61, %dma_start3A_115] : memref<250x80xi32, #tpu.memory_space<vmem>> -> memref<1x80xi32, #tpu.memory_space<vmem>>
        %dma_start3A_117 = tpu.memref_squeeze %dma_start3A_116 : memref<1x80xi32, #tpu.memory_space<vmem>> -> memref<80xi32, #tpu.memory_space<vmem>>
        %dma_start3A_118 = arith.constant 0 : i32
        %dma_start3A_119 = arith.constant 0 : i32
        %dma_start3A_120 = tpu.memref_slice %arg10[%dma_start3A_118, %dma_start3A_119] : memref<5120x128xf32, #tpu.memory_space<vmem_shared>> -> memref<5120x128xf32, #tpu.memory_space<vmem_shared>>
        tpu.enqueue_indirect_dma source(%dma_start3A_114 : memref<80x128xf32, #tpu.memory_space<vmem>>) target(%dma_start3A_120 : memref<5120x128xf32, #tpu.memory_space<vmem_shared>>) offsets(%dma_start3A_117 : memref<80xi32, #tpu.memory_space<vmem>>) semaphore(%run_scoped3A_110 : memref<!tpu.dma_semaphore, #tpu.memory_space<semaphore_mem>>) {add = true}
        %dma_wait3A_121 = arith.constant 0 : i32
        %dma_wait3A_122 = arith.constant 0 : i32
        %dma_wait3A_123 = tpu.memref_slice %arg9[%run_scoped3A_109, %dma_wait3A_121, %dma_wait3A_122] : memref<2x80x128xf32, #tpu.memory_space<vmem>> -> memref<1x80x128xf32, #tpu.memory_space<vmem>>
        %dma_wait3A_124 = tpu.memref_squeeze %dma_wait3A_123 : memref<1x80x128xf32, #tpu.memory_space<vmem>> -> memref<80x128xf32, #tpu.memory_space<vmem>>
        %dma_wait3A_125 = arith.constant 0 : i32
        %dma_wait3A_126 = tpu.memref_slice %arg8[%add3A_61, %dma_wait3A_125] : memref<250x80xi32, #tpu.memory_space<vmem>> -> memref<1x80xi32, #tpu.memory_space<vmem>>
        %dma_wait3A_127 = tpu.memref_squeeze %dma_wait3A_126 : memref<1x80xi32, #tpu.memory_space<vmem>> -> memref<80xi32, #tpu.memory_space<vmem>>
        %dma_wait3A_128 = arith.constant 0 : i32
        %dma_wait3A_129 = arith.constant 0 : i32
        %dma_wait3A_130 = tpu.memref_slice %arg10[%dma_wait3A_128, %dma_wait3A_129] : memref<5120x128xf32, #tpu.memory_space<vmem_shared>> -> memref<5120x128xf32, #tpu.memory_space<vmem_shared>>
        tpu.wait_indirect_dma semaphore(%run_scoped3A_110 : memref<!tpu.dma_semaphore, #tpu.memory_space<semaphore_mem>>) src(%dma_wait3A_124 : memref<80x128xf32, #tpu.memory_space<vmem>>) dst(%dma_wait3A_130 : memref<5120x128xf32, #tpu.memory_space<vmem_shared>>)
        tpu.yield
      }) : () -> ()
    }
    %scan3A_16 = arith.constant 124 : i32
    %dma_start3A_17 = arith.constant 249 : i32
    %dma_start3A_18 = arith.constant 1 : i32
    %dma_start3A_19 = arith.constant 0 : i32
    %dma_start3A_20 = arith.constant 0 : i32
    %dma_start3A_21 = tpu.memref_slice %arg9[%dma_start3A_18, %dma_start3A_19, %dma_start3A_20] : memref<2x80x128xf32, #tpu.memory_space<vmem>> -> memref<1x80x128xf32, #tpu.memory_space<vmem>>
    %dma_start3A_22 = tpu.memref_squeeze %dma_start3A_21 : memref<1x80x128xf32, #tpu.memory_space<vmem>> -> memref<80x128xf32, #tpu.memory_space<vmem>>
    %dma_start3A_23 = arith.constant 0 : i32
    %dma_start3A_24 = tpu.memref_slice %arg7[%dma_start3A_17, %dma_start3A_23] : memref<250x80xi32, #tpu.memory_space<vmem>> -> memref<1x80xi32, #tpu.memory_space<vmem>>
    %dma_start3A_25 = tpu.memref_squeeze %dma_start3A_24 : memref<1x80xi32, #tpu.memory_space<vmem>> -> memref<80xi32, #tpu.memory_space<vmem>>
    %dma_start3A_26 = arith.constant 0 : i32
    %dma_start3A_27 = arith.constant 0 : i32
    %dma_start3A_28 = tpu.memref_slice %arg2[%dma_start3A_26, %dma_start3A_27] : memref<10112x128xf32, #tpu.memory_space<hbm>> -> memref<10112x128xf32, #tpu.memory_space<hbm>>
    tpu.enqueue_indirect_dma source(%dma_start3A_28 : memref<10112x128xf32, #tpu.memory_space<hbm>>) target(%dma_start3A_22 : memref<80x128xf32, #tpu.memory_space<vmem>>) offsets(%dma_start3A_25 : memref<80xi32, #tpu.memory_space<vmem>>) semaphore(%arg12 : memref<!tpu.dma_semaphore, #tpu.memory_space<semaphore_mem>>)
    %dma_wait3A = arith.constant 248 : i32
    %dma_wait3A_29 = arith.constant 0 : i32
    %dma_wait3A_30 = arith.constant 0 : i32
    %dma_wait3A_31 = arith.constant 0 : i32
    %dma_wait3A_32 = tpu.memref_slice %arg9[%dma_wait3A_29, %dma_wait3A_30, %dma_wait3A_31] : memref<2x80x128xf32, #tpu.memory_space<vmem>> -> memref<1x80x128xf32, #tpu.memory_space<vmem>>
    %dma_wait3A_33 = tpu.memref_squeeze %dma_wait3A_32 : memref<1x80x128xf32, #tpu.memory_space<vmem>> -> memref<80x128xf32, #tpu.memory_space<vmem>>
    %dma_wait3A_34 = arith.constant 0 : i32
    %dma_wait3A_35 = tpu.memref_slice %arg7[%dma_wait3A, %dma_wait3A_34] : memref<250x80xi32, #tpu.memory_space<vmem>> -> memref<1x80xi32, #tpu.memory_space<vmem>>
    %dma_wait3A_36 = tpu.memref_squeeze %dma_wait3A_35 : memref<1x80xi32, #tpu.memory_space<vmem>> -> memref<80xi32, #tpu.memory_space<vmem>>
    %dma_wait3A_37 = arith.constant 0 : i32
    %dma_wait3A_38 = arith.constant 0 : i32
    %dma_wait3A_39 = tpu.memref_slice %arg2[%dma_wait3A_37, %dma_wait3A_38] : memref<10112x128xf32, #tpu.memory_space<hbm>> -> memref<10112x128xf32, #tpu.memory_space<hbm>>
    tpu.wait_indirect_dma semaphore(%arg11 : memref<!tpu.dma_semaphore, #tpu.memory_space<semaphore_mem>>) src(%dma_wait3A_39 : memref<10112x128xf32, #tpu.memory_space<hbm>>) dst(%dma_wait3A_33 : memref<80x128xf32, #tpu.memory_space<vmem>>)
    %run_scoped3A = arith.constant 0 : i32
    %run_scoped3A_40 = arith.constant 248 : i32
    "tpu.region"() ({
      %run_scoped3A_58 = tpu.sem_alloc : memref<!tpu.dma_semaphore, #tpu.memory_space<semaphore_mem>>
      %dma_start3A_59 = arith.constant 0 : i32
      %dma_start3A_60 = arith.constant 0 : i32
      %dma_start3A_61 = tpu.memref_slice %arg9[%run_scoped3A, %dma_start3A_59, %dma_start3A_60] : memref<2x80x128xf32, #tpu.memory_space<vmem>> -> memref<1x80x128xf32, #tpu.memory_space<vmem>>
      %dma_start3A_62 = tpu.memref_squeeze %dma_start3A_61 : memref<1x80x128xf32, #tpu.memory_space<vmem>> -> memref<80x128xf32, #tpu.memory_space<vmem>>
      %dma_start3A_63 = arith.constant 0 : i32
      %dma_start3A_64 = tpu.memref_slice %arg8[%run_scoped3A_40, %dma_start3A_63] : memref<250x80xi32, #tpu.memory_space<vmem>> -> memref<1x80xi32, #tpu.memory_space<vmem>>
      %dma_start3A_65 = tpu.memref_squeeze %dma_start3A_64 : memref<1x80xi32, #tpu.memory_space<vmem>> -> memref<80xi32, #tpu.memory_space<vmem>>
      %dma_start3A_66 = arith.constant 0 : i32
      %dma_start3A_67 = arith.constant 0 : i32
      %dma_start3A_68 = tpu.memref_slice %arg10[%dma_start3A_66, %dma_start3A_67] : memref<5120x128xf32, #tpu.memory_space<vmem_shared>> -> memref<5120x128xf32, #tpu.memory_space<vmem_shared>>
      tpu.enqueue_indirect_dma source(%dma_start3A_62 : memref<80x128xf32, #tpu.memory_space<vmem>>) target(%dma_start3A_68 : memref<5120x128xf32, #tpu.memory_space<vmem_shared>>) offsets(%dma_start3A_65 : memref<80xi32, #tpu.memory_space<vmem>>) semaphore(%run_scoped3A_58 : memref<!tpu.dma_semaphore, #tpu.memory_space<semaphore_mem>>) {add = true}
      %dma_wait3A_69 = arith.constant 0 : i32
      %dma_wait3A_70 = arith.constant 0 : i32
      %dma_wait3A_71 = tpu.memref_slice %arg9[%run_scoped3A, %dma_wait3A_69, %dma_wait3A_70] : memref<2x80x128xf32, #tpu.memory_space<vmem>> -> memref<1x80x128xf32, #tpu.memory_space<vmem>>
      %dma_wait3A_72 = tpu.memref_squeeze %dma_wait3A_71 : memref<1x80x128xf32, #tpu.memory_space<vmem>> -> memref<80x128xf32, #tpu.memory_space<vmem>>
      %dma_wait3A_73 = arith.constant 0 : i32
      %dma_wait3A_74 = tpu.memref_slice %arg8[%run_scoped3A_40, %dma_wait3A_73] : memref<250x80xi32, #tpu.memory_space<vmem>> -> memref<1x80xi32, #tpu.memory_space<vmem>>
      %dma_wait3A_75 = tpu.memref_squeeze %dma_wait3A_74 : memref<1x80xi32, #tpu.memory_space<vmem>> -> memref<80xi32, #tpu.memory_space<vmem>>
      %dma_wait3A_76 = arith.constant 0 : i32
      %dma_wait3A_77 = arith.constant 0 : i32
      %dma_wait3A_78 = tpu.memref_slice %arg10[%dma_wait3A_76, %dma_wait3A_77] : memref<5120x128xf32, #tpu.memory_space<vmem_shared>> -> memref<5120x128xf32, #tpu.memory_space<vmem_shared>>
      tpu.wait_indirect_dma semaphore(%run_scoped3A_58 : memref<!tpu.dma_semaphore, #tpu.memory_space<semaphore_mem>>) src(%dma_wait3A_72 : memref<80x128xf32, #tpu.memory_space<vmem>>) dst(%dma_wait3A_78 : memref<5120x128xf32, #tpu.memory_space<vmem_shared>>)
      tpu.yield
    }) : () -> ()
    %dma_wait3A_41 = arith.constant 249 : i32
    %dma_wait3A_42 = arith.constant 1 : i32
    %dma_wait3A_43 = arith.constant 0 : i32
    %dma_wait3A_44 = arith.constant 0 : i32
    %dma_wait3A_45 = tpu.memref_slice %arg9[%dma_wait3A_42, %dma_wait3A_43, %dma_wait3A_44] : memref<2x80x128xf32, #tpu.memory_space<vmem>> -> memref<1x80x128xf32, #tpu.memory_space<vmem>>
    %dma_wait3A_46 = tpu.memref_squeeze %dma_wait3A_45 : memref<1x80x128xf32, #tpu.memory_space<vmem>> -> memref<80x128xf32, #tpu.memory_space<vmem>>
    %dma_wait3A_47 = arith.constant 0 : i32
    %dma_wait3A_48 = tpu.memref_slice %arg7[%dma_wait3A_41, %dma_wait3A_47] : memref<250x80xi32, #tpu.memory_space<vmem>> -> memref<1x80xi32, #tpu.memory_space<vmem>>
    %dma_wait3A_49 = tpu.memref_squeeze %dma_wait3A_48 : memref<1x80xi32, #tpu.memory_space<vmem>> -> memref<80xi32, #tpu.memory_space<vmem>>
    %dma_wait3A_50 = arith.constant 0 : i32
    %dma_wait3A_51 = arith.constant 0 : i32
    %dma_wait3A_52 = tpu.memref_slice %arg2[%dma_wait3A_50, %dma_wait3A_51] : memref<10112x128xf32, #tpu.memory_space<hbm>> -> memref<10112x128xf32, #tpu.memory_space<hbm>>
    tpu.wait_indirect_dma semaphore(%arg12 : memref<!tpu.dma_semaphore, #tpu.memory_space<semaphore_mem>>) src(%dma_wait3A_52 : memref<10112x128xf32, #tpu.memory_space<hbm>>) dst(%dma_wait3A_46 : memref<80x128xf32, #tpu.memory_space<vmem>>)
    %run_scoped3A_53 = arith.constant 1 : i32
    %run_scoped3A_54 = arith.constant 249 : i32
    "tpu.region"() ({
      %run_scoped3A_58 = tpu.sem_alloc : memref<!tpu.dma_semaphore, #tpu.memory_space<semaphore_mem>>
      %dma_start3A_59 = arith.constant 0 : i32
      %dma_start3A_60 = arith.constant 0 : i32
      %dma_start3A_61 = tpu.memref_slice %arg9[%run_scoped3A_53, %dma_start3A_59, %dma_start3A_60] : memref<2x80x128xf32, #tpu.memory_space<vmem>> -> memref<1x80x128xf32, #tpu.memory_space<vmem>>
      %dma_start3A_62 = tpu.memref_squeeze %dma_start3A_61 : memref<1x80x128xf32, #tpu.memory_space<vmem>> -> memref<80x128xf32, #tpu.memory_space<vmem>>
      %dma_start3A_63 = arith.constant 0 : i32
      %dma_start3A_64 = tpu.memref_slice %arg8[%run_scoped3A_54, %dma_start3A_63] : memref<250x80xi32, #tpu.memory_space<vmem>> -> memref<1x80xi32, #tpu.memory_space<vmem>>
      %dma_start3A_65 = tpu.memref_squeeze %dma_start3A_64 : memref<1x80xi32, #tpu.memory_space<vmem>> -> memref<80xi32, #tpu.memory_space<vmem>>
      %dma_start3A_66 = arith.constant 0 : i32
      %dma_start3A_67 = arith.constant 0 : i32
      %dma_start3A_68 = tpu.memref_slice %arg10[%dma_start3A_66, %dma_start3A_67] : memref<5120x128xf32, #tpu.memory_space<vmem_shared>> -> memref<5120x128xf32, #tpu.memory_space<vmem_shared>>
      tpu.enqueue_indirect_dma source(%dma_start3A_62 : memref<80x128xf32, #tpu.memory_space<vmem>>) target(%dma_start3A_68 : memref<5120x128xf32, #tpu.memory_space<vmem_shared>>) offsets(%dma_start3A_65 : memref<80xi32, #tpu.memory_space<vmem>>) semaphore(%run_scoped3A_58 : memref<!tpu.dma_semaphore, #tpu.memory_space<semaphore_mem>>) {add = true}
      %dma_wait3A_69 = arith.constant 0 : i32
      %dma_wait3A_70 = arith.constant 0 : i32
      %dma_wait3A_71 = tpu.memref_slice %arg9[%run_scoped3A_53, %dma_wait3A_69, %dma_wait3A_70] : memref<2x80x128xf32, #tpu.memory_space<vmem>> -> memref<1x80x128xf32, #tpu.memory_space<vmem>>
      %dma_wait3A_72 = tpu.memref_squeeze %dma_wait3A_71 : memref<1x80x128xf32, #tpu.memory_space<vmem>> -> memref<80x128xf32, #tpu.memory_space<vmem>>
      %dma_wait3A_73 = arith.constant 0 : i32
      %dma_wait3A_74 = tpu.memref_slice %arg8[%run_scoped3A_54, %dma_wait3A_73] : memref<250x80xi32, #tpu.memory_space<vmem>> -> memref<1x80xi32, #tpu.memory_space<vmem>>
      %dma_wait3A_75 = tpu.memref_squeeze %dma_wait3A_74 : memref<1x80xi32, #tpu.memory_space<vmem>> -> memref<80xi32, #tpu.memory_space<vmem>>
      %dma_wait3A_76 = arith.constant 0 : i32
      %dma_wait3A_77 = arith.constant 0 : i32
      %dma_wait3A_78 = tpu.memref_slice %arg10[%dma_wait3A_76, %dma_wait3A_77] : memref<5120x128xf32, #tpu.memory_space<vmem_shared>> -> memref<5120x128xf32, #tpu.memory_space<vmem_shared>>
      tpu.wait_indirect_dma semaphore(%run_scoped3A_58 : memref<!tpu.dma_semaphore, #tpu.memory_space<semaphore_mem>>) src(%dma_wait3A_72 : memref<80x128xf32, #tpu.memory_space<vmem>>) dst(%dma_wait3A_78 : memref<5120x128xf32, #tpu.memory_space<vmem_shared>>)
      tpu.yield
    }) : () -> ()
    %barrier3A_55 = arith.constant 0 : index
    tpu.barrier barrier_id(%barrier3A_55)
    %lt3A = arith.constant 8 : i32
    %lt3A_56 = arith.cmpi slt, %arg1, %lt3A : i32
    %convert_element_type3A = arith.extui %lt3A_56 : i1 to i32
    %cond3A = arith.constant 0 : i32
    %cond3A_57 = arith.cmpi ne, %convert_element_type3A, %cond3A : i32
    scf.if %cond3A_57 {
      %mul3A_58 = arith.constant 632 : i32
      %mul3A_59 = arith.muli %arg1, %mul3A_58 : i32
      %mul3A_60 = arith.constant 5056 : i32
      %mul3A_61 = arith.muli %arg0, %mul3A_60 : i32
      %mul3A_62 = arith.constant 632 : i32
      %mul3A_63 = arith.muli %arg1, %mul3A_62 : i32
      %add3A = arith.addi %mul3A_61, %mul3A_63 : i32
      "tpu.region"() ({
        %run_scoped3A_64 = tpu.sem_alloc : memref<!tpu.dma_semaphore, #tpu.memory_space<semaphore_mem>>
        %dma_start3A_65 = arith.constant 0 : i32
        %dma_start3A_66 = tpu.memref_slice %arg6[%add3A, %dma_start3A_65] : memref<10112x128xf32, #tpu.memory_space<hbm>> -> memref<632x128xf32, #tpu.memory_space<hbm>>
        %dma_start3A_67 = arith.constant 0 : i32
        %dma_start3A_68 = tpu.memref_slice %arg10[%mul3A_59, %dma_start3A_67] : memref<5120x128xf32, #tpu.memory_space<vmem_shared>> -> memref<632x128xf32, #tpu.memory_space<vmem_shared>>
        tpu.enqueue_dma source(%dma_start3A_68 : memref<632x128xf32, #tpu.memory_space<vmem_shared>>) target(%dma_start3A_66 : memref<632x128xf32, #tpu.memory_space<hbm>>) target_semaphore(%run_scoped3A_64 : memref<!tpu.dma_semaphore, #tpu.memory_space<semaphore_mem>>)
        %dma_wait3A_69 = arith.constant 0 : i32
        %dma_wait3A_70 = tpu.memref_slice %arg6[%add3A, %dma_wait3A_69] : memref<10112x128xf32, #tpu.memory_space<hbm>> -> memref<632x128xf32, #tpu.memory_space<hbm>>
        %dma_wait3A_71 = arith.constant 0 : i32
        %dma_wait3A_72 = tpu.memref_slice %arg10[%mul3A_59, %dma_wait3A_71] : memref<5120x128xf32, #tpu.memory_space<vmem_shared>> -> memref<632x128xf32, #tpu.memory_space<vmem_shared>>
        tpu.wait_dma2 semaphore(%run_scoped3A_64 : memref<!tpu.dma_semaphore, #tpu.memory_space<semaphore_mem>>) src(%dma_wait3A_72 : memref<632x128xf32, #tpu.memory_space<vmem_shared>>) dst(%dma_wait3A_70 : memref<632x128xf32, #tpu.memory_space<hbm>>)
        tpu.yield
      }) : () -> ()
    } else {
    }
    return
  }
}

module attributes {stable_mosaic.version = 14 : i64} {
  func.func @_pre_body(%arg0: i32, %arg1: memref<1264x128xf32, #tpu.memory_space<vmem>>, %arg2: memref<128x128xf32, #tpu.memory_space<vmem>>, %arg3: memref<1264x16xf32, #tpu.memory_space<vmem>>, %arg4: memref<1264x16xf32, #tpu.memory_space<vmem>>, %arg5: memref<1264x128xf32, #tpu.memory_space<vmem>>) attributes {dimension_semantics = [#tpu.dimension_semantics<arbitrary>], iteration_bounds = array<i64: 8>, scalar_prefetch = 0 : i64, scratch_operands = 0 : i64, tpu.core_type = #tpu.core_type<tc>, window_params = [{transform_indices = @transform_0, window_bounds = array<i64: 1264, 128>}, {pipeline_mode = #tpu.pipeline_mode<synchronous>, transform_indices = @transform_1, window_bounds = array<i64: 128, 128>}, {transform_indices = @transform_2, window_bounds = array<i64: 1264, 16>}, {transform_indices = @transform_3, window_bounds = array<i64: 1264, 16>}, {transform_indices = @transform_4, window_bounds = array<i64: 1264, 128>}]} {
    %get3A = arith.constant 0 : index
    %get3A_0 = arith.constant 0 : index
    %get3A_1 = vector.load %arg3[%get3A, %get3A_0] : memref<1264x16xf32, #tpu.memory_space<vmem>>, vector<1264x1xf32>
    %get3A_2 = arith.constant 0 : index
    %get3A_3 = arith.constant 0 : index
    %get3A_4 = vector.load %arg4[%get3A_2, %get3A_3] : memref<1264x16xf32, #tpu.memory_space<vmem>>, vector<1264x1xf32>
    %add3A = arith.addf %get3A_1, %get3A_4 : vector<1264x1xf32>
    %sub3A = arith.constant 1.000000e+00 : f32
    %sub3A_5 = vector.broadcast %sub3A : f32 to vector<1264x1xf32>
    %sub3A_6 = arith.subf %add3A, %sub3A_5 : vector<1264x1xf32>
    %rsqrt3A = math.rsqrt %sub3A_6 : vector<1264x1xf32>
    %get3A_7 = arith.constant 0 : index
    %get3A_8 = arith.constant 0 : index
    %get3A_9 = vector.load %arg1[%get3A_7, %get3A_8] : memref<1264x128xf32, #tpu.memory_space<vmem>>, vector<1264x128xf32>
    %get3A_10 = arith.constant 0 : index
    %get3A_11 = arith.constant 0 : index
    %get3A_12 = vector.load %arg2[%get3A_10, %get3A_11] : memref<128x128xf32, #tpu.memory_space<vmem>>, vector<128x128xf32>
    %dot_general3A = arith.constant dense<0.000000e+00> : vector<1264x128xf32>
    %dot_general3A_13 = tpu.matmul %get3A_9, %get3A_12, %dot_general3A {dimension_numbers = #tpu.dot_dimension_numbers<[1], [0], [0], [1], [0, 0, 1, 1], [], []>, transpose_lhs_hint = false} : vector<1264x128xf32>, vector<128x128xf32>, vector<1264x128xf32> -> vector<1264x128xf32>
    %mul3A = vector.broadcast %rsqrt3A : vector<1264x1xf32> to vector<1264x128xf32>
    %mul3A_14 = arith.mulf %dot_general3A_13, %mul3A : vector<1264x128xf32>
    %swap3A = arith.constant 0 : index
    %swap3A_15 = arith.constant 0 : index
    %swap3A_16 = vector.load %arg5[%swap3A, %swap3A_15] : memref<1264x128xf32, #tpu.memory_space<vmem>>, vector<1264x128xf32>
    tpu.vector_store %arg5[%swap3A, %swap3A_15], %mul3A_14 {strides = array<i32>} : memref<1264x128xf32, #tpu.memory_space<vmem>>, vector<1264x128xf32>,
    return
  }
  func.func @transform_0(%arg0: i32) -> (i32, i32) {
    %c0_i32 = arith.constant 0 : i32
    %c0_i32_0 = arith.constant 0 : i32
    return %arg0, %c0_i32 : i32, i32
  }
  func.func @transform_1(%arg0: i32) -> (i32, i32) {
    %c0_i32 = arith.constant 0 : i32
    %c0_i32_0 = arith.constant 0 : i32
    %c0_i32_1 = arith.constant 0 : i32
    return %c0_i32, %c0_i32_0 : i32, i32
  }
  func.func @transform_2(%arg0: i32) -> (i32, i32) {
    %c0_i32 = arith.constant 0 : i32
    %c0_i32_0 = arith.constant 0 : i32
    return %arg0, %c0_i32 : i32, i32
  }
  func.func @transform_3(%arg0: i32) -> (i32, i32) {
    %c0_i32 = arith.constant 0 : i32
    %c0_i32_0 = arith.constant 0 : i32
    return %arg0, %c0_i32 : i32, i32
  }
  func.func @transform_4(%arg0: i32) -> (i32, i32) {
    %c0_i32 = arith.constant 0 : i32
    %c0_i32_0 = arith.constant 0 : i32
    return %arg0, %c0_i32 : i32, i32
  }
}

module attributes {stable_mosaic.version = 14 : i64} {
  func.func @_mid_body(%arg0: i32, %arg1: memref<1264x128xf32, #tpu.memory_space<vmem>>, %arg2: memref<1264x128xf32, #tpu.memory_space<vmem>>, %arg3: memref<1x128xf32, #tpu.memory_space<vmem>>, %arg4: memref<128x128xf32, #tpu.memory_space<vmem>>, %arg5: memref<1264x16xf32, #tpu.memory_space<vmem>>, %arg6: memref<1264x16xf32, #tpu.memory_space<vmem>>, %arg7: memref<1264x128xf32, #tpu.memory_space<vmem>>) attributes {dimension_semantics = [#tpu.dimension_semantics<arbitrary>], iteration_bounds = array<i64: 8>, scalar_prefetch = 0 : i64, scratch_operands = 0 : i64, tpu.core_type = #tpu.core_type<tc>, window_params = [{transform_indices = @transform_0, window_bounds = array<i64: 1264, 128>}, {transform_indices = @transform_1, window_bounds = array<i64: 1264, 128>}, {pipeline_mode = #tpu.pipeline_mode<synchronous>, transform_indices = @transform_2, window_bounds = array<i64: 1, 128>}, {pipeline_mode = #tpu.pipeline_mode<synchronous>, transform_indices = @transform_3, window_bounds = array<i64: 128, 128>}, {transform_indices = @transform_4, window_bounds = array<i64: 1264, 16>}, {transform_indices = @transform_5, window_bounds = array<i64: 1264, 16>}, {transform_indices = @transform_6, window_bounds = array<i64: 1264, 128>}]} {
    %get3A = arith.constant 0 : index
    %get3A_0 = arith.constant 0 : index
    %get3A_1 = vector.load %arg5[%get3A, %get3A_0] : memref<1264x16xf32, #tpu.memory_space<vmem>>, vector<1264x1xf32>
    %get3A_2 = arith.constant 0 : index
    %get3A_3 = arith.constant 0 : index
    %get3A_4 = vector.load %arg6[%get3A_2, %get3A_3] : memref<1264x16xf32, #tpu.memory_space<vmem>>, vector<1264x1xf32>
    %add3A = arith.addf %get3A_1, %get3A_4 : vector<1264x1xf32>
    %sub3A = arith.constant 1.000000e+00 : f32
    %sub3A_5 = vector.broadcast %sub3A : f32 to vector<1264x1xf32>
    %sub3A_6 = arith.subf %add3A, %sub3A_5 : vector<1264x1xf32>
    %rsqrt3A = math.rsqrt %sub3A_6 : vector<1264x1xf32>
    %get3A_7 = arith.constant 0 : index
    %get3A_8 = arith.constant 0 : index
    %get3A_9 = vector.load %arg1[%get3A_7, %get3A_8] : memref<1264x128xf32, #tpu.memory_space<vmem>>, vector<1264x128xf32>
    %get3A_10 = arith.constant 0 : index
    %get3A_11 = arith.constant 0 : index
    %get3A_12 = vector.load %arg2[%get3A_10, %get3A_11] : memref<1264x128xf32, #tpu.memory_space<vmem>>, vector<1264x128xf32>
    %add3A_13 = arith.addf %get3A_9, %get3A_12 : vector<1264x128xf32>
    %mul3A = vector.broadcast %rsqrt3A : vector<1264x1xf32> to vector<1264x128xf32>
    %mul3A_14 = arith.mulf %mul3A, %add3A_13 : vector<1264x128xf32>
    %get3A_15 = arith.constant 0 : index
    %get3A_16 = arith.constant 0 : index
    %get3A_17 = vector.load %arg3[%get3A_15, %get3A_16] : memref<1x128xf32, #tpu.memory_space<vmem>>, vector<1x128xf32>
    %add3A_18 = vector.broadcast %get3A_17 : vector<1x128xf32> to vector<1264x128xf32>
    %add3A_19 = arith.addf %mul3A_14, %add3A_18 : vector<1264x128xf32>
    %max3A = arith.constant 0.000000e+00 : f32
    %max3A_20 = vector.broadcast %max3A : f32 to vector<1264x128xf32>
    %max3A_21 = arith.maximumf %add3A_19, %max3A_20 : vector<1264x128xf32>
    %get3A_22 = arith.constant 0 : index
    %get3A_23 = arith.constant 0 : index
    %get3A_24 = vector.load %arg4[%get3A_22, %get3A_23] : memref<128x128xf32, #tpu.memory_space<vmem>>, vector<128x128xf32>
    %dot_general3A = arith.constant dense<0.000000e+00> : vector<1264x128xf32>
    %dot_general3A_25 = tpu.matmul %max3A_21, %get3A_24, %dot_general3A {dimension_numbers = #tpu.dot_dimension_numbers<[1], [0], [0], [1], [0, 0, 1, 1], [], []>, transpose_lhs_hint = false} : vector<1264x128xf32>, vector<128x128xf32>, vector<1264x128xf32> -> vector<1264x128xf32>
    %mul3A_26 = vector.broadcast %rsqrt3A : vector<1264x1xf32> to vector<1264x128xf32>
    %mul3A_27 = arith.mulf %dot_general3A_25, %mul3A_26 : vector<1264x128xf32>
    %swap3A = arith.constant 0 : index
    %swap3A_28 = arith.constant 0 : index
    %swap3A_29 = vector.load %arg7[%swap3A, %swap3A_28] : memref<1264x128xf32, #tpu.memory_space<vmem>>, vector<1264x128xf32>
    tpu.vector_store %arg7[%swap3A, %swap3A_28], %mul3A_27 {strides = array<i32>} : memref<1264x128xf32, #tpu.memory_space<vmem>>, vector<1264x128xf32>,
    return
  }
  func.func @transform_0(%arg0: i32) -> (i32, i32) {
    %c0_i32 = arith.constant 0 : i32
    %c0_i32_0 = arith.constant 0 : i32
    return %arg0, %c0_i32 : i32, i32
  }
  func.func @transform_1(%arg0: i32) -> (i32, i32) {
    %c0_i32 = arith.constant 0 : i32
    %c0_i32_0 = arith.constant 0 : i32
    return %arg0, %c0_i32 : i32, i32
  }
  func.func @transform_2(%arg0: i32) -> (i32, i32) {
    %c0_i32 = arith.constant 0 : i32
    %c0_i32_0 = arith.constant 0 : i32
    %c0_i32_1 = arith.constant 0 : i32
    return %c0_i32, %c0_i32_0 : i32, i32
  }
  func.func @transform_3(%arg0: i32) -> (i32, i32) {
    %c0_i32 = arith.constant 0 : i32
    %c0_i32_0 = arith.constant 0 : i32
    %c0_i32_1 = arith.constant 0 : i32
    return %c0_i32, %c0_i32_0 : i32, i32
  }
  func.func @transform_4(%arg0: i32) -> (i32, i32) {
    %c0_i32 = arith.constant 0 : i32
    %c0_i32_0 = arith.constant 0 : i32
    return %arg0, %c0_i32 : i32, i32
  }
  func.func @transform_5(%arg0: i32) -> (i32, i32) {
    %c0_i32 = arith.constant 0 : i32
    %c0_i32_0 = arith.constant 0 : i32
    return %arg0, %c0_i32 : i32, i32
  }
  func.func @transform_6(%arg0: i32) -> (i32, i32) {
    %c0_i32 = arith.constant 0 : i32
    %c0_i32_0 = arith.constant 0 : i32
    return %arg0, %c0_i32 : i32, i32
  }
}

module attributes {stable_mosaic.version = 14 : i64} {
  func.func @_post_body(%arg0: i32, %arg1: memref<1264x128xf32, #tpu.memory_space<vmem>>, %arg2: memref<1264x128xf32, #tpu.memory_space<vmem>>, %arg3: memref<1x128xf32, #tpu.memory_space<vmem>>, %arg4: memref<1264x16xf32, #tpu.memory_space<vmem>>, %arg5: memref<1264x16xf32, #tpu.memory_space<vmem>>, %arg6: memref<1264x128xf32, #tpu.memory_space<vmem>>) attributes {dimension_semantics = [#tpu.dimension_semantics<arbitrary>], iteration_bounds = array<i64: 8>, scalar_prefetch = 0 : i64, scratch_operands = 0 : i64, tpu.core_type = #tpu.core_type<tc>, window_params = [{transform_indices = @transform_0, window_bounds = array<i64: 1264, 128>}, {transform_indices = @transform_1, window_bounds = array<i64: 1264, 128>}, {pipeline_mode = #tpu.pipeline_mode<synchronous>, transform_indices = @transform_2, window_bounds = array<i64: 1, 128>}, {transform_indices = @transform_3, window_bounds = array<i64: 1264, 16>}, {transform_indices = @transform_4, window_bounds = array<i64: 1264, 16>}, {transform_indices = @transform_5, window_bounds = array<i64: 1264, 128>}]} {
    %get3A = arith.constant 0 : index
    %get3A_0 = arith.constant 0 : index
    %get3A_1 = vector.load %arg4[%get3A, %get3A_0] : memref<1264x16xf32, #tpu.memory_space<vmem>>, vector<1264x1xf32>
    %get3A_2 = arith.constant 0 : index
    %get3A_3 = arith.constant 0 : index
    %get3A_4 = vector.load %arg5[%get3A_2, %get3A_3] : memref<1264x16xf32, #tpu.memory_space<vmem>>, vector<1264x1xf32>
    %add3A = arith.addf %get3A_1, %get3A_4 : vector<1264x1xf32>
    %sub3A = arith.constant 1.000000e+00 : f32
    %sub3A_5 = vector.broadcast %sub3A : f32 to vector<1264x1xf32>
    %sub3A_6 = arith.subf %add3A, %sub3A_5 : vector<1264x1xf32>
    %rsqrt3A = math.rsqrt %sub3A_6 : vector<1264x1xf32>
    %get3A_7 = arith.constant 0 : index
    %get3A_8 = arith.constant 0 : index
    %get3A_9 = vector.load %arg1[%get3A_7, %get3A_8] : memref<1264x128xf32, #tpu.memory_space<vmem>>, vector<1264x128xf32>
    %get3A_10 = arith.constant 0 : index
    %get3A_11 = arith.constant 0 : index
    %get3A_12 = vector.load %arg2[%get3A_10, %get3A_11] : memref<1264x128xf32, #tpu.memory_space<vmem>>, vector<1264x128xf32>
    %add3A_13 = arith.addf %get3A_9, %get3A_12 : vector<1264x128xf32>
    %mul3A = vector.broadcast %rsqrt3A : vector<1264x1xf32> to vector<1264x128xf32>
    %mul3A_14 = arith.mulf %mul3A, %add3A_13 : vector<1264x128xf32>
    %get3A_15 = arith.constant 0 : index
    %get3A_16 = arith.constant 0 : index
    %get3A_17 = vector.load %arg3[%get3A_15, %get3A_16] : memref<1x128xf32, #tpu.memory_space<vmem>>, vector<1x128xf32>
    %add3A_18 = vector.broadcast %get3A_17 : vector<1x128xf32> to vector<1264x128xf32>
    %add3A_19 = arith.addf %mul3A_14, %add3A_18 : vector<1264x128xf32>
    %max3A = arith.constant 0.000000e+00 : f32
    %max3A_20 = vector.broadcast %max3A : f32 to vector<1264x128xf32>
    %max3A_21 = arith.maximumf %add3A_19, %max3A_20 : vector<1264x128xf32>
    %swap3A = arith.constant 0 : index
    %swap3A_22 = arith.constant 0 : index
    %swap3A_23 = vector.load %arg6[%swap3A, %swap3A_22] : memref<1264x128xf32, #tpu.memory_space<vmem>>, vector<1264x128xf32>
    tpu.vector_store %arg6[%swap3A, %swap3A_22], %max3A_21 {strides = array<i32>} : memref<1264x128xf32, #tpu.memory_space<vmem>>, vector<1264x128xf32>,
    return
  }
  func.func @transform_0(%arg0: i32) -> (i32, i32) {
    %c0_i32 = arith.constant 0 : i32
    %c0_i32_0 = arith.constant 0 : i32
    return %arg0, %c0_i32 : i32, i32
  }
  func.func @transform_1(%arg0: i32) -> (i32, i32) {
    %c0_i32 = arith.constant 0 : i32
    %c0_i32_0 = arith.constant 0 : i32
    return %arg0, %c0_i32 : i32, i32
  }
  func.func @transform_2(%arg0: i32) -> (i32, i32) {
    %c0_i32 = arith.constant 0 : i32
    %c0_i32_0 = arith.constant 0 : i32
    %c0_i32_1 = arith.constant 0 : i32
    return %c0_i32, %c0_i32_0 : i32, i32
  }
  func.func @transform_3(%arg0: i32) -> (i32, i32) {
    %c0_i32 = arith.constant 0 : i32
    %c0_i32_0 = arith.constant 0 : i32
    return %arg0, %c0_i32 : i32, i32
  }
  func.func @transform_4(%arg0: i32) -> (i32, i32) {
    %c0_i32 = arith.constant 0 : i32
    %c0_i32_0 = arith.constant 0 : i32
    return %arg0, %c0_i32 : i32, i32
  }
  func.func @transform_5(%arg0: i32) -> (i32, i32) {
    %c0_i32 = arith.constant 0 : i32
    %c0_i32_0 = arith.constant 0 : i32
    return %arg0, %c0_i32 : i32, i32
  }
}

</mosaic_0001>

<sc_bundles>
// kernel: kernel.10.cloned.1.call-start
scs
__scs_entry_jumppad:
0x0: {  	(pc) =	sbr.rel $0x88, $3  }
0x1: {  	(tag) =	ssettag $0x0;
	lr =	simm.s32 $0x1  }
0x2: {  	[smem:$0x3F99] =	sst lr;
	_ =	strace $0xD0000000  }
0x3: {  	_ = 	snop  }
0x4: {  	_ = 	snop  }
0x5: {  	_ = 	snop  }
0x6: {  	_ = 	snop  }
0x7: {  	_ = 	snop  }
__scs_overlays_trampoline_lowered:
0x8: {  	[smem:$0x3FA8] =	sst s0  }
0x9: {  	[smem:$0x3FA9] =	sst s1  }
0xa: {  	[smem:$0x3FAA] =	sst s2  }
0xb: {  	[smem:$0x3FAB] =	sst s3  }
0xc: {  	[smem:$0x3FAC] =	sst s4  }
0xd: {  	[smem:$0x3FAD] =	sst s5  }
0xe: {  	[smem:$0x3FAE] =	sst s6  }
0xf: {  	[smem:$0x3FAF] =	sst s7  }
0x10: {  	[smem:$0x3FB0] =	sst s8  }
0x11: {  	[smem:$0x3FB1] =	sst s9;
	s0 =	simm.s32 @!p0 $0x0  }
0x12: {  	s1 =	sld [smem:$0x3F97];
	s0 =	simm.s32 @p0 $0x1  }
0x13: {  	[smem:$0x3FB2] =	sst s0;
	s0 =	simm.s32 @!p1 $0x0  }
0x14: {  	s2 =	sld [smem:$0x3F96];
	s0 =	simm.s32 @p1 $0x1  }
0x15: {  	[smem:$0x3FB3] =	sst s0;
	s0 =	simm.s32 @!p2 $0x0  }
0x16: {  	s3 =	sld [smem:$0x3FDB];
	s0 =	simm.s32 @p2 $0x1  }
0x17: {  	s4 =	simm.s32 $0x1BF5;
	[smem:$0x3FB5] =	sst s0  }
0x18: {  	s0 =	sld [smem:$0x3F98];
	_ =	swait.ge [sflag:s4], $0x0  }
0x19: {  	s7 =	sld [smem:$0x3F99]  }
0x1a: {  	s8 =	sadd.s32 $0xFFFFE003, lr  }
0x1b: {  	s9 =	sadd.s32 $0xFFFFFEF7, lr;
	s5 =	simm.s32 $0xFFFFFFFF;
	p2 =	slt.u32 s8, $0xFFFFF086  }
0x1c: {  	p1 =	slt.u32 s9, $0xF7A;
	s5 =	simm.s32 @!p2 $0x0  }
0x1d: {  	s5 =	simm.s32 @p1 $0x1;
	p0 =	seq.s32 s7, s2  }
0x1e: {  	s7 =	smul.u32 @!p0 $0xF7A, s2;
	p2 =	seq.s32 @!p0 s5, $0x0  }
0x1f: {  	s9 =	smul.u32 $0xF7A, s1;
	s8 =	simm.s32 @!p0 $0x1BF5;
	p2 =	por !p2, p0  }
0x20: {  	[sflag:s8] =	ssyncset.s32 @!p0 $0xFFFFF086;
	s6 =	sadd.s32 @!p0 s3, s7;
	s7 =	simm.s32 @!p0 $0x108  }
0x21: {  	s3 =	sadd.s32 s3, s9;
	s6 =	sadd.s32 @!p0 $0x88, s6;
	s7 =	simm.s32 @p2 $0x1082  }
0x22: {  	[simem:s7], [sflag:s8] =	dma.local @!p0 [hbm:s6], $0xF7A  }
0x23: {  	s9 =	sor.u32 $0xD0000000, s2;
	s6 =	simm.s32 $0x108;
	_ =	swait.ge @!p0 [sflag:s8], $0x0  }
0x24: {  	s3 =	sadd.s32 $0x88, s3;
	s6 =	simm.s32 @!p1 $0x1082;
	[sflag:s4] =	ssyncset.s32 $0xFFFFF086  }
0x25: {  	[simem:s6], [sflag:s4] =	dma.local [hbm:s3], $0xF7A  }
0x26: {  	[smem:$0x3F99] =	sst s1;
	(tag) =	ssettag s2;
	_ =	strace s9  }
0x27: {  	s1 =	sld [smem:$0x3FA9]  }
0x28: {  	s2 =	sld [smem:$0x3FAA]  }
0x29: {  	s4 =	sld [smem:$0x3FAC]  }
0x2a: {  	p0 =	seq.s32 s5, $0x0;
	s5 =	sld [smem:$0x3FAD]  }
0x2b: {  	s6 =	sld [smem:$0x3FAE]  }
0x2c: {  	s7 =	sld [smem:$0x3FAF]  }
0x2d: {  	s3 =	simm.s32 $0x108;
	s8 =	sld [smem:$0x3FB0]  }
0x2e: {  	s3 =	simm.s32 @!p0 $0x1082;
	s9 =	sld [smem:$0x3FB1]  }
0x2f: {  	lr =	sadd.s32 s0, s3;
	s0 =	sld [smem:$0x3FA8]  }
0x30: {  	s3 =	sld [smem:$0x3FAB]  }
0x31: {  	[smem:$0x3FB4] =	sst s10  }
0x32: {  	s10 =	sld [smem:$0x3FB2];
	_ =	sdelay $0x3  }
0x33: {  	p0 =	seq.s32 s10, $0x1;
	s10 =	sld [smem:$0x3FB4];
	_ =	sdelay $0x3  }
0x34: {  	[smem:$0x3FB4] =	sst s10  }
0x35: {  	s10 =	sld [smem:$0x3FB3];
	_ =	sdelay $0x3  }
0x36: {  	p1 =	seq.s32 s10, $0x1;
	s10 =	sld [smem:$0x3FB4];
	_ =	sdelay $0x3  }
0x37: {  	[smem:$0x3FB4] =	sst s10  }
0x38: {  	s10 =	sld [smem:$0x3FB5]  }
0x39: {  	_ = 	snop;
	(pc) =	sbr.ind lr, $3  }
0x3a: {  	_ = 	snop  }
0x3b: {  	_ = 	snop  }
0x3c: {  	p2 =	seq.s32 s10, $0x1;
	s10 =	sld [smem:$0x3FB4]  }
0x3d: {  	_ =	shalt  }
0x3e: {  	_ =	shalt  }
0x3f: {  	_ =	shalt  }
0x40: {  	_ =	shalt  }
0x41: {  	_ =	shalt  }
0x42: {  	_ =	shalt  }
0x43: {  	_ =	shalt  }
0x44: {  	_ =	shalt  }
0x45: {  	_ =	shalt  }
0x46: {  	_ =	shalt  }
0x47: {  	_ =	shalt  }
0x48: {  	_ =	shalt  }
0x49: {  	_ =	shalt  }
0x4a: {  	_ =	shalt  }
0x4b: {  	_ =	shalt  }
0x4c: {  	_ =	shalt  }
0x4d: {  	_ =	shalt  }
0x4e: {  	_ =	shalt  }
0x4f: {  	_ =	shalt  }
0x50: {  	_ =	shalt  }
0x51: {  	_ =	shalt  }
0x52: {  	_ =	shalt  }
0x53: {  	_ =	shalt  }
0x54: {  	_ =	shalt  }
0x55: {  	_ =	shalt  }
0x56: {  	_ =	shalt  }
0x57: {  	_ =	shalt  }
0x58: {  	_ =	shalt  }
0x59: {  	_ =	shalt  }
0x5a: {  	_ =	shalt  }
0x5b: {  	_ =	shalt  }
0x5c: {  	_ =	shalt  }
0x5d: {  	_ =	shalt  }
0x5e: {  	_ =	shalt  }
0x5f: {  	_ =	shalt  }
0x60: {  	_ =	shalt  }
0x61: {  	_ =	shalt  }
0x62: {  	_ =	shalt  }
0x63: {  	_ =	shalt  }
0x64: {  	_ =	shalt  }
0x65: {  	_ =	shalt  }
0x66: {  	_ =	shalt  }
0x67: {  	_ =	shalt  }
0x68: {  	_ =	shalt  }
0x69: {  	_ =	shalt  }
0x6a: {  	_ =	shalt  }
0x6b: {  	_ =	shalt  }
0x6c: {  	_ =	shalt  }
0x6d: {  	_ =	shalt  }
0x6e: {  	_ =	shalt  }
0x6f: {  	_ =	shalt  }
0x70: {  	_ =	shalt  }
0x71: {  	_ =	shalt  }
0x72: {  	_ =	shalt  }
0x73: {  	_ =	shalt  }
0x74: {  	_ =	shalt  }
0x75: {  	_ =	shalt  }
0x76: {  	_ =	shalt  }
0x77: {  	_ =	shalt  }
0x78: {  	_ =	shalt  }
0x79: {  	_ =	shalt  }
0x7a: {  	_ =	shalt  }
0x7b: {  	_ =	shalt  }
0x7c: {  	_ =	shalt  }
0x7d: {  	_ =	shalt  }
0x7e: {  	_ =	shalt  }
0x7f: {  	_ =	shalt  }
0x80: {  	_ =	shalt  }
0x81: {  	_ =	shalt  }
0x82: {  	_ =	shalt  }
0x83: {  	_ =	shalt  }
0x84: {  	_ =	shalt  }
0x85: {  	_ =	shalt  }
0x86: {  	_ =	shalt  }
0x87: {  	_ =	shalt  }
.Lfunc_end0:
.L_simem_size_0:
called_computation_lowered:
.L_overlay_start_0:
0x88: {  	s2 =	sld [smem:$0x3FD9]  }
0x89: {  	s3 =	sld [smem:$0x3FFE];
	_ =	sdelay $0x1  }
0x8a: {  	s1 =	srdreg.scid  }
0x8b: {  	s0 =	sand.u32 $0x1, s1  }
0x8c: {  	s16 =	sshll.u32 s0, $0xA;
	s2 =	sadd.s32 s3, s2  }
0x8d: {  	s2 =	sadd.s32 s2, s16  }
0x8e: {  	[smem:$0x3FC0] =	sst s2  }
0x8f: {  	_ = 	snop  }
0x90: {  	(tm) =	ssettm $0x1  }
0x91: {  	s17 =	sld [smem:$0x3FFB];
	_ =	sdelay $0x3  }
0x92: {  	_ =	strace s17  }
0x93: {  	s2 =	sld [smem:$0x3FFC];
	_ =	sdelay $0x3  }
0x94: {  	_ =	strace s2  }
0x95: {  	s2 =	sld [smem:$0x3FFD];
	_ =	sdelay $0x3  }
0x96: {  	_ =	strace s2  }
0x97: {  	_ =	strace $0x8FFFFFFF  }
0x98: {  	s18 =	sld [smem:$0x3FDB];
	_ =	sdelay $0x1  }
0x99: {  	s19 =	simm.s32 $_scs_section_size  }
0x9a: {  	s4 =	simm.s32 $_size__tile_overlayer_lowered;
	s5 =	simm.s32 $_tile_overlayer_lowered  }
0x9b: {  	s22 =	simm.s32 $0x1BFF;
	s21 =	sshll.u32 s5, $0x1;
	s2 =	sadd.s32 s19, s18  }
0x9c: {  	s6 =	simm.s32 $0x0;
	s20 =	sshll.u32 s4, $0x1;
	s4 =	sadd.s32 s21, s2  }
0x9d: {  	[timem:s6], [sflag:s22] =	dma.local [hbm:s4], s20  }
0x9e: {  	_ =	swait.ge [sflag:s22], s20  }
0x9f: {  	s3 =	ssub.s32 $0x0, s20;
	[sflag:s22] =	ssyncset.done $0x0  }
0xa0: {  	[sflag:s22] =	ssyncadd.s32 s3;
	_ =	sdelay $0x1  }
0xa1: {  	s23 =	simm.s32 $0x1B8B  }
0xa2: {  	_ =	swait.ge [sflag:s23], $0x1  }
0xa3: {  	[sflag:s23] =	ssyncset.done $0x0  }
0xa4: {  	s25 =	simm.s32 $0x1B8E;
	s24 =	sld [smem:$0x3FFE];
	[sflag:s23] =	ssyncadd.s32 $0xFFFFFFFF  }
0xa5: {  	s26 =	simm.s32 $execute0_lowered;
	[smem:$0x3FD2] =	sst s25  }
0xa6: {  	s4 =	sshll.u32 s26, $0x1;
	_ =	strace $0x80000046;
	[dreg:$0x1] =	wrdreg $0xFFFFFFFF  }
0xa7: {  	s28 =	simm.s32 $_size_execute0_lowered;
	s2 =	sadd.s32 s2, s4;
	[dreg:$0x0] =	wrdreg $0x0  }
0xa8: {  	s4 =	sshll.u32 s28, $0x1;
	[dreg:$0x2] =	wrdreg s2  }
0xa9: {  	[dreg:$0x3] =	wrdreg s4  }
0xaa: {  	[dreg:$0x4] =	wrdreg $0xC0  }
0xab: {  	_ =	task [dreg:s6], $0x5FFFF  }
0xac: {  	[dreg:$0x1] =	wrdreg $0xFFFFFFFF  }
0xad: {  	[dreg:$0x0] =	wrdreg $0x60  }
0xae: {  	[dreg:$0x2] =	wrdreg s24  }
0xaf: {  	[dreg:$0x3] =	wrdreg $0x68000  }
0xb0: {  	[dreg:$0x4] =	wrdreg $0x9  }
0xb1: {  	_ =	task.clear_ibuf [dreg:s6], $0x5FFFF;
	_ =	strace $0x90000046  }
0xb2: {  	s29 =	simm.s32 $0x9;
	_ =	strace $0x80000048  }
0xb3: {  	_ =	swait.ge [sflag:s29], $0x1  }
0xb4: {  	[sflag:s29] =	ssyncadd.s32 $0xFFFFFFFF  }
0xb5: {  	_ =	strace $0x90000048  }
0xb6: {  	_ =	sfence  }
0xb7: {  	s30 =	sld [smem:$0x0];
	_ =	sdelay $0x2  }
0xb8: {  	s31 =	sshll.u32 s1, $0xD;
	s1 =	sshrl.u32 s1, $0x2  }
0xb9: {  	s3 =	sand.u32 $0x4000, s31;
	s1 =	sadd.s32 s1, s30  }
0xba: {  	s0 =	sor.u32 s3, s0;
	s1 =	sshll.u32 s1, $0x11  }
0xbb: {  	s0 =	sor.u32 s1, s0  }
0xbc: {  	s0 =	sadd.s32 $0x8F2B, s0  }
0xbd: {  	[sflag:s0] =	ssyncadd.remote.s32 $0x1  }
0xbe: {  	_ =	sfence.sel $0xFFFF  }
0xbf: {  	[dreg:$0x0] =	wrdreg $0xFFFFFFFF;
	(pc) =	sbr.abs _section_cstart, $3  }
0xc0: {  	[dreg:$0x1] =	wrdreg $0xFFFFFFFF  }
0xc1: {  	_ =	task.clear_ibuf [dreg:s6], $0x2FFFF;
	_ =	strace $0x9FFFFFFF  }
0xc2: {  	(tm) =	ssettm $0x7FFFFFFF  }
0xc3: {  	_ =	shalt  }
tec
execute0_lowered:
.L_overlay_start_1:
0x0: {  	(tag) =	ssettag $0x1  }
0x1: {  	s8 =	rddreg [dreg:$0x0]  }
0x2: {  	s1 =	rddreg [dreg:$0x1]  }
0x3: {  	s0 =	rddreg [dreg:$0x2];
	s3 =	simm.s32 $0x0;
	s2 =	srdreg.scid  }
0x4: {  	s12 =	simm.s32 $0x3DE00;
	s13 =	simm.s32 $0x0;
	[smem:$0x7FF] =	sst s3  }
0x5: {  	s6 =	sand.u32 $0x1, s2;
	s2 =	stileid.u32;
	_ =	strace $0x80000047  }
0x6: {  	s4 =	sshll.u32 s6, $0xB;
	s5 =	smul.u32 $0x4F000, s2;
	s9 =	ssub.s32 $0x2, s6  }
0x7: {  	s11 =	sshll.u32 s2, $0x6;
	s29 =	sshll.u32 s2, $0xC;
	p0 =	seq.s32 s6, $0x1  }
0x8: {  	s31 =	smul.u32 $0x2780, s2;
	s7 =	sadd.s32 s4, s8;
	s4 =	sadd.s32 $0x13E00, s8  }
0x9: {  	s10 =	sshrl.u32 s9, $0x1;
	s12 =	simm.s32 @!p0 $0x16600;
	s5 =	sshrl.u32 s5, $0x2  }
0xa: {  	s9 =	ssub.s32 s9, s10;
	s30 =	sadd.s32 s29, s7;
	s8 =	sadd.s32 s12, s8  }
0xb: {  	s10 =	simm.s32 $0x1;
	s12 =	simm.s32 $0x50;
	s28 =	sadd.s32 s5, s1  }
0xc: {  	s5 =	sor.u32 $0x1C01, s11;
	s6 =	sadd.s32 $0x3E00, s30;
	s7 =	smax.u32 s9, $0x1  }
0xd: {  	s8 =	sadd.s32 s8, s31;
	s11 =	simm.s32 $0x4000;
	s9 =	sshrl.u32 s28, $0x3  }
.LBB2_1:
0xe: {  	[spmem:s9], [sflag:s5] =	dma.local [hbm:s4], $0x2780  }
0xf: {  	_ =	swait.ge [sflag:s10], $0x2780  }
0x10: {  	[sflag:s10] =	ssyncset.done $0x0  }
0x11: {  	[sflag:s10] =	ssyncadd.s32 $0xFFFFD880  }
0x12: {  	[tilespmem:s11], [sflag:$0x1] =	stream.linear.gather [hbm4b:s4+s3], $0x2800, $0x38;
	[tilespmem:$0x8F80] =	vst v63  }
0x13: {  	_ =	swait.ge [sflag:s10], $0x2800  }
0x14: {  	[sflag:s10] =	ssyncset.done $0x0  }
0x15: {  	[sflag:s10] =	ssyncadd.s32 $0xFFFFD800  }
0x16: {  	[tilespmem:s3], [sflag:$0x1] =	stream.linear.gather [hbm4b:s6+s3], $0x3E80, $0x38;
	[tilespmem:$0x8F80] =	vst v63  }
0x17: {  	_ =	swait.ge [sflag:s10], $0x3E80  }
0x18: {  	[sflag:s10] =	ssyncset.done $0x0  }
0x19: {  	[sflag:s10] =	ssyncadd.s32 $0xFFFFC180  }
0x1a: {  	s14 =	simm.s32 $0x0;
	[bflag:$0x0] =	sbarrier.arrive $0xFFFF  }
0x1b: {  	[spmem:s1] =	stream.indirect.scatter.add.f32 [tilespmem:s11], [sflag:$0x1], $0x10, s14, s12, $0xb8;
	[tilespmem:$0x8F80] =	vst v63  }
0x1c: {  	_ =	swait.ge [sflag:s10], $0x500  }
0x1d: {  	s14 =	simm.s32 $0x200;
	[sflag:s10] =	ssyncset.done $0x0  }
.LBB2_2:
0x1e: {  	s15 =	sshra.s32 s14, $0x2;
	[sflag:s10] =	ssyncadd.s32 $0xFFFFFB00;
	p0 =	sne.s32 s14, $0xF800  }
0x1f: {  	[spmem:s1] =	stream.indirect.scatter.add.f32 [tilespmem:s11], [sflag:$0x1], $0x10, s15, s12, $0xb8;
	[tilespmem:$0x8F80] =	vst v63  }
.Ltmp0:
0x20: {  	_ = 	snop;
	(pc) =	sbr.rel @p0 .LBB2_2-.Ltmp0, $4  }
0x21: {  	_ = 	snop  }
0x22: {  	s14 =	sadd.s32 $0x200, s14  }
0x23: {  	_ =	swait.ge [sflag:s10], $0x500  }
0x24: {  	[sflag:s10] =	ssyncset.done $0x0  }
0x25: {  	s13 =	sadd.s32 $0x1, s13  }
0x26: {  	[sflag:s10] =	ssyncadd.s32 $0xFFFFFB00;
	p0 =	sne.s32 s13, s7  }
.Ltmp1:
0x27: {  	[bflag:$0x0] =	sbarrier.arrive $0xFFFF;
	(pc) =	sbr.rel @p0 .LBB2_1-.Ltmp1, $4  }
0x28: {  	[hbm:s8], [sflag:s5] =	dma.local [spmem:s9], $0x2780  }
0x29: {  	_ =	swait.ge [sflag:s10], $0x2780  }
0x2a: {  	[sflag:s10] =	ssyncset.done $0x0  }
0x2b: {  	[sflag:s10] =	ssyncadd.s32 $0xFFFFD880  }
0x2c: {  	_ =	sfence.sel $0x180000  }
0x2d: {  	[bflag:$0x0] =	sbarrier.arrive $0xFFFF  }
0x2e: {  	p0 =	sne.s32 s2, $0x0;
	_ =	strace $0x90000047  }
0x2f: {  	s0 =	sadd.s32 @!p0 $0x100000, s0;
	[bflag:$0x2] =	sbarrier.arrive $0xFFFF  }
0x30: {  	[sflag:s0] =	ssyncadd.tile.s32 @!p0 $0x1;
	_ =	shalt  }
.Lfunc_end2:
_tile_overlayer_lowered:
.L_overlay_start_2:
0x31: {  	(tag) =	ssettag $0x2  }
0x32: {  	s0 =	rddreg [dreg:$0x0];
	s2 =	stileid.u32  }
0x33: {  	s1 =	rddreg [dreg:$0x1];
	p0 =	sne.s32 s2, $0x0  }
0x34: {  	s3 =	rddreg [dreg:$0x2];
	[bflag:$0x3] =	sbarrier.arrive $0xFFFF;
	s2 =	simm.s32 @!p0 $0x1C01  }
0x35: {  	[timem:s3], [sflag:s2] =	dma.local @!p0 [hbm:s0], s1  }
0x36: {  	s0 =	simm.s32 @!p0 $0x1  }
0x37: {  	_ =	swait.ge @!p0 [sflag:s0], s1  }
0x38: {  	s1 =	ssub.s32 @!p0 $0x0, s1;
	[sflag:s0] =	ssyncset.done @!p0 $0x0  }
0x39: {  	[sflag:s0] =	ssyncadd.s32 @!p0 s1  }
0x3a: {  	[bflag:$0x3] =	sbarrier.arrive $0xFFFF  }
0x3b: {  	_ =	shalt  }

// kernel: kernel.13.cloned.1.call-start
scs
__scs_entry_jumppad:
0x0: {  	(pc) =	sbr.rel $0x88, $3  }
0x1: {  	(tag) =	ssettag $0x0;
	lr =	simm.s32 $0x1  }
0x2: {  	[smem:$0x3F99] =	sst lr;
	_ =	strace $0xD0000000  }
0x3: {  	_ = 	snop  }
0x4: {  	_ = 	snop  }
0x5: {  	_ = 	snop  }
0x6: {  	_ = 	snop  }
0x7: {  	_ = 	snop  }
__scs_overlays_trampoline_lowered:
0x8: {  	[smem:$0x3FA8] =	sst s0  }
0x9: {  	[smem:$0x3FA9] =	sst s1  }
0xa: {  	[smem:$0x3FAA] =	sst s2  }
0xb: {  	[smem:$0x3FAB] =	sst s3  }
0xc: {  	[smem:$0x3FAC] =	sst s4  }
0xd: {  	[smem:$0x3FAD] =	sst s5  }
0xe: {  	[smem:$0x3FAE] =	sst s6  }
0xf: {  	[smem:$0x3FAF] =	sst s7  }
0x10: {  	[smem:$0x3FB0] =	sst s8  }
0x11: {  	[smem:$0x3FB1] =	sst s9;
	s0 =	simm.s32 @!p0 $0x0  }
0x12: {  	s1 =	sld [smem:$0x3F97];
	s0 =	simm.s32 @p0 $0x1  }
0x13: {  	[smem:$0x3FB2] =	sst s0;
	s0 =	simm.s32 @!p1 $0x0  }
0x14: {  	s2 =	sld [smem:$0x3F96];
	s0 =	simm.s32 @p1 $0x1  }
0x15: {  	[smem:$0x3FB3] =	sst s0;
	s0 =	simm.s32 @!p2 $0x0  }
0x16: {  	s3 =	sld [smem:$0x3FDB];
	s0 =	simm.s32 @p2 $0x1  }
0x17: {  	s4 =	simm.s32 $0x1BF5;
	[smem:$0x3FB5] =	sst s0  }
0x18: {  	s0 =	sld [smem:$0x3F98];
	_ =	swait.ge [sflag:s4], $0x0  }
0x19: {  	s7 =	sld [smem:$0x3F99]  }
0x1a: {  	s8 =	sadd.s32 $0xFFFFE003, lr  }
0x1b: {  	s9 =	sadd.s32 $0xFFFFFEF7, lr;
	s5 =	simm.s32 $0xFFFFFFFF;
	p2 =	slt.u32 s8, $0xFFFFF086  }
0x1c: {  	p1 =	slt.u32 s9, $0xF7A;
	s5 =	simm.s32 @!p2 $0x0  }
0x1d: {  	s5 =	simm.s32 @p1 $0x1;
	p0 =	seq.s32 s7, s2  }
0x1e: {  	s7 =	smul.u32 @!p0 $0xF7A, s2;
	p2 =	seq.s32 @!p0 s5, $0x0  }
0x1f: {  	s9 =	smul.u32 $0xF7A, s1;
	s8 =	simm.s32 @!p0 $0x1BF5;
	p2 =	por !p2, p0  }
0x20: {  	[sflag:s8] =	ssyncset.s32 @!p0 $0xFFFFF086;
	s6 =	sadd.s32 @!p0 s3, s7;
	s7 =	simm.s32 @!p0 $0x108  }
0x21: {  	s3 =	sadd.s32 s3, s9;
	s6 =	sadd.s32 @!p0 $0x88, s6;
	s7 =	simm.s32 @p2 $0x1082  }
0x22: {  	[simem:s7], [sflag:s8] =	dma.local @!p0 [hbm:s6], $0xF7A  }
0x23: {  	s9 =	sor.u32 $0xD0000000, s2;
	s6 =	simm.s32 $0x108;
	_ =	swait.ge @!p0 [sflag:s8], $0x0  }
0x24: {  	s3 =	sadd.s32 $0x88, s3;
	s6 =	simm.s32 @!p1 $0x1082;
	[sflag:s4] =	ssyncset.s32 $0xFFFFF086  }
0x25: {  	[simem:s6], [sflag:s4] =	dma.local [hbm:s3], $0xF7A  }
0x26: {  	[smem:$0x3F99] =	sst s1;
	(tag) =	ssettag s2;
	_ =	strace s9  }
0x27: {  	s1 =	sld [smem:$0x3FA9]  }
0x28: {  	s2 =	sld [smem:$0x3FAA]  }
0x29: {  	s4 =	sld [smem:$0x3FAC]  }
0x2a: {  	p0 =	seq.s32 s5, $0x0;
	s5 =	sld [smem:$0x3FAD]  }
0x2b: {  	s6 =	sld [smem:$0x3FAE]  }
0x2c: {  	s7 =	sld [smem:$0x3FAF]  }
0x2d: {  	s3 =	simm.s32 $0x108;
	s8 =	sld [smem:$0x3FB0]  }
0x2e: {  	s3 =	simm.s32 @!p0 $0x1082;
	s9 =	sld [smem:$0x3FB1]  }
0x2f: {  	lr =	sadd.s32 s0, s3;
	s0 =	sld [smem:$0x3FA8]  }
0x30: {  	s3 =	sld [smem:$0x3FAB]  }
0x31: {  	[smem:$0x3FB4] =	sst s10  }
0x32: {  	s10 =	sld [smem:$0x3FB2];
	_ =	sdelay $0x3  }
0x33: {  	p0 =	seq.s32 s10, $0x1;
	s10 =	sld [smem:$0x3FB4];
	_ =	sdelay $0x3  }
0x34: {  	[smem:$0x3FB4] =	sst s10  }
0x35: {  	s10 =	sld [smem:$0x3FB3];
	_ =	sdelay $0x3  }
0x36: {  	p1 =	seq.s32 s10, $0x1;
	s10 =	sld [smem:$0x3FB4];
	_ =	sdelay $0x3  }
0x37: {  	[smem:$0x3FB4] =	sst s10  }
0x38: {  	s10 =	sld [smem:$0x3FB5]  }
0x39: {  	_ = 	snop;
	(pc) =	sbr.ind lr, $3  }
0x3a: {  	_ = 	snop  }
0x3b: {  	_ = 	snop  }
0x3c: {  	p2 =	seq.s32 s10, $0x1;
	s10 =	sld [smem:$0x3FB4]  }
0x3d: {  	_ =	shalt  }
0x3e: {  	_ =	shalt  }
0x3f: {  	_ =	shalt  }
0x40: {  	_ =	shalt  }
0x41: {  	_ =	shalt  }
0x42: {  	_ =	shalt  }
0x43: {  	_ =	shalt  }
0x44: {  	_ =	shalt  }
0x45: {  	_ =	shalt  }
0x46: {  	_ =	shalt  }
0x47: {  	_ =	shalt  }
0x48: {  	_ =	shalt  }
0x49: {  	_ =	shalt  }
0x4a: {  	_ =	shalt  }
0x4b: {  	_ =	shalt  }
0x4c: {  	_ =	shalt  }
0x4d: {  	_ =	shalt  }
0x4e: {  	_ =	shalt  }
0x4f: {  	_ =	shalt  }
0x50: {  	_ =	shalt  }
0x51: {  	_ =	shalt  }
0x52: {  	_ =	shalt  }
0x53: {  	_ =	shalt  }
0x54: {  	_ =	shalt  }
0x55: {  	_ =	shalt  }
0x56: {  	_ =	shalt  }
0x57: {  	_ =	shalt  }
0x58: {  	_ =	shalt  }
0x59: {  	_ =	shalt  }
0x5a: {  	_ =	shalt  }
0x5b: {  	_ =	shalt  }
0x5c: {  	_ =	shalt  }
0x5d: {  	_ =	shalt  }
0x5e: {  	_ =	shalt  }
0x5f: {  	_ =	shalt  }
0x60: {  	_ =	shalt  }
0x61: {  	_ =	shalt  }
0x62: {  	_ =	shalt  }
0x63: {  	_ =	shalt  }
0x64: {  	_ =	shalt  }
0x65: {  	_ =	shalt  }
0x66: {  	_ =	shalt  }
0x67: {  	_ =	shalt  }
0x68: {  	_ =	shalt  }
0x69: {  	_ =	shalt  }
0x6a: {  	_ =	shalt  }
0x6b: {  	_ =	shalt  }
0x6c: {  	_ =	shalt  }
0x6d: {  	_ =	shalt  }
0x6e: {  	_ =	shalt  }
0x6f: {  	_ =	shalt  }
0x70: {  	_ =	shalt  }
0x71: {  	_ =	shalt  }
0x72: {  	_ =	shalt  }
0x73: {  	_ =	shalt  }
0x74: {  	_ =	shalt  }
0x75: {  	_ =	shalt  }
0x76: {  	_ =	shalt  }
0x77: {  	_ =	shalt  }
0x78: {  	_ =	shalt  }
0x79: {  	_ =	shalt  }
0x7a: {  	_ =	shalt  }
0x7b: {  	_ =	shalt  }
0x7c: {  	_ =	shalt  }
0x7d: {  	_ =	shalt  }
0x7e: {  	_ =	shalt  }
0x7f: {  	_ =	shalt  }
0x80: {  	_ =	shalt  }
0x81: {  	_ =	shalt  }
0x82: {  	_ =	shalt  }
0x83: {  	_ =	shalt  }
0x84: {  	_ =	shalt  }
0x85: {  	_ =	shalt  }
0x86: {  	_ =	shalt  }
0x87: {  	_ =	shalt  }
.Lfunc_end0:
.L_simem_size_0:
called_computation.1_lowered:
.L_overlay_start_0:
0x88: {  	s2 =	sld [smem:$0x3FD9]  }
0x89: {  	s3 =	sld [smem:$0x3FFE];
	_ =	sdelay $0x1  }
0x8a: {  	s1 =	srdreg.scid  }
0x8b: {  	s0 =	sand.u32 $0x1, s1  }
0x8c: {  	s17 =	sshll.u32 s0, $0xA;
	s2 =	sadd.s32 s3, s2  }
0x8d: {  	s2 =	sadd.s32 s2, s17  }
0x8e: {  	[smem:$0x3FC0] =	sst s2  }
0x8f: {  	_ = 	snop  }
0x90: {  	s2 =	sld [smem:$0x3FD0];
	(tm) =	ssettm $0x1  }
0x91: {  	s18 =	sld [smem:$0x3FFB];
	_ =	sdelay $0x3  }
0x92: {  	_ =	strace s18  }
0x93: {  	s3 =	sld [smem:$0x3FFC];
	_ =	sdelay $0x3  }
0x94: {  	_ =	strace s3  }
0x95: {  	s3 =	sld [smem:$0x3FFD];
	_ =	sdelay $0x3  }
0x96: {  	_ =	strace s3  }
0x97: {  	_ =	strace $0x8FFFFFFF  }
0x98: {  	s19 =	sld [smem:$0x3FDB];
	_ =	sdelay $0x1  }
0x99: {  	s4 =	simm.s32 $_scs_section_size  }
0x9a: {  	s5 =	simm.s32 $_size__tile_overlayer_lowered;
	s6 =	simm.s32 $_tile_overlayer_lowered  }
0x9b: {  	s22 =	simm.s32 $0x1BFF;
	s21 =	sshll.u32 s6, $0x1;
	s3 =	sadd.s32 s4, s19  }
0x9c: {  	s7 =	simm.s32 $0x0;
	s20 =	sshll.u32 s5, $0x1;
	s5 =	sadd.s32 s21, s3  }
0x9d: {  	[timem:s7], [sflag:s22] =	dma.local [hbm:s5], s20  }
0x9e: {  	_ =	swait.ge [sflag:s22], s20  }
0x9f: {  	s4 =	ssub.s32 $0x0, s20;
	[sflag:s22] =	ssyncset.done $0x0  }
0xa0: {  	[sflag:s22] =	ssyncadd.s32 s4;
	_ =	sdelay $0x1  }
0xa1: {  	s23 =	simm.s32 $0x1B8B  }
0xa2: {  	_ =	swait.ge [sflag:s23], $0x1  }
0xa3: {  	[sflag:s23] =	ssyncset.done $0x0  }
0xa4: {  	s25 =	simm.s32 $0x1B8E;
	s24 =	sld [smem:$0x3FFE];
	[sflag:s23] =	ssyncadd.s32 $0xFFFFFFFF  }
0xa5: {  	s26 =	simm.s32 $execute0_lowered;
	[smem:$0x3FD2] =	sst s25  }
0xa6: {  	s5 =	sshll.u32 s26, $0x1;
	_ =	strace $0x80000049;
	[dreg:$0x1] =	wrdreg $0xFFFFFFFF  }
0xa7: {  	s28 =	simm.s32 $_size_execute0_lowered;
	s3 =	sadd.s32 s3, s5;
	[dreg:$0x0] =	wrdreg $0x0  }
0xa8: {  	s5 =	sshll.u32 s28, $0x1;
	[dreg:$0x2] =	wrdreg s3  }
0xa9: {  	[dreg:$0x3] =	wrdreg s5  }
0xaa: {  	[dreg:$0x4] =	wrdreg $0xC0  }
0xab: {  	_ =	task [dreg:s7], $0x5FFFF  }
0xac: {  	[dreg:$0x1] =	wrdreg $0xFFFFFFFF  }
0xad: {  	[dreg:$0x0] =	wrdreg $0x60  }
0xae: {  	[dreg:$0x2] =	wrdreg s24  }
0xaf: {  	[dreg:$0x3] =	wrdreg s2  }
0xb0: {  	[dreg:$0x4] =	wrdreg $0x150000  }
0xb1: {  	[dreg:$0x5] =	wrdreg $0x9  }
0xb2: {  	_ =	task.clear_ibuf [dreg:s7], $0x6FFFF;
	_ =	strace $0x90000049  }
0xb3: {  	s29 =	simm.s32 $0x9;
	_ =	strace $0x8000004B  }
0xb4: {  	_ =	swait.ge [sflag:s29], $0x1  }
0xb5: {  	[sflag:s29] =	ssyncadd.s32 $0xFFFFFFFF  }
0xb6: {  	_ =	strace $0x9000004B  }
0xb7: {  	_ =	sfence  }
0xb8: {  	s30 =	sld [smem:$0x0];
	_ =	sdelay $0x2  }
0xb9: {  	s31 =	sshll.u32 s1, $0xD;
	s1 =	sshrl.u32 s1, $0x2  }
0xba: {  	s3 =	sand.u32 $0x4000, s31;
	s1 =	sadd.s32 s1, s30  }
0xbb: {  	s0 =	sor.u32 s3, s0;
	s1 =	sshll.u32 s1, $0x11  }
0xbc: {  	s0 =	sor.u32 s1, s0  }
0xbd: {  	s0 =	sadd.s32 $0x8F2B, s0  }
0xbe: {  	[sflag:s0] =	ssyncadd.remote.s32 $0x1  }
0xbf: {  	_ =	sfence.sel $0xFFFF  }
0xc0: {  	[dreg:$0x0] =	wrdreg $0xFFFFFFFF;
	(pc) =	sbr.abs _section_cstart, $3  }
0xc1: {  	[dreg:$0x1] =	wrdreg $0xFFFFFFFF  }
0xc2: {  	_ =	task.clear_ibuf [dreg:s7], $0x2FFFF;
	_ =	strace $0x9FFFFFFF  }
0xc3: {  	(tm) =	ssettm $0x7FFFFFFF  }
tec
execute0_lowered:
.L_overlay_start_1:
0x0: {  	(tag) =	ssettag $0x1  }
0x1: {  	s6 =	rddreg [dreg:$0x0]  }
0x2: {  	s8 =	rddreg [dreg:$0x1]  }
0x3: {  	s1 =	rddreg [dreg:$0x2]  }
0x4: {  	s0 =	rddreg [dreg:$0x3]  }
0x5: {  	s3 =	simm.s32 $0x0;
	s2 =	srdreg.scid;
	s16 =	simm.s32 $0x12800  }
0x6: {  	s17 =	simm.s32 $0x1;
	s18 =	simm.s32 $0x2;
	s19 =	simm.s32 $0x7C80  }
0x7: {  	s20 =	simm.s32 $0xFC00;
	s21 =	simm.s32 $0xFC80;
	s9 =	sand.u32 $0x1, s2  }
0x8: {  	s23 =	simm.s32 $0x0;
	s2 =	stileid.u32;
	s5 =	smul.u32 $0x13C00, s9  }
0x9: {  	[smem:$0x7FF] =	sst s3;
	s4 =	sadd.s32 $0x3E00, s6;
	s7 =	smul.u32 $0x2780, s2  }
0xa: {  	_ =	strace $0x8000004A;
	s10 =	sshll.u32 s2, $0xC;
	s14 =	smul.u32 $0x28000, s2  }
0xb: {  	s12 =	ssub.s32 $0x2, s9;
	s29 =	sshll.u32 s2, $0x6;
	s30 =	smul.u32 $0x4F000, s2  }
0xc: {  	s9 =	sshll.u32 s9, $0x10;
	p0 =	sgt.u32 s2, $0x7;
	s11 =	sadd.s32 s10, s6  }
0xd: {  	s13 =	sshrl.u32 s12, $0x1;
	s8 =	sadd.s32 s8, s10;
	s7 =	sadd.s32 s7, s5  }
0xe: {  	s5 =	sadd.s32 $0x2B600, s6;
	s12 =	ssub.s32 s12, s13;
	s28 =	sshrl.u32 s14, $0x2  }
0xf: {  	s31 =	sshrl.u32 s30, $0x2;
	s8 =	sadd.s32 s9, s8;
	s13 =	simm.s32 $0x8000  }
0x10: {  	s15 =	sadd.s32 s7, s6;
	s14 =	sadd.s32 s28, s1;
	s6 =	sor.u32 $0x1C03, s29  }
0x11: {  	s7 =	sadd.s32 $0x65600, s11;
	s22 =	sadd.s32 s31, s1;
	s10 =	smax.u32 s12, $0x1  }
0x12: {  	s12 =	simm.s32 $0x3;
	s9 =	sadd.s32 $0x75600, s15;
	s11 =	sshrl.u32 s14, $0x3  }
0x13: {  	s14 =	simm.s32 $0x50;
	s15 =	simm.s32 $0x10000;
	s22 =	sshrl.u32 @!p0 s22, $0x3  }
.LBB2_1:
0x14: {  	[spmem:s11], [sflag:s6] =	dma.local [hbm:s5], $0x1400  }
0x15: {  	_ =	swait.ge [sflag:s12], $0x1400  }
0x16: {  	[sflag:s12] =	ssyncset.done $0x0  }
0x17: {  	[sflag:s12] =	ssyncadd.s32 $0xFFFFEC00  }
0x18: {  	[tilespmem:s3], [sflag:$0x3] =	stream.linear.gather [hbm4b:s7+s3], $0x7D00, $0x38;
	[tilespmem:$0x1F000] =	vst v63  }
0x19: {  	_ =	swait.ge [sflag:s12], $0x7D00  }
0x1a: {  	[sflag:s12] =	ssyncset.done $0x0  }
0x1b: {  	[sflag:s12] =	ssyncadd.s32 $0xFFFF8300  }
0x1c: {  	[tilespmem:s13], [sflag:$0x3] =	stream.linear.gather [hbm4b:s8+s3], $0x7D00, $0x38;
	[tilespmem:$0x1F000] =	vst v63  }
0x1d: {  	_ =	swait.ge [sflag:s12], $0x7D00  }
0x1e: {  	[sflag:s12] =	ssyncset.done $0x0  }
0x1f: {  	[sflag:s12] =	ssyncadd.s32 $0xFFFF8300  }
0x20: {  	[bflag:$0x0] =	sbarrier.arrive $0xFFFF  }
0x21: {  	[tilespmem:s15], [sflag:$0x1] =	stream.indirect.gather [hbm4b:s4+s14], $0x80, s3, s14, $0xb8;
	[tilespmem:$0x1F000] =	vst v63  }
0x22: {  	s24 =	simm.s32 $0x80  }
0x23: {  	[tilespmem:s16], [sflag:$0x2] =	stream.indirect.gather [hbm4b:s4+s14], $0x80, s24, s14, $0xb8;
	[tilespmem:$0x1F000] =	vst v63  }
0x24: {  	_ =	swait.ge [sflag:s17], $0x2800  }
0x25: {  	[sflag:s17] =	ssyncset.done $0x0  }
0x26: {  	s29 =	simm.s32 $0x8000;
	[sflag:s17] =	ssyncadd.s32 $0xFFFFD800  }
0x27: {  	[spmem:s1] =	stream.indirect.scatter.add.f32 [tilespmem:s15], [sflag:$0x3], $0x80, s29, s14, $0xb8;
	[tilespmem:$0x1F000] =	vst v63  }
0x28: {  	_ =	swait.ge [sflag:s12], $0x2800  }
0x29: {  	[sflag:s12] =	ssyncset.done $0x0  }
0x2a: {  	s30 =	simm.s32 $0x100;
	[sflag:s12] =	ssyncadd.s32 $0xFFFFD800  }
0x2b: {  	[tilespmem:s15], [sflag:$0x1] =	stream.indirect.gather [hbm4b:s4+s14], $0x80, s30, s14, $0xb8;
	[tilespmem:$0x1F000] =	vst v63  }
0x2c: {  	_ =	swait.ge [sflag:s18], $0x2800  }
0x2d: {  	[sflag:s18] =	ssyncset.done $0x0  }
0x2e: {  	s31 =	simm.s32 $0x8080;
	[sflag:s18] =	ssyncadd.s32 $0xFFFFD800  }
0x2f: {  	[spmem:s1] =	stream.indirect.scatter.add.f32 [tilespmem:s16], [sflag:$0x3], $0x80, s31, s14, $0xb8;
	[tilespmem:$0x1F000] =	vst v63  }
0x30: {  	_ =	swait.ge [sflag:s12], $0x2800  }
0x31: {  	s25 =	simm.s32 $0x800;
	s24 =	simm.s32 $0x100;
	[sflag:s12] =	ssyncset.done $0x0  }
.LBB2_2:
0x32: {  	s26 =	sadd.s32 $0x80, s24  }
0x33: {  	[sflag:s12] =	ssyncadd.s32 $0xFFFFD800;
	s28 =	smov.u32 s25;
	s29 =	sadd.s32 $0x400, s25  }
0x34: {  	[tilespmem:s16], [sflag:$0x2] =	stream.indirect.gather [hbm4b:s4+s14], $0x80, s26, s14, $0xb8;
	[tilespmem:$0x1F000] =	vst v63  }
0x35: {  	p1 =	sne.s32 s25, $0x1EC00;
	_ =	swait.ge [sflag:s17], $0x2800  }
0x36: {  	[sflag:s17] =	ssyncset.done $0x0  }
0x37: {  	s25 =	sadd.s32 $0x8000, s24;
	[sflag:s17] =	ssyncadd.s32 $0xFFFFD800  }
0x38: {  	[spmem:s1] =	stream.indirect.scatter.add.f32 [tilespmem:s15], [sflag:$0x3], $0x80, s25, s14, $0xb8;
	[tilespmem:$0x1F000] =	vst v63  }
0x39: {  	_ =	swait.ge [sflag:s12], $0x2800  }
0x3a: {  	[sflag:s12] =	ssyncset.done $0x0  }
0x3b: {  	s25 =	sadd.s32 $0x100, s24;
	[sflag:s12] =	ssyncadd.s32 $0xFFFFD800  }
0x3c: {  	[tilespmem:s15], [sflag:$0x1] =	stream.indirect.gather [hbm4b:s4+s14], $0x80, s25, s14, $0xb8;
	[tilespmem:$0x1F000] =	vst v63  }
0x3d: {  	_ =	swait.ge [sflag:s18], $0x2800  }
.Ltmp0:
0x3e: {  	[sflag:s18] =	ssyncset.done $0x0;
	(pc) =	sbr.rel @p1 .LBB2_2-.Ltmp0, $4  }
0x3f: {  	s24 =	sadd.s32 $0x8080, s24;
	[sflag:s18] =	ssyncadd.s32 $0xFFFFD800  }
0x40: {  	[spmem:s1] =	stream.indirect.scatter.add.f32 [tilespmem:s16], [sflag:$0x3], $0x80, s24, s14, $0xb8;
	[tilespmem:$0x1F000] =	vst v63  }
0x41: {  	_ =	swait.ge [sflag:s12], $0x2800  }
0x42: {  	s25 =	smov.u32 s29;
	s24 =	sshra.s32 s28, $0x2;
	[sflag:s12] =	ssyncset.done $0x0  }
0x43: {  	s25 =	sadd.s32 $0x80, s24;
	[sflag:s12] =	ssyncadd.s32 $0xFFFFD800  }
0x44: {  	[tilespmem:s16], [sflag:$0x2] =	stream.indirect.gather [hbm4b:s4+s14], $0x80, s25, s14, $0xb8;
	[tilespmem:$0x1F000] =	vst v63  }
0x45: {  	_ =	swait.ge [sflag:s17], $0x2800  }
0x46: {  	[sflag:s17] =	ssyncset.done $0x0  }
0x47: {  	s29 =	sadd.s32 $0x8000, s24;
	[sflag:s17] =	ssyncadd.s32 $0xFFFFD800  }
0x48: {  	[spmem:s1] =	stream.indirect.scatter.add.f32 [tilespmem:s15], [sflag:$0x3], $0x80, s29, s14, $0xb8;
	[tilespmem:$0x1F000] =	vst v63  }
0x49: {  	_ =	swait.ge [sflag:s12], $0x2800  }
0x4a: {  	[sflag:s12] =	ssyncset.done $0x0  }
0x4b: {  	s30 =	sadd.s32 $0x100, s24;
	[sflag:s12] =	ssyncadd.s32 $0xFFFFD800  }
0x4c: {  	[tilespmem:s15], [sflag:$0x1] =	stream.indirect.gather [hbm4b:s4+s14], $0x80, s30, s14, $0xb8;
	[tilespmem:$0x1F000] =	vst v63  }
0x4d: {  	_ =	swait.ge [sflag:s18], $0x2800  }
0x4e: {  	[sflag:s18] =	ssyncset.done $0x0  }
0x4f: {  	s31 =	sadd.s32 $0x8080, s24;
	[sflag:s18] =	ssyncadd.s32 $0xFFFFD800  }
0x50: {  	[spmem:s1] =	stream.indirect.scatter.add.f32 [tilespmem:s16], [sflag:$0x3], $0x80, s31, s14, $0xb8;
	[tilespmem:$0x1F000] =	vst v63  }
0x51: {  	_ =	swait.ge [sflag:s12], $0x2800  }
0x52: {  	[sflag:s12] =	ssyncset.done $0x0  }
0x53: {  	[sflag:s12] =	ssyncadd.s32 $0xFFFFD800  }
0x54: {  	[tilespmem:s16], [sflag:$0x2] =	stream.indirect.gather [hbm4b:s4+s14], $0x80, s19, s14, $0xb8;
	[tilespmem:$0x1F000] =	vst v63  }
0x55: {  	_ =	swait.ge [sflag:s17], $0x2800  }
0x56: {  	[sflag:s17] =	ssyncset.done $0x0  }
0x57: {  	[sflag:s17] =	ssyncadd.s32 $0xFFFFD800  }
0x58: {  	[spmem:s1] =	stream.indirect.scatter.add.f32 [tilespmem:s15], [sflag:$0x3], $0x80, s20, s14, $0xb8;
	[tilespmem:$0x1F000] =	vst v63  }
0x59: {  	_ =	swait.ge [sflag:s12], $0x2800  }
0x5a: {  	[sflag:s12] =	ssyncset.done $0x0  }
0x5b: {  	[sflag:s12] =	ssyncadd.s32 $0xFFFFD800  }
0x5c: {  	_ =	swait.ge [sflag:s18], $0x2800  }
0x5d: {  	[sflag:s18] =	ssyncset.done $0x0  }
0x5e: {  	[sflag:s18] =	ssyncadd.s32 $0xFFFFD800  }
0x5f: {  	[spmem:s1] =	stream.indirect.scatter.add.f32 [tilespmem:s16], [sflag:$0x3], $0x80, s21, s14, $0xb8;
	[tilespmem:$0x1F000] =	vst v63  }
0x60: {  	_ =	swait.ge [sflag:s12], $0x2800  }
0x61: {  	s23 =	sadd.s32 $0x1, s23;
	[sflag:s12] =	ssyncset.done $0x0  }
0x62: {  	p1 =	sne.s32 s23, s10;
	[sflag:s12] =	ssyncadd.s32 $0xFFFFD800  }
.Ltmp1:
0x63: {  	s24 =	simm.s32 @!p0 $0x3;
	[bflag:$0x0] =	sbarrier.arrive $0xFFFF;
	(pc) =	sbr.rel @p1 .LBB2_1-.Ltmp1, $4  }
0x64: {  	[hbm:s9], [sflag:s6] =	dma.local @!p0 [spmem:s22], $0x2780  }
0x65: {  	_ =	swait.ge @!p0 [sflag:s24], $0x2780  }
0x66: {  	[sflag:s24] =	ssyncset.done @!p0 $0x0  }
0x67: {  	[sflag:s24] =	ssyncadd.s32 @!p0 $0xFFFFD880  }
0x68: {  	_ =	sfence.sel $0x180000  }
0x69: {  	[bflag:$0x0] =	sbarrier.arrive $0xFFFF  }
0x6a: {  	p0 =	sne.s32 s2, $0x0;
	_ =	strace $0x9000004A  }
0x6b: {  	s0 =	sadd.s32 @!p0 $0x100000, s0;
	[bflag:$0x2] =	sbarrier.arrive $0xFFFF  }
0x6c: {  	[sflag:s0] =	ssyncadd.tile.s32 @!p0 $0x1;
	_ =	shalt  }
.Lfunc_end2:
_tile_overlayer_lowered:
.L_overlay_start_2:
0x6d: {  	(tag) =	ssettag $0x2  }
0x6e: {  	s0 =	rddreg [dreg:$0x0];
	s2 =	stileid.u32  }
0x6f: {  	s1 =	rddreg [dreg:$0x1];
	p0 =	sne.s32 s2, $0x0  }
0x70: {  	s3 =	rddreg [dreg:$0x2];
	[bflag:$0x3] =	sbarrier.arrive $0xFFFF;
	s2 =	simm.s32 @!p0 $0x1C03  }
0x71: {  	[timem:s3], [sflag:s2] =	dma.local @!p0 [hbm:s0], s1  }
0x72: {  	s0 =	simm.s32 @!p0 $0x3  }
0x73: {  	_ =	swait.ge @!p0 [sflag:s0], s1  }
0x74: {  	s1 =	ssub.s32 @!p0 $0x0, s1;
	[sflag:s0] =	ssyncset.done @!p0 $0x0  }
0x75: {  	[sflag:s0] =	ssyncadd.s32 @!p0 s1  }
0x76: {  	[bflag:$0x3] =	sbarrier.arrive $0xFFFF  }
0x77: {  	_ =	shalt  }

// kernel: kernel.16.cloned.1.call-start
scs
__scs_entry_jumppad:
0x0: {  	(pc) =	sbr.rel $0x88, $3  }
0x1: {  	(tag) =	ssettag $0x0;
	lr =	simm.s32 $0x1  }
0x2: {  	[smem:$0x3F99] =	sst lr;
	_ =	strace $0xD0000000  }
0x3: {  	_ = 	snop  }
0x4: {  	_ = 	snop  }
0x5: {  	_ = 	snop  }
0x6: {  	_ = 	snop  }
0x7: {  	_ = 	snop  }
__scs_overlays_trampoline_lowered:
0x8: {  	[smem:$0x3FA8] =	sst s0  }
0x9: {  	[smem:$0x3FA9] =	sst s1  }
0xa: {  	[smem:$0x3FAA] =	sst s2  }
0xb: {  	[smem:$0x3FAB] =	sst s3  }
0xc: {  	[smem:$0x3FAC] =	sst s4  }
0xd: {  	[smem:$0x3FAD] =	sst s5  }
0xe: {  	[smem:$0x3FAE] =	sst s6  }
0xf: {  	[smem:$0x3FAF] =	sst s7  }
0x10: {  	[smem:$0x3FB0] =	sst s8  }
0x11: {  	[smem:$0x3FB1] =	sst s9;
	s0 =	simm.s32 @!p0 $0x0  }
0x12: {  	s1 =	sld [smem:$0x3F97];
	s0 =	simm.s32 @p0 $0x1  }
0x13: {  	[smem:$0x3FB2] =	sst s0;
	s0 =	simm.s32 @!p1 $0x0  }
0x14: {  	s2 =	sld [smem:$0x3F96];
	s0 =	simm.s32 @p1 $0x1  }
0x15: {  	[smem:$0x3FB3] =	sst s0;
	s0 =	simm.s32 @!p2 $0x0  }
0x16: {  	s3 =	sld [smem:$0x3FDB];
	s0 =	simm.s32 @p2 $0x1  }
0x17: {  	s4 =	simm.s32 $0x1BF5;
	[smem:$0x3FB5] =	sst s0  }
0x18: {  	s0 =	sld [smem:$0x3F98];
	_ =	swait.ge [sflag:s4], $0x0  }
0x19: {  	s7 =	sld [smem:$0x3F99]  }
0x1a: {  	s8 =	sadd.s32 $0xFFFFE003, lr  }
0x1b: {  	s9 =	sadd.s32 $0xFFFFFEF7, lr;
	s5 =	simm.s32 $0xFFFFFFFF;
	p2 =	slt.u32 s8, $0xFFFFF086  }
0x1c: {  	p1 =	slt.u32 s9, $0xF7A;
	s5 =	simm.s32 @!p2 $0x0  }
0x1d: {  	s5 =	simm.s32 @p1 $0x1;
	p0 =	seq.s32 s7, s2  }
0x1e: {  	s7 =	smul.u32 @!p0 $0xF7A, s2;
	p2 =	seq.s32 @!p0 s5, $0x0  }
0x1f: {  	s9 =	smul.u32 $0xF7A, s1;
	s8 =	simm.s32 @!p0 $0x1BF5;
	p2 =	por !p2, p0  }
0x20: {  	[sflag:s8] =	ssyncset.s32 @!p0 $0xFFFFF086;
	s6 =	sadd.s32 @!p0 s3, s7;
	s7 =	simm.s32 @!p0 $0x108  }
0x21: {  	s3 =	sadd.s32 s3, s9;
	s6 =	sadd.s32 @!p0 $0x88, s6;
	s7 =	simm.s32 @p2 $0x1082  }
0x22: {  	[simem:s7], [sflag:s8] =	dma.local @!p0 [hbm:s6], $0xF7A  }
0x23: {  	s9 =	sor.u32 $0xD0000000, s2;
	s6 =	simm.s32 $0x108;
	_ =	swait.ge @!p0 [sflag:s8], $0x0  }
0x24: {  	s3 =	sadd.s32 $0x88, s3;
	s6 =	simm.s32 @!p1 $0x1082;
	[sflag:s4] =	ssyncset.s32 $0xFFFFF086  }
0x25: {  	[simem:s6], [sflag:s4] =	dma.local [hbm:s3], $0xF7A  }
0x26: {  	[smem:$0x3F99] =	sst s1;
	(tag) =	ssettag s2;
	_ =	strace s9  }
0x27: {  	s1 =	sld [smem:$0x3FA9]  }
0x28: {  	s2 =	sld [smem:$0x3FAA]  }
0x29: {  	s4 =	sld [smem:$0x3FAC]  }
0x2a: {  	p0 =	seq.s32 s5, $0x0;
	s5 =	sld [smem:$0x3FAD]  }
0x2b: {  	s6 =	sld [smem:$0x3FAE]  }
0x2c: {  	s7 =	sld [smem:$0x3FAF]  }
0x2d: {  	s3 =	simm.s32 $0x108;
	s8 =	sld [smem:$0x3FB0]  }
0x2e: {  	s3 =	simm.s32 @!p0 $0x1082;
	s9 =	sld [smem:$0x3FB1]  }
0x2f: {  	lr =	sadd.s32 s0, s3;
	s0 =	sld [smem:$0x3FA8]  }
0x30: {  	s3 =	sld [smem:$0x3FAB]  }
0x31: {  	[smem:$0x3FB4] =	sst s10  }
0x32: {  	s10 =	sld [smem:$0x3FB2];
	_ =	sdelay $0x3  }
0x33: {  	p0 =	seq.s32 s10, $0x1;
	s10 =	sld [smem:$0x3FB4];
	_ =	sdelay $0x3  }
0x34: {  	[smem:$0x3FB4] =	sst s10  }
0x35: {  	s10 =	sld [smem:$0x3FB3];
	_ =	sdelay $0x3  }
0x36: {  	p1 =	seq.s32 s10, $0x1;
	s10 =	sld [smem:$0x3FB4];
	_ =	sdelay $0x3  }
0x37: {  	[smem:$0x3FB4] =	sst s10  }
0x38: {  	s10 =	sld [smem:$0x3FB5]  }
0x39: {  	_ = 	snop;
	(pc) =	sbr.ind lr, $3  }
0x3a: {  	_ = 	snop  }
0x3b: {  	_ = 	snop  }
0x3c: {  	p2 =	seq.s32 s10, $0x1;
	s10 =	sld [smem:$0x3FB4]  }
0x3d: {  	_ =	shalt  }
0x3e: {  	_ =	shalt  }
0x3f: {  	_ =	shalt  }
0x40: {  	_ =	shalt  }
0x41: {  	_ =	shalt  }
0x42: {  	_ =	shalt  }
0x43: {  	_ =	shalt  }
0x44: {  	_ =	shalt  }
0x45: {  	_ =	shalt  }
0x46: {  	_ =	shalt  }
0x47: {  	_ =	shalt  }
0x48: {  	_ =	shalt  }
0x49: {  	_ =	shalt  }
0x4a: {  	_ =	shalt  }
0x4b: {  	_ =	shalt  }
0x4c: {  	_ =	shalt  }
0x4d: {  	_ =	shalt  }
0x4e: {  	_ =	shalt  }
0x4f: {  	_ =	shalt  }
0x50: {  	_ =	shalt  }
0x51: {  	_ =	shalt  }
0x52: {  	_ =	shalt  }
0x53: {  	_ =	shalt  }
0x54: {  	_ =	shalt  }
0x55: {  	_ =	shalt  }
0x56: {  	_ =	shalt  }
0x57: {  	_ =	shalt  }
0x58: {  	_ =	shalt  }
0x59: {  	_ =	shalt  }
0x5a: {  	_ =	shalt  }
0x5b: {  	_ =	shalt  }
0x5c: {  	_ =	shalt  }
0x5d: {  	_ =	shalt  }
0x5e: {  	_ =	shalt  }
0x5f: {  	_ =	shalt  }
0x60: {  	_ =	shalt  }
0x61: {  	_ =	shalt  }
0x62: {  	_ =	shalt  }
0x63: {  	_ =	shalt  }
0x64: {  	_ =	shalt  }
0x65: {  	_ =	shalt  }
0x66: {  	_ =	shalt  }
0x67: {  	_ =	shalt  }
0x68: {  	_ =	shalt  }
0x69: {  	_ =	shalt  }
0x6a: {  	_ =	shalt  }
0x6b: {  	_ =	shalt  }
0x6c: {  	_ =	shalt  }
0x6d: {  	_ =	shalt  }
0x6e: {  	_ =	shalt  }
0x6f: {  	_ =	shalt  }
0x70: {  	_ =	shalt  }
0x71: {  	_ =	shalt  }
0x72: {  	_ =	shalt  }
0x73: {  	_ =	shalt  }
0x74: {  	_ =	shalt  }
0x75: {  	_ =	shalt  }
0x76: {  	_ =	shalt  }
0x77: {  	_ =	shalt  }
0x78: {  	_ =	shalt  }
0x79: {  	_ =	shalt  }
0x7a: {  	_ =	shalt  }
0x7b: {  	_ =	shalt  }
0x7c: {  	_ =	shalt  }
0x7d: {  	_ =	shalt  }
0x7e: {  	_ =	shalt  }
0x7f: {  	_ =	shalt  }
0x80: {  	_ =	shalt  }
0x81: {  	_ =	shalt  }
0x82: {  	_ =	shalt  }
0x83: {  	_ =	shalt  }
0x84: {  	_ =	shalt  }
0x85: {  	_ =	shalt  }
0x86: {  	_ =	shalt  }
0x87: {  	_ =	shalt  }
.Lfunc_end0:
.L_simem_size_0:
called_computation.2_lowered:
.L_overlay_start_0:
0x88: {  	s2 =	sld [smem:$0x3FD9]  }
0x89: {  	s3 =	sld [smem:$0x3FFE];
	_ =	sdelay $0x1  }
0x8a: {  	s1 =	srdreg.scid  }
0x8b: {  	s0 =	sand.u32 $0x1, s1  }
0x8c: {  	s17 =	sshll.u32 s0, $0xA;
	s2 =	sadd.s32 s3, s2  }
0x8d: {  	s2 =	sadd.s32 s2, s17  }
0x8e: {  	[smem:$0x3FC0] =	sst s2  }
0x8f: {  	_ = 	snop  }
0x90: {  	s2 =	sld [smem:$0x3FD0];
	(tm) =	ssettm $0x1  }
0x91: {  	s18 =	sld [smem:$0x3FFB];
	_ =	sdelay $0x3  }
0x92: {  	_ =	strace s18  }
0x93: {  	s3 =	sld [smem:$0x3FFC];
	_ =	sdelay $0x3  }
0x94: {  	_ =	strace s3  }
0x95: {  	s3 =	sld [smem:$0x3FFD];
	_ =	sdelay $0x3  }
0x96: {  	_ =	strace s3  }
0x97: {  	_ =	strace $0x8FFFFFFF  }
0x98: {  	s19 =	sld [smem:$0x3FDB];
	_ =	sdelay $0x1  }
0x99: {  	s4 =	simm.s32 $_scs_section_size  }
0x9a: {  	s5 =	simm.s32 $_size__tile_overlayer_lowered;
	s6 =	simm.s32 $_tile_overlayer_lowered  }
0x9b: {  	s22 =	simm.s32 $0x1BFF;
	s21 =	sshll.u32 s6, $0x1;
	s3 =	sadd.s32 s4, s19  }
0x9c: {  	s7 =	simm.s32 $0x0;
	s20 =	sshll.u32 s5, $0x1;
	s5 =	sadd.s32 s21, s3  }
0x9d: {  	[timem:s7], [sflag:s22] =	dma.local [hbm:s5], s20  }
0x9e: {  	_ =	swait.ge [sflag:s22], s20  }
0x9f: {  	s4 =	ssub.s32 $0x0, s20;
	[sflag:s22] =	ssyncset.done $0x0  }
0xa0: {  	[sflag:s22] =	ssyncadd.s32 s4;
	_ =	sdelay $0x1  }
0xa1: {  	s23 =	simm.s32 $0x1B8B  }
0xa2: {  	_ =	swait.ge [sflag:s23], $0x1  }
0xa3: {  	[sflag:s23] =	ssyncset.done $0x0  }
0xa4: {  	s25 =	simm.s32 $0x1B8E;
	s24 =	sld [smem:$0x3FFE];
	[sflag:s23] =	ssyncadd.s32 $0xFFFFFFFF  }
0xa5: {  	s26 =	simm.s32 $execute0_lowered;
	[smem:$0x3FD2] =	sst s25  }
0xa6: {  	s5 =	sshll.u32 s26, $0x1;
	_ =	strace $0x8000004C;
	[dreg:$0x1] =	wrdreg $0xFFFFFFFF  }
0xa7: {  	s28 =	simm.s32 $_size_execute0_lowered;
	s3 =	sadd.s32 s3, s5;
	[dreg:$0x0] =	wrdreg $0x0  }
0xa8: {  	s5 =	sshll.u32 s28, $0x1;
	[dreg:$0x2] =	wrdreg s3  }
0xa9: {  	[dreg:$0x3] =	wrdreg s5  }
0xaa: {  	[dreg:$0x4] =	wrdreg $0xC0  }
0xab: {  	_ =	task [dreg:s7], $0x5FFFF  }
0xac: {  	[dreg:$0x1] =	wrdreg $0xFFFFFFFF  }
0xad: {  	[dreg:$0x0] =	wrdreg $0x60  }
0xae: {  	[dreg:$0x2] =	wrdreg s24  }
0xaf: {  	[dreg:$0x3] =	wrdreg s2  }
0xb0: {  	[dreg:$0x4] =	wrdreg $0x150000  }
0xb1: {  	[dreg:$0x5] =	wrdreg $0x9  }
0xb2: {  	_ =	task.clear_ibuf [dreg:s7], $0x6FFFF;
	_ =	strace $0x9000004C  }
0xb3: {  	s29 =	simm.s32 $0x9;
	_ =	strace $0x8000004E  }
0xb4: {  	_ =	swait.ge [sflag:s29], $0x1  }
0xb5: {  	[sflag:s29] =	ssyncadd.s32 $0xFFFFFFFF  }
0xb6: {  	_ =	strace $0x9000004E  }
0xb7: {  	_ =	sfence  }
0xb8: {  	s30 =	sld [smem:$0x0];
	_ =	sdelay $0x2  }
0xb9: {  	s31 =	sshll.u32 s1, $0xD;
	s1 =	sshrl.u32 s1, $0x2  }
0xba: {  	s3 =	sand.u32 $0x4000, s31;
	s1 =	sadd.s32 s1, s30  }
0xbb: {  	s0 =	sor.u32 s3, s0;
	s1 =	sshll.u32 s1, $0x11  }
0xbc: {  	s0 =	sor.u32 s1, s0  }
0xbd: {  	s0 =	sadd.s32 $0x8F2B, s0  }
0xbe: {  	[sflag:s0] =	ssyncadd.remote.s32 $0x1  }
0xbf: {  	_ =	sfence.sel $0xFFFF  }
0xc0: {  	[dreg:$0x0] =	wrdreg $0xFFFFFFFF;
	(pc) =	sbr.abs _section_cstart, $3  }
0xc1: {  	[dreg:$0x1] =	wrdreg $0xFFFFFFFF  }
0xc2: {  	_ =	task.clear_ibuf [dreg:s7], $0x2FFFF;
	_ =	strace $0x9FFFFFFF  }
0xc3: {  	(tm) =	ssettm $0x7FFFFFFF  }
tec
execute0_lowered:
.L_overlay_start_1:
0x0: {  	(tag) =	ssettag $0x1  }
0x1: {  	s6 =	rddreg [dreg:$0x0]  }
0x2: {  	s8 =	rddreg [dreg:$0x1]  }
0x3: {  	s1 =	rddreg [dreg:$0x2]  }
0x4: {  	s0 =	rddreg [dreg:$0x3]  }
0x5: {  	s3 =	simm.s32 $0x0;
	s2 =	srdreg.scid;
	s16 =	simm.s32 $0x12800  }
0x6: {  	s17 =	simm.s32 $0x1;
	s18 =	simm.s32 $0x2;
	s19 =	simm.s32 $0x7C80  }
0x7: {  	s20 =	simm.s32 $0xFC00;
	s21 =	simm.s32 $0xFC80;
	s9 =	sand.u32 $0x1, s2  }
0x8: {  	s23 =	simm.s32 $0x0;
	s2 =	stileid.u32;
	s5 =	smul.u32 $0x13C00, s9  }
0x9: {  	[smem:$0x7FF] =	sst s3;
	s4 =	sadd.s32 $0x3E00, s6;
	s7 =	smul.u32 $0x2780, s2  }
0xa: {  	_ =	strace $0x8000004D;
	s10 =	sshll.u32 s2, $0xC;
	s14 =	smul.u32 $0x28000, s2  }
0xb: {  	s12 =	ssub.s32 $0x2, s9;
	s29 =	sshll.u32 s2, $0x6;
	s30 =	smul.u32 $0x4F000, s2  }
0xc: {  	s9 =	sshll.u32 s9, $0x10;
	p0 =	sgt.u32 s2, $0x7;
	s11 =	sadd.s32 s10, s6  }
0xd: {  	s13 =	sshrl.u32 s12, $0x1;
	s8 =	sadd.s32 s8, s10;
	s7 =	sadd.s32 s7, s5  }
0xe: {  	s5 =	sadd.s32 $0x2B600, s6;
	s12 =	ssub.s32 s12, s13;
	s28 =	sshrl.u32 s14, $0x2  }
0xf: {  	s31 =	sshrl.u32 s30, $0x2;
	s8 =	sadd.s32 s9, s8;
	s13 =	simm.s32 $0x8000  }
0x10: {  	s15 =	sadd.s32 s7, s6;
	s14 =	sadd.s32 s28, s1;
	s6 =	sor.u32 $0x1C03, s29  }
0x11: {  	s7 =	sadd.s32 $0x65600, s11;
	s22 =	sadd.s32 s31, s1;
	s10 =	smax.u32 s12, $0x1  }
0x12: {  	s12 =	simm.s32 $0x3;
	s9 =	sadd.s32 $0x75600, s15;
	s11 =	sshrl.u32 s14, $0x3  }
0x13: {  	s14 =	simm.s32 $0x50;
	s15 =	simm.s32 $0x10000;
	s22 =	sshrl.u32 @!p0 s22, $0x3  }
.LBB2_1:
0x14: {  	[spmem:s11], [sflag:s6] =	dma.local [hbm:s5], $0x1400  }
0x15: {  	_ =	swait.ge [sflag:s12], $0x1400  }
0x16: {  	[sflag:s12] =	ssyncset.done $0x0  }
0x17: {  	[sflag:s12] =	ssyncadd.s32 $0xFFFFEC00  }
0x18: {  	[tilespmem:s3], [sflag:$0x3] =	stream.linear.gather [hbm4b:s7+s3], $0x7D00, $0x38;
	[tilespmem:$0x1F000] =	vst v63  }
0x19: {  	_ =	swait.ge [sflag:s12], $0x7D00  }
0x1a: {  	[sflag:s12] =	ssyncset.done $0x0  }
0x1b: {  	[sflag:s12] =	ssyncadd.s32 $0xFFFF8300  }
0x1c: {  	[tilespmem:s13], [sflag:$0x3] =	stream.linear.gather [hbm4b:s8+s3], $0x7D00, $0x38;
	[tilespmem:$0x1F000] =	vst v63  }
0x1d: {  	_ =	swait.ge [sflag:s12], $0x7D00  }
0x1e: {  	[sflag:s12] =	ssyncset.done $0x0  }
0x1f: {  	[sflag:s12] =	ssyncadd.s32 $0xFFFF8300  }
0x20: {  	[bflag:$0x0] =	sbarrier.arrive $0xFFFF  }
0x21: {  	[tilespmem:s15], [sflag:$0x1] =	stream.indirect.gather [hbm4b:s4+s14], $0x80, s3, s14, $0xb8;
	[tilespmem:$0x1F000] =	vst v63  }
0x22: {  	s24 =	simm.s32 $0x80  }
0x23: {  	[tilespmem:s16], [sflag:$0x2] =	stream.indirect.gather [hbm4b:s4+s14], $0x80, s24, s14, $0xb8;
	[tilespmem:$0x1F000] =	vst v63  }
0x24: {  	_ =	swait.ge [sflag:s17], $0x2800  }
0x25: {  	[sflag:s17] =	ssyncset.done $0x0  }
0x26: {  	s29 =	simm.s32 $0x8000;
	[sflag:s17] =	ssyncadd.s32 $0xFFFFD800  }
0x27: {  	[spmem:s1] =	stream.indirect.scatter.add.f32 [tilespmem:s15], [sflag:$0x3], $0x80, s29, s14, $0xb8;
	[tilespmem:$0x1F000] =	vst v63  }
0x28: {  	_ =	swait.ge [sflag:s12], $0x2800  }
0x29: {  	[sflag:s12] =	ssyncset.done $0x0  }
0x2a: {  	s30 =	simm.s32 $0x100;
	[sflag:s12] =	ssyncadd.s32 $0xFFFFD800  }
0x2b: {  	[tilespmem:s15], [sflag:$0x1] =	stream.indirect.gather [hbm4b:s4+s14], $0x80, s30, s14, $0xb8;
	[tilespmem:$0x1F000] =	vst v63  }
0x2c: {  	_ =	swait.ge [sflag:s18], $0x2800  }
0x2d: {  	[sflag:s18] =	ssyncset.done $0x0  }
0x2e: {  	s31 =	simm.s32 $0x8080;
	[sflag:s18] =	ssyncadd.s32 $0xFFFFD800  }
0x2f: {  	[spmem:s1] =	stream.indirect.scatter.add.f32 [tilespmem:s16], [sflag:$0x3], $0x80, s31, s14, $0xb8;
	[tilespmem:$0x1F000] =	vst v63  }
0x30: {  	_ =	swait.ge [sflag:s12], $0x2800  }
0x31: {  	s25 =	simm.s32 $0x800;
	s24 =	simm.s32 $0x100;
	[sflag:s12] =	ssyncset.done $0x0  }
.LBB2_2:
0x32: {  	s26 =	sadd.s32 $0x80, s24  }
0x33: {  	[sflag:s12] =	ssyncadd.s32 $0xFFFFD800;
	s28 =	smov.u32 s25;
	s29 =	sadd.s32 $0x400, s25  }
0x34: {  	[tilespmem:s16], [sflag:$0x2] =	stream.indirect.gather [hbm4b:s4+s14], $0x80, s26, s14, $0xb8;
	[tilespmem:$0x1F000] =	vst v63  }
0x35: {  	p1 =	sne.s32 s25, $0x1EC00;
	_ =	swait.ge [sflag:s17], $0x2800  }
0x36: {  	[sflag:s17] =	ssyncset.done $0x0  }
0x37: {  	s25 =	sadd.s32 $0x8000, s24;
	[sflag:s17] =	ssyncadd.s32 $0xFFFFD800  }
0x38: {  	[spmem:s1] =	stream.indirect.scatter.add.f32 [tilespmem:s15], [sflag:$0x3], $0x80, s25, s14, $0xb8;
	[tilespmem:$0x1F000] =	vst v63  }
0x39: {  	_ =	swait.ge [sflag:s12], $0x2800  }
0x3a: {  	[sflag:s12] =	ssyncset.done $0x0  }
0x3b: {  	s25 =	sadd.s32 $0x100, s24;
	[sflag:s12] =	ssyncadd.s32 $0xFFFFD800  }
0x3c: {  	[tilespmem:s15], [sflag:$0x1] =	stream.indirect.gather [hbm4b:s4+s14], $0x80, s25, s14, $0xb8;
	[tilespmem:$0x1F000] =	vst v63  }
0x3d: {  	_ =	swait.ge [sflag:s18], $0x2800  }
.Ltmp0:
0x3e: {  	[sflag:s18] =	ssyncset.done $0x0;
	(pc) =	sbr.rel @p1 .LBB2_2-.Ltmp0, $4  }
0x3f: {  	s24 =	sadd.s32 $0x8080, s24;
	[sflag:s18] =	ssyncadd.s32 $0xFFFFD800  }
0x40: {  	[spmem:s1] =	stream.indirect.scatter.add.f32 [tilespmem:s16], [sflag:$0x3], $0x80, s24, s14, $0xb8;
	[tilespmem:$0x1F000] =	vst v63  }
0x41: {  	_ =	swait.ge [sflag:s12], $0x2800  }
0x42: {  	s25 =	smov.u32 s29;
	s24 =	sshra.s32 s28, $0x2;
	[sflag:s12] =	ssyncset.done $0x0  }
0x43: {  	s25 =	sadd.s32 $0x80, s24;
	[sflag:s12] =	ssyncadd.s32 $0xFFFFD800  }
0x44: {  	[tilespmem:s16], [sflag:$0x2] =	stream.indirect.gather [hbm4b:s4+s14], $0x80, s25, s14, $0xb8;
	[tilespmem:$0x1F000] =	vst v63  }
0x45: {  	_ =	swait.ge [sflag:s17], $0x2800  }
0x46: {  	[sflag:s17] =	ssyncset.done $0x0  }
0x47: {  	s29 =	sadd.s32 $0x8000, s24;
	[sflag:s17] =	ssyncadd.s32 $0xFFFFD800  }
0x48: {  	[spmem:s1] =	stream.indirect.scatter.add.f32 [tilespmem:s15], [sflag:$0x3], $0x80, s29, s14, $0xb8;
	[tilespmem:$0x1F000] =	vst v63  }
0x49: {  	_ =	swait.ge [sflag:s12], $0x2800  }
0x4a: {  	[sflag:s12] =	ssyncset.done $0x0  }
0x4b: {  	s30 =	sadd.s32 $0x100, s24;
	[sflag:s12] =	ssyncadd.s32 $0xFFFFD800  }
0x4c: {  	[tilespmem:s15], [sflag:$0x1] =	stream.indirect.gather [hbm4b:s4+s14], $0x80, s30, s14, $0xb8;
	[tilespmem:$0x1F000] =	vst v63  }
0x4d: {  	_ =	swait.ge [sflag:s18], $0x2800  }
0x4e: {  	[sflag:s18] =	ssyncset.done $0x0  }
0x4f: {  	s31 =	sadd.s32 $0x8080, s24;
	[sflag:s18] =	ssyncadd.s32 $0xFFFFD800  }
0x50: {  	[spmem:s1] =	stream.indirect.scatter.add.f32 [tilespmem:s16], [sflag:$0x3], $0x80, s31, s14, $0xb8;
	[tilespmem:$0x1F000] =	vst v63  }
0x51: {  	_ =	swait.ge [sflag:s12], $0x2800  }
0x52: {  	[sflag:s12] =	ssyncset.done $0x0  }
0x53: {  	[sflag:s12] =	ssyncadd.s32 $0xFFFFD800  }
0x54: {  	[tilespmem:s16], [sflag:$0x2] =	stream.indirect.gather [hbm4b:s4+s14], $0x80, s19, s14, $0xb8;
	[tilespmem:$0x1F000] =	vst v63  }
0x55: {  	_ =	swait.ge [sflag:s17], $0x2800  }
0x56: {  	[sflag:s17] =	ssyncset.done $0x0  }
0x57: {  	[sflag:s17] =	ssyncadd.s32 $0xFFFFD800  }
0x58: {  	[spmem:s1] =	stream.indirect.scatter.add.f32 [tilespmem:s15], [sflag:$0x3], $0x80, s20, s14, $0xb8;
	[tilespmem:$0x1F000] =	vst v63  }
0x59: {  	_ =	swait.ge [sflag:s12], $0x2800  }
0x5a: {  	[sflag:s12] =	ssyncset.done $0x0  }
0x5b: {  	[sflag:s12] =	ssyncadd.s32 $0xFFFFD800  }
0x5c: {  	_ =	swait.ge [sflag:s18], $0x2800  }
0x5d: {  	[sflag:s18] =	ssyncset.done $0x0  }
0x5e: {  	[sflag:s18] =	ssyncadd.s32 $0xFFFFD800  }
0x5f: {  	[spmem:s1] =	stream.indirect.scatter.add.f32 [tilespmem:s16], [sflag:$0x3], $0x80, s21, s14, $0xb8;
	[tilespmem:$0x1F000] =	vst v63  }
0x60: {  	_ =	swait.ge [sflag:s12], $0x2800  }
0x61: {  	s23 =	sadd.s32 $0x1, s23;
	[sflag:s12] =	ssyncset.done $0x0  }
0x62: {  	p1 =	sne.s32 s23, s10;
	[sflag:s12] =	ssyncadd.s32 $0xFFFFD800  }
.Ltmp1:
0x63: {  	s24 =	simm.s32 @!p0 $0x3;
	[bflag:$0x0] =	sbarrier.arrive $0xFFFF;
	(pc) =	sbr.rel @p1 .LBB2_1-.Ltmp1, $4  }
0x64: {  	[hbm:s9], [sflag:s6] =	dma.local @!p0 [spmem:s22], $0x2780  }
0x65: {  	_ =	swait.ge @!p0 [sflag:s24], $0x2780  }
0x66: {  	[sflag:s24] =	ssyncset.done @!p0 $0x0  }
0x67: {  	[sflag:s24] =	ssyncadd.s32 @!p0 $0xFFFFD880  }
0x68: {  	_ =	sfence.sel $0x180000  }
0x69: {  	[bflag:$0x0] =	sbarrier.arrive $0xFFFF  }
0x6a: {  	p0 =	sne.s32 s2, $0x0;
	_ =	strace $0x9000004D  }
0x6b: {  	s0 =	sadd.s32 @!p0 $0x100000, s0;
	[bflag:$0x2] =	sbarrier.arrive $0xFFFF  }
0x6c: {  	[sflag:s0] =	ssyncadd.tile.s32 @!p0 $0x1;
	_ =	shalt  }
.Lfunc_end2:
_tile_overlayer_lowered:
.L_overlay_start_2:
0x6d: {  	(tag) =	ssettag $0x2  }
0x6e: {  	s0 =	rddreg [dreg:$0x0];
	s2 =	stileid.u32  }
0x6f: {  	s1 =	rddreg [dreg:$0x1];
	p0 =	sne.s32 s2, $0x0  }
0x70: {  	s3 =	rddreg [dreg:$0x2];
	[bflag:$0x3] =	sbarrier.arrive $0xFFFF;
	s2 =	simm.s32 @!p0 $0x1C03  }
0x71: {  	[timem:s3], [sflag:s2] =	dma.local @!p0 [hbm:s0], s1  }
0x72: {  	s0 =	simm.s32 @!p0 $0x3  }
0x73: {  	_ =	swait.ge @!p0 [sflag:s0], s1  }
0x74: {  	s1 =	ssub.s32 @!p0 $0x0, s1;
	[sflag:s0] =	ssyncset.done @!p0 $0x0  }
0x75: {  	[sflag:s0] =	ssyncadd.s32 @!p0 s1  }
0x76: {  	[bflag:$0x3] =	sbarrier.arrive $0xFFFF  }
0x77: {  	_ =	shalt  }

// kernel: kernel.19.cloned.1.call-start
scs
__scs_entry_jumppad:
0x0: {  	(pc) =	sbr.rel $0x88, $3  }
0x1: {  	(tag) =	ssettag $0x0;
	lr =	simm.s32 $0x1  }
0x2: {  	[smem:$0x3F99] =	sst lr;
	_ =	strace $0xD0000000  }
0x3: {  	_ = 	snop  }
0x4: {  	_ = 	snop  }
0x5: {  	_ = 	snop  }
0x6: {  	_ = 	snop  }
0x7: {  	_ = 	snop  }
__scs_overlays_trampoline_lowered:
0x8: {  	[smem:$0x3FA8] =	sst s0  }
0x9: {  	[smem:$0x3FA9] =	sst s1  }
0xa: {  	[smem:$0x3FAA] =	sst s2  }
0xb: {  	[smem:$0x3FAB] =	sst s3  }
0xc: {  	[smem:$0x3FAC] =	sst s4  }
0xd: {  	[smem:$0x3FAD] =	sst s5  }
0xe: {  	[smem:$0x3FAE] =	sst s6  }
0xf: {  	[smem:$0x3FAF] =	sst s7  }
0x10: {  	[smem:$0x3FB0] =	sst s8  }
0x11: {  	[smem:$0x3FB1] =	sst s9;
	s0 =	simm.s32 @!p0 $0x0  }
0x12: {  	s1 =	sld [smem:$0x3F97];
	s0 =	simm.s32 @p0 $0x1  }
0x13: {  	[smem:$0x3FB2] =	sst s0;
	s0 =	simm.s32 @!p1 $0x0  }
0x14: {  	s2 =	sld [smem:$0x3F96];
	s0 =	simm.s32 @p1 $0x1  }
0x15: {  	[smem:$0x3FB3] =	sst s0;
	s0 =	simm.s32 @!p2 $0x0  }
0x16: {  	s3 =	sld [smem:$0x3FDB];
	s0 =	simm.s32 @p2 $0x1  }
0x17: {  	s4 =	simm.s32 $0x1BF5;
	[smem:$0x3FB5] =	sst s0  }
0x18: {  	s0 =	sld [smem:$0x3F98];
	_ =	swait.ge [sflag:s4], $0x0  }
0x19: {  	s7 =	sld [smem:$0x3F99]  }
0x1a: {  	s8 =	sadd.s32 $0xFFFFE003, lr  }
0x1b: {  	s9 =	sadd.s32 $0xFFFFFEF7, lr;
	s5 =	simm.s32 $0xFFFFFFFF;
	p2 =	slt.u32 s8, $0xFFFFF086  }
0x1c: {  	p1 =	slt.u32 s9, $0xF7A;
	s5 =	simm.s32 @!p2 $0x0  }
0x1d: {  	s5 =	simm.s32 @p1 $0x1;
	p0 =	seq.s32 s7, s2  }
0x1e: {  	s7 =	smul.u32 @!p0 $0xF7A, s2;
	p2 =	seq.s32 @!p0 s5, $0x0  }
0x1f: {  	s9 =	smul.u32 $0xF7A, s1;
	s8 =	simm.s32 @!p0 $0x1BF5;
	p2 =	por !p2, p0  }
0x20: {  	[sflag:s8] =	ssyncset.s32 @!p0 $0xFFFFF086;
	s6 =	sadd.s32 @!p0 s3, s7;
	s7 =	simm.s32 @!p0 $0x108  }
0x21: {  	s3 =	sadd.s32 s3, s9;
	s6 =	sadd.s32 @!p0 $0x88, s6;
	s7 =	simm.s32 @p2 $0x1082  }
0x22: {  	[simem:s7], [sflag:s8] =	dma.local @!p0 [hbm:s6], $0xF7A  }
0x23: {  	s9 =	sor.u32 $0xD0000000, s2;
	s6 =	simm.s32 $0x108;
	_ =	swait.ge @!p0 [sflag:s8], $0x0  }
0x24: {  	s3 =	sadd.s32 $0x88, s3;
	s6 =	simm.s32 @!p1 $0x1082;
	[sflag:s4] =	ssyncset.s32 $0xFFFFF086  }
0x25: {  	[simem:s6], [sflag:s4] =	dma.local [hbm:s3], $0xF7A  }
0x26: {  	[smem:$0x3F99] =	sst s1;
	(tag) =	ssettag s2;
	_ =	strace s9  }
0x27: {  	s1 =	sld [smem:$0x3FA9]  }
0x28: {  	s2 =	sld [smem:$0x3FAA]  }
0x29: {  	s4 =	sld [smem:$0x3FAC]  }
0x2a: {  	p0 =	seq.s32 s5, $0x0;
	s5 =	sld [smem:$0x3FAD]  }
0x2b: {  	s6 =	sld [smem:$0x3FAE]  }
0x2c: {  	s7 =	sld [smem:$0x3FAF]  }
0x2d: {  	s3 =	simm.s32 $0x108;
	s8 =	sld [smem:$0x3FB0]  }
0x2e: {  	s3 =	simm.s32 @!p0 $0x1082;
	s9 =	sld [smem:$0x3FB1]  }
0x2f: {  	lr =	sadd.s32 s0, s3;
	s0 =	sld [smem:$0x3FA8]  }
0x30: {  	s3 =	sld [smem:$0x3FAB]  }
0x31: {  	[smem:$0x3FB4] =	sst s10  }
0x32: {  	s10 =	sld [smem:$0x3FB2];
	_ =	sdelay $0x3  }
0x33: {  	p0 =	seq.s32 s10, $0x1;
	s10 =	sld [smem:$0x3FB4];
	_ =	sdelay $0x3  }
0x34: {  	[smem:$0x3FB4] =	sst s10  }
0x35: {  	s10 =	sld [smem:$0x3FB3];
	_ =	sdelay $0x3  }
0x36: {  	p1 =	seq.s32 s10, $0x1;
	s10 =	sld [smem:$0x3FB4];
	_ =	sdelay $0x3  }
0x37: {  	[smem:$0x3FB4] =	sst s10  }
0x38: {  	s10 =	sld [smem:$0x3FB5]  }
0x39: {  	_ = 	snop;
	(pc) =	sbr.ind lr, $3  }
0x3a: {  	_ = 	snop  }
0x3b: {  	_ = 	snop  }
0x3c: {  	p2 =	seq.s32 s10, $0x1;
	s10 =	sld [smem:$0x3FB4]  }
0x3d: {  	_ =	shalt  }
0x3e: {  	_ =	shalt  }
0x3f: {  	_ =	shalt  }
0x40: {  	_ =	shalt  }
0x41: {  	_ =	shalt  }
0x42: {  	_ =	shalt  }
0x43: {  	_ =	shalt  }
0x44: {  	_ =	shalt  }
0x45: {  	_ =	shalt  }
0x46: {  	_ =	shalt  }
0x47: {  	_ =	shalt  }
0x48: {  	_ =	shalt  }
0x49: {  	_ =	shalt  }
0x4a: {  	_ =	shalt  }
0x4b: {  	_ =	shalt  }
0x4c: {  	_ =	shalt  }
0x4d: {  	_ =	shalt  }
0x4e: {  	_ =	shalt  }
0x4f: {  	_ =	shalt  }
0x50: {  	_ =	shalt  }
0x51: {  	_ =	shalt  }
0x52: {  	_ =	shalt  }
0x53: {  	_ =	shalt  }
0x54: {  	_ =	shalt  }
0x55: {  	_ =	shalt  }
0x56: {  	_ =	shalt  }
0x57: {  	_ =	shalt  }
0x58: {  	_ =	shalt  }
0x59: {  	_ =	shalt  }
0x5a: {  	_ =	shalt  }
0x5b: {  	_ =	shalt  }
0x5c: {  	_ =	shalt  }
0x5d: {  	_ =	shalt  }
0x5e: {  	_ =	shalt  }
0x5f: {  	_ =	shalt  }
0x60: {  	_ =	shalt  }
0x61: {  	_ =	shalt  }
0x62: {  	_ =	shalt  }
0x63: {  	_ =	shalt  }
0x64: {  	_ =	shalt  }
0x65: {  	_ =	shalt  }
0x66: {  	_ =	shalt  }
0x67: {  	_ =	shalt  }
0x68: {  	_ =	shalt  }
0x69: {  	_ =	shalt  }
0x6a: {  	_ =	shalt  }
0x6b: {  	_ =	shalt  }
0x6c: {  	_ =	shalt  }
0x6d: {  	_ =	shalt  }
0x6e: {  	_ =	shalt  }
0x6f: {  	_ =	shalt  }
0x70: {  	_ =	shalt  }
0x71: {  	_ =	shalt  }
0x72: {  	_ =	shalt  }
0x73: {  	_ =	shalt  }
0x74: {  	_ =	shalt  }
0x75: {  	_ =	shalt  }
0x76: {  	_ =	shalt  }
0x77: {  	_ =	shalt  }
0x78: {  	_ =	shalt  }
0x79: {  	_ =	shalt  }
0x7a: {  	_ =	shalt  }
0x7b: {  	_ =	shalt  }
0x7c: {  	_ =	shalt  }
0x7d: {  	_ =	shalt  }
0x7e: {  	_ =	shalt  }
0x7f: {  	_ =	shalt  }
0x80: {  	_ =	shalt  }
0x81: {  	_ =	shalt  }
0x82: {  	_ =	shalt  }
0x83: {  	_ =	shalt  }
0x84: {  	_ =	shalt  }
0x85: {  	_ =	shalt  }
0x86: {  	_ =	shalt  }
0x87: {  	_ =	shalt  }
.Lfunc_end0:
.L_simem_size_0:
called_computation.3_lowered:
.L_overlay_start_0:
0x88: {  	s2 =	sld [smem:$0x3FD9]  }
0x89: {  	s3 =	sld [smem:$0x3FFE];
	_ =	sdelay $0x1  }
0x8a: {  	s1 =	srdreg.scid  }
0x8b: {  	s0 =	sand.u32 $0x1, s1  }
0x8c: {  	s17 =	sshll.u32 s0, $0xA;
	s2 =	sadd.s32 s3, s2  }
0x8d: {  	s2 =	sadd.s32 s2, s17  }
0x8e: {  	[smem:$0x3FC0] =	sst s2  }
0x8f: {  	_ = 	snop  }
0x90: {  	s2 =	sld [smem:$0x3FD0];
	(tm) =	ssettm $0x1  }
0x91: {  	s18 =	sld [smem:$0x3FFB];
	_ =	sdelay $0x3  }
0x92: {  	_ =	strace s18  }
0x93: {  	s3 =	sld [smem:$0x3FFC];
	_ =	sdelay $0x3  }
0x94: {  	_ =	strace s3  }
0x95: {  	s3 =	sld [smem:$0x3FFD];
	_ =	sdelay $0x3  }
0x96: {  	_ =	strace s3  }
0x97: {  	_ =	strace $0x8FFFFFFF  }
0x98: {  	s19 =	sld [smem:$0x3FDB];
	_ =	sdelay $0x1  }
0x99: {  	s4 =	simm.s32 $_scs_section_size  }
0x9a: {  	s5 =	simm.s32 $_size__tile_overlayer_lowered;
	s6 =	simm.s32 $_tile_overlayer_lowered  }
0x9b: {  	s22 =	simm.s32 $0x1BFF;
	s21 =	sshll.u32 s6, $0x1;
	s3 =	sadd.s32 s4, s19  }
0x9c: {  	s7 =	simm.s32 $0x0;
	s20 =	sshll.u32 s5, $0x1;
	s5 =	sadd.s32 s21, s3  }
0x9d: {  	[timem:s7], [sflag:s22] =	dma.local [hbm:s5], s20  }
0x9e: {  	_ =	swait.ge [sflag:s22], s20  }
0x9f: {  	s4 =	ssub.s32 $0x0, s20;
	[sflag:s22] =	ssyncset.done $0x0  }
0xa0: {  	[sflag:s22] =	ssyncadd.s32 s4;
	_ =	sdelay $0x1  }
0xa1: {  	s23 =	simm.s32 $0x1B8B  }
0xa2: {  	_ =	swait.ge [sflag:s23], $0x1  }
0xa3: {  	[sflag:s23] =	ssyncset.done $0x0  }
0xa4: {  	s25 =	simm.s32 $0x1B8E;
	s24 =	sld [smem:$0x3FFE];
	[sflag:s23] =	ssyncadd.s32 $0xFFFFFFFF  }
0xa5: {  	s26 =	simm.s32 $execute0_lowered;
	[smem:$0x3FD2] =	sst s25  }
0xa6: {  	s5 =	sshll.u32 s26, $0x1;
	_ =	strace $0x8000004F;
	[dreg:$0x1] =	wrdreg $0xFFFFFFFF  }
0xa7: {  	s28 =	simm.s32 $_size_execute0_lowered;
	s3 =	sadd.s32 s3, s5;
	[dreg:$0x0] =	wrdreg $0x0  }
0xa8: {  	s5 =	sshll.u32 s28, $0x1;
	[dreg:$0x2] =	wrdreg s3  }
0xa9: {  	[dreg:$0x3] =	wrdreg s5  }
0xaa: {  	[dreg:$0x4] =	wrdreg $0xC0  }
0xab: {  	_ =	task [dreg:s7], $0x5FFFF  }
0xac: {  	[dreg:$0x1] =	wrdreg $0xFFFFFFFF  }
0xad: {  	[dreg:$0x0] =	wrdreg $0x60  }
0xae: {  	[dreg:$0x2] =	wrdreg s24  }
0xaf: {  	[dreg:$0x3] =	wrdreg s2  }
0xb0: {  	[dreg:$0x4] =	wrdreg $0x150000  }
0xb1: {  	[dreg:$0x5] =	wrdreg $0x9  }
0xb2: {  	_ =	task.clear_ibuf [dreg:s7], $0x6FFFF;
	_ =	strace $0x9000004F  }
0xb3: {  	s29 =	simm.s32 $0x9;
	_ =	strace $0x80000051  }
0xb4: {  	_ =	swait.ge [sflag:s29], $0x1  }
0xb5: {  	[sflag:s29] =	ssyncadd.s32 $0xFFFFFFFF  }
0xb6: {  	_ =	strace $0x90000051  }
0xb7: {  	_ =	sfence  }
0xb8: {  	s30 =	sld [smem:$0x0];
	_ =	sdelay $0x2  }
0xb9: {  	s31 =	sshll.u32 s1, $0xD;
	s1 =	sshrl.u32 s1, $0x2  }
0xba: {  	s3 =	sand.u32 $0x4000, s31;
	s1 =	sadd.s32 s1, s30  }
0xbb: {  	s0 =	sor.u32 s3, s0;
	s1 =	sshll.u32 s1, $0x11  }
0xbc: {  	s0 =	sor.u32 s1, s0  }
0xbd: {  	s0 =	sadd.s32 $0x8F2B, s0  }
0xbe: {  	[sflag:s0] =	ssyncadd.remote.s32 $0x1  }
0xbf: {  	_ =	sfence.sel $0xFFFF  }
0xc0: {  	[dreg:$0x0] =	wrdreg $0xFFFFFFFF;
	(pc) =	sbr.abs _section_cstart, $3  }
0xc1: {  	[dreg:$0x1] =	wrdreg $0xFFFFFFFF  }
0xc2: {  	_ =	task.clear_ibuf [dreg:s7], $0x2FFFF;
	_ =	strace $0x9FFFFFFF  }
0xc3: {  	(tm) =	ssettm $0x7FFFFFFF  }
tec
execute0_lowered:
.L_overlay_start_1:
0x0: {  	(tag) =	ssettag $0x1  }
0x1: {  	s6 =	rddreg [dreg:$0x0]  }
0x2: {  	s8 =	rddreg [dreg:$0x1]  }
0x3: {  	s1 =	rddreg [dreg:$0x2]  }
0x4: {  	s0 =	rddreg [dreg:$0x3]  }
0x5: {  	s3 =	simm.s32 $0x0;
	s2 =	srdreg.scid;
	s16 =	simm.s32 $0x12800  }
0x6: {  	s17 =	simm.s32 $0x1;
	s18 =	simm.s32 $0x2;
	s19 =	simm.s32 $0x7C80  }
0x7: {  	s20 =	simm.s32 $0xFC00;
	s21 =	simm.s32 $0xFC80;
	s9 =	sand.u32 $0x1, s2  }
0x8: {  	s23 =	simm.s32 $0x0;
	s2 =	stileid.u32;
	s5 =	smul.u32 $0x13C00, s9  }
0x9: {  	[smem:$0x7FF] =	sst s3;
	s4 =	sadd.s32 $0x3E00, s6;
	s7 =	smul.u32 $0x2780, s2  }
0xa: {  	_ =	strace $0x80000050;
	s10 =	sshll.u32 s2, $0xC;
	s14 =	smul.u32 $0x28000, s2  }
0xb: {  	s12 =	ssub.s32 $0x2, s9;
	s29 =	sshll.u32 s2, $0x6;
	s30 =	smul.u32 $0x4F000, s2  }
0xc: {  	s9 =	sshll.u32 s9, $0x10;
	p0 =	sgt.u32 s2, $0x7;
	s11 =	sadd.s32 s10, s6  }
0xd: {  	s13 =	sshrl.u32 s12, $0x1;
	s8 =	sadd.s32 s8, s10;
	s7 =	sadd.s32 s7, s5  }
0xe: {  	s5 =	sadd.s32 $0x2B600, s6;
	s12 =	ssub.s32 s12, s13;
	s28 =	sshrl.u32 s14, $0x2  }
0xf: {  	s31 =	sshrl.u32 s30, $0x2;
	s8 =	sadd.s32 s9, s8;
	s13 =	simm.s32 $0x8000  }
0x10: {  	s15 =	sadd.s32 s7, s6;
	s14 =	sadd.s32 s28, s1;
	s6 =	sor.u32 $0x1C03, s29  }
0x11: {  	s7 =	sadd.s32 $0x65600, s11;
	s22 =	sadd.s32 s31, s1;
	s10 =	smax.u32 s12, $0x1  }
0x12: {  	s12 =	simm.s32 $0x3;
	s9 =	sadd.s32 $0x75600, s15;
	s11 =	sshrl.u32 s14, $0x3  }
0x13: {  	s14 =	simm.s32 $0x50;
	s15 =	simm.s32 $0x10000;
	s22 =	sshrl.u32 @!p0 s22, $0x3  }
.LBB2_1:
0x14: {  	[spmem:s11], [sflag:s6] =	dma.local [hbm:s5], $0x1400  }
0x15: {  	_ =	swait.ge [sflag:s12], $0x1400  }
0x16: {  	[sflag:s12] =	ssyncset.done $0x0  }
0x17: {  	[sflag:s12] =	ssyncadd.s32 $0xFFFFEC00  }
0x18: {  	[tilespmem:s3], [sflag:$0x3] =	stream.linear.gather [hbm4b:s7+s3], $0x7D00, $0x38;
	[tilespmem:$0x1F000] =	vst v63  }
0x19: {  	_ =	swait.ge [sflag:s12], $0x7D00  }
0x1a: {  	[sflag:s12] =	ssyncset.done $0x0  }
0x1b: {  	[sflag:s12] =	ssyncadd.s32 $0xFFFF8300  }
0x1c: {  	[tilespmem:s13], [sflag:$0x3] =	stream.linear.gather [hbm4b:s8+s3], $0x7D00, $0x38;
	[tilespmem:$0x1F000] =	vst v63  }
0x1d: {  	_ =	swait.ge [sflag:s12], $0x7D00  }
0x1e: {  	[sflag:s12] =	ssyncset.done $0x0  }
0x1f: {  	[sflag:s12] =	ssyncadd.s32 $0xFFFF8300  }
0x20: {  	[bflag:$0x0] =	sbarrier.arrive $0xFFFF  }
0x21: {  	[tilespmem:s15], [sflag:$0x1] =	stream.indirect.gather [hbm4b:s4+s14], $0x80, s3, s14, $0xb8;
	[tilespmem:$0x1F000] =	vst v63  }
0x22: {  	s24 =	simm.s32 $0x80  }
0x23: {  	[tilespmem:s16], [sflag:$0x2] =	stream.indirect.gather [hbm4b:s4+s14], $0x80, s24, s14, $0xb8;
	[tilespmem:$0x1F000] =	vst v63  }
0x24: {  	_ =	swait.ge [sflag:s17], $0x2800  }
0x25: {  	[sflag:s17] =	ssyncset.done $0x0  }
0x26: {  	s29 =	simm.s32 $0x8000;
	[sflag:s17] =	ssyncadd.s32 $0xFFFFD800  }
0x27: {  	[spmem:s1] =	stream.indirect.scatter.add.f32 [tilespmem:s15], [sflag:$0x3], $0x80, s29, s14, $0xb8;
	[tilespmem:$0x1F000] =	vst v63  }
0x28: {  	_ =	swait.ge [sflag:s12], $0x2800  }
0x29: {  	[sflag:s12] =	ssyncset.done $0x0  }
0x2a: {  	s30 =	simm.s32 $0x100;
	[sflag:s12] =	ssyncadd.s32 $0xFFFFD800  }
0x2b: {  	[tilespmem:s15], [sflag:$0x1] =	stream.indirect.gather [hbm4b:s4+s14], $0x80, s30, s14, $0xb8;
	[tilespmem:$0x1F000] =	vst v63  }
0x2c: {  	_ =	swait.ge [sflag:s18], $0x2800  }
0x2d: {  	[sflag:s18] =	ssyncset.done $0x0  }
0x2e: {  	s31 =	simm.s32 $0x8080;
	[sflag:s18] =	ssyncadd.s32 $0xFFFFD800  }
0x2f: {  	[spmem:s1] =	stream.indirect.scatter.add.f32 [tilespmem:s16], [sflag:$0x3], $0x80, s31, s14, $0xb8;
	[tilespmem:$0x1F000] =	vst v63  }
0x30: {  	_ =	swait.ge [sflag:s12], $0x2800  }
0x31: {  	s25 =	simm.s32 $0x800;
	s24 =	simm.s32 $0x100;
	[sflag:s12] =	ssyncset.done $0x0  }
.LBB2_2:
0x32: {  	s26 =	sadd.s32 $0x80, s24  }
0x33: {  	[sflag:s12] =	ssyncadd.s32 $0xFFFFD800;
	s28 =	smov.u32 s25;
	s29 =	sadd.s32 $0x400, s25  }
0x34: {  	[tilespmem:s16], [sflag:$0x2] =	stream.indirect.gather [hbm4b:s4+s14], $0x80, s26, s14, $0xb8;
	[tilespmem:$0x1F000] =	vst v63  }
0x35: {  	p1 =	sne.s32 s25, $0x1EC00;
	_ =	swait.ge [sflag:s17], $0x2800  }
0x36: {  	[sflag:s17] =	ssyncset.done $0x0  }
0x37: {  	s25 =	sadd.s32 $0x8000, s24;
	[sflag:s17] =	ssyncadd.s32 $0xFFFFD800  }
0x38: {  	[spmem:s1] =	stream.indirect.scatter.add.f32 [tilespmem:s15], [sflag:$0x3], $0x80, s25, s14, $0xb8;
	[tilespmem:$0x1F000] =	vst v63  }
0x39: {  	_ =	swait.ge [sflag:s12], $0x2800  }
0x3a: {  	[sflag:s12] =	ssyncset.done $0x0  }
0x3b: {  	s25 =	sadd.s32 $0x100, s24;
	[sflag:s12] =	ssyncadd.s32 $0xFFFFD800  }
0x3c: {  	[tilespmem:s15], [sflag:$0x1] =	stream.indirect.gather [hbm4b:s4+s14], $0x80, s25, s14, $0xb8;
	[tilespmem:$0x1F000] =	vst v63  }
0x3d: {  	_ =	swait.ge [sflag:s18], $0x2800  }
.Ltmp0:
0x3e: {  	[sflag:s18] =	ssyncset.done $0x0;
	(pc) =	sbr.rel @p1 .LBB2_2-.Ltmp0, $4  }
0x3f: {  	s24 =	sadd.s32 $0x8080, s24;
	[sflag:s18] =	ssyncadd.s32 $0xFFFFD800  }
0x40: {  	[spmem:s1] =	stream.indirect.scatter.add.f32 [tilespmem:s16], [sflag:$0x3], $0x80, s24, s14, $0xb8;
	[tilespmem:$0x1F000] =	vst v63  }
0x41: {  	_ =	swait.ge [sflag:s12], $0x2800  }
0x42: {  	s25 =	smov.u32 s29;
	s24 =	sshra.s32 s28, $0x2;
	[sflag:s12] =	ssyncset.done $0x0  }
0x43: {  	s25 =	sadd.s32 $0x80, s24;
	[sflag:s12] =	ssyncadd.s32 $0xFFFFD800  }
0x44: {  	[tilespmem:s16], [sflag:$0x2] =	stream.indirect.gather [hbm4b:s4+s14], $0x80, s25, s14, $0xb8;
	[tilespmem:$0x1F000] =	vst v63  }
0x45: {  	_ =	swait.ge [sflag:s17], $0x2800  }
0x46: {  	[sflag:s17] =	ssyncset.done $0x0  }
0x47: {  	s29 =	sadd.s32 $0x8000, s24;
	[sflag:s17] =	ssyncadd.s32 $0xFFFFD800  }
0x48: {  	[spmem:s1] =	stream.indirect.scatter.add.f32 [tilespmem:s15], [sflag:$0x3], $0x80, s29, s14, $0xb8;
	[tilespmem:$0x1F000] =	vst v63  }
0x49: {  	_ =	swait.ge [sflag:s12], $0x2800  }
0x4a: {  	[sflag:s12] =	ssyncset.done $0x0  }
0x4b: {  	s30 =	sadd.s32 $0x100, s24;
	[sflag:s12] =	ssyncadd.s32 $0xFFFFD800  }
0x4c: {  	[tilespmem:s15], [sflag:$0x1] =	stream.indirect.gather [hbm4b:s4+s14], $0x80, s30, s14, $0xb8;
	[tilespmem:$0x1F000] =	vst v63  }
0x4d: {  	_ =	swait.ge [sflag:s18], $0x2800  }
0x4e: {  	[sflag:s18] =	ssyncset.done $0x0  }
0x4f: {  	s31 =	sadd.s32 $0x8080, s24;
	[sflag:s18] =	ssyncadd.s32 $0xFFFFD800  }
0x50: {  	[spmem:s1] =	stream.indirect.scatter.add.f32 [tilespmem:s16], [sflag:$0x3], $0x80, s31, s14, $0xb8;
	[tilespmem:$0x1F000] =	vst v63  }
0x51: {  	_ =	swait.ge [sflag:s12], $0x2800  }
0x52: {  	[sflag:s12] =	ssyncset.done $0x0  }
0x53: {  	[sflag:s12] =	ssyncadd.s32 $0xFFFFD800  }
0x54: {  	[tilespmem:s16], [sflag:$0x2] =	stream.indirect.gather [hbm4b:s4+s14], $0x80, s19, s14, $0xb8;
	[tilespmem:$0x1F000] =	vst v63  }
0x55: {  	_ =	swait.ge [sflag:s17], $0x2800  }
0x56: {  	[sflag:s17] =	ssyncset.done $0x0  }
0x57: {  	[sflag:s17] =	ssyncadd.s32 $0xFFFFD800  }
0x58: {  	[spmem:s1] =	stream.indirect.scatter.add.f32 [tilespmem:s15], [sflag:$0x3], $0x80, s20, s14, $0xb8;
	[tilespmem:$0x1F000] =	vst v63  }
0x59: {  	_ =	swait.ge [sflag:s12], $0x2800  }
0x5a: {  	[sflag:s12] =	ssyncset.done $0x0  }
0x5b: {  	[sflag:s12] =	ssyncadd.s32 $0xFFFFD800  }
0x5c: {  	_ =	swait.ge [sflag:s18], $0x2800  }
0x5d: {  	[sflag:s18] =	ssyncset.done $0x0  }
0x5e: {  	[sflag:s18] =	ssyncadd.s32 $0xFFFFD800  }
0x5f: {  	[spmem:s1] =	stream.indirect.scatter.add.f32 [tilespmem:s16], [sflag:$0x3], $0x80, s21, s14, $0xb8;
	[tilespmem:$0x1F000] =	vst v63  }
0x60: {  	_ =	swait.ge [sflag:s12], $0x2800  }
0x61: {  	s23 =	sadd.s32 $0x1, s23;
	[sflag:s12] =	ssyncset.done $0x0  }
0x62: {  	p1 =	sne.s32 s23, s10;
	[sflag:s12] =	ssyncadd.s32 $0xFFFFD800  }
.Ltmp1:
0x63: {  	s24 =	simm.s32 @!p0 $0x3;
	[bflag:$0x0] =	sbarrier.arrive $0xFFFF;
	(pc) =	sbr.rel @p1 .LBB2_1-.Ltmp1, $4  }
0x64: {  	[hbm:s9], [sflag:s6] =	dma.local @!p0 [spmem:s22], $0x2780  }
0x65: {  	_ =	swait.ge @!p0 [sflag:s24], $0x2780  }
0x66: {  	[sflag:s24] =	ssyncset.done @!p0 $0x0  }
0x67: {  	[sflag:s24] =	ssyncadd.s32 @!p0 $0xFFFFD880  }
0x68: {  	_ =	sfence.sel $0x180000  }
0x69: {  	[bflag:$0x0] =	sbarrier.arrive $0xFFFF  }
0x6a: {  	p0 =	sne.s32 s2, $0x0;
	_ =	strace $0x90000050  }
0x6b: {  	s0 =	sadd.s32 @!p0 $0x100000, s0;
	[bflag:$0x2] =	sbarrier.arrive $0xFFFF  }
0x6c: {  	[sflag:s0] =	ssyncadd.tile.s32 @!p0 $0x1;
	_ =	shalt  }
.Lfunc_end2:
_tile_overlayer_lowered:
.L_overlay_start_2:
0x6d: {  	(tag) =	ssettag $0x2  }
0x6e: {  	s0 =	rddreg [dreg:$0x0];
	s2 =	stileid.u32  }
0x6f: {  	s1 =	rddreg [dreg:$0x1];
	p0 =	sne.s32 s2, $0x0  }
0x70: {  	s3 =	rddreg [dreg:$0x2];
	[bflag:$0x3] =	sbarrier.arrive $0xFFFF;
	s2 =	simm.s32 @!p0 $0x1C03  }
0x71: {  	[timem:s3], [sflag:s2] =	dma.local @!p0 [hbm:s0], s1  }
0x72: {  	s0 =	simm.s32 @!p0 $0x3  }
0x73: {  	_ =	swait.ge @!p0 [sflag:s0], s1  }
0x74: {  	s1 =	ssub.s32 @!p0 $0x0, s1;
	[sflag:s0] =	ssyncset.done @!p0 $0x0  }
0x75: {  	[sflag:s0] =	ssyncadd.s32 @!p0 s1  }
0x76: {  	[bflag:$0x3] =	sbarrier.arrive $0xFFFF  }
0x77: {  	_ =	shalt  }

</sc_bundles>
